<compile_context>
chip_gen: v7x
topology: tpu7x:2x2x1
jax: 0.10.2.dev20260603
libtpu: 0.0.44.dev20260713+nightly
codegen_flags: <defaults>
</compile_context>

<pallas_src>
import functools

import jax
import jax.numpy as jnp
from jax import lax
from jax.experimental import pallas as pl
from jax.experimental.pallas import tpu as pltpu
from jax.experimental.pallas import tpu_sc as plsc

D = 48
F = 19
N = 20000
NPAD = 20480
CH = 2048
NCHUNK = NPAD // CH
NVOX = D * D * D


def _bin_body(xyz_ref, feat_ref, vb_ref, w_ref):
    x = xyz_ref[0:1, :]
    y = xyz_ref[1:2, :]
    z = xyz_ref[2:3, :]
    m = (x != 0.0) & (y != 0.0) & (z != 0.0)

    def bin1(v):
        mn = jnp.min(jnp.where(m, v, jnp.inf), axis=1, keepdims=True)
        mx = jnp.max(jnp.where(m, v, -jnp.inf), axis=1, keepdims=True)
        c = jnp.floor((v - mn) / (mx - mn) * (D - 1)).astype(jnp.int32)
        return jnp.clip(c, 0, D - 1)

    vb = bin1(z) * (D * D) + bin1(y) * D + bin1(x)
    vb_ref[...] = jnp.where(m, vb, NVOX)
    w_ref[...] = feat_ref[...] * m.astype(jnp.float32)


def _sc_body(vb_hbm, w_hbm, out_hbm, acc, vb0, w0, vb1, w1, sem0, sem1):
    fid = lax.axis_index("s") * 2 + lax.axis_index("c")
    bufsets = ((vb0, w0), (vb1, w1))
    sems = (sem0, sem1)

    @pl.when(fid < F)
    def _():
        zeros16 = jnp.zeros((16,), jnp.float32)

        def fire(ci):
            base = ci * CH
            bv, bw = bufsets[ci & 1]
            sem = sems[ci & 1]
            return [
                pltpu.async_copy(vb_hbm.at[pl.ds(base, CH)], bv, sem),
                pltpu.async_copy(w_hbm.at[fid, pl.ds(base, CH)], bw, sem),
            ]

        hs = fire(0)

        @plsc.parallel_loop(0, NVOX, step=16, unroll=8)
        def _zero(i):
            acc[pl.ds(i, 16)] = zeros16

        for ci in range(NCHUNK):
            hs_next = fire(ci + 1) if ci + 1 < NCHUNK else None
            for h in hs:
                h.wait()
            hs = hs_next
            bv, bw = bufsets[ci & 1]

            @plsc.parallel_loop(0, CH, step=16, unroll=4)
            def _group(off):
                vb = bv[pl.ds(off, 16)]
                w = bw[pl.ds(off, 16)]
                plsc.addupdate_scatter(acc, [vb], w, mask=vb < NVOX)

        pltpu.sync_copy(acc, out_hbm.at[fid])


def _conv_body(a_ref, o_ref):
    zrow = jnp.zeros((1, D), jnp.float32)
    zcol = jnp.zeros((D, 1), jnp.float32)
    zm1, z0 = None, a_ref[0, 0]
    for z in range(D):
        zp1 = a_ref[0, z + 1] if z + 1 < D else None
        zs = z0
        if zm1 is not None:
            zs = zs + zm1
        if zp1 is not None:
            zs = zs + zp1
        zm1, z0 = z0, zp1
        t = (
            zs
            + jnp.concatenate([zs[1:, :], zrow], axis=0)
            + jnp.concatenate([zrow, zs[: D - 1, :]], axis=0)
        )
        o_ref[0, z] = (
            t
            + jnp.concatenate([t[:, 1:], zcol], axis=1)
            + jnp.concatenate([zcol, t[:, : D - 1]], axis=1)
        )


@jax.jit
def kernel(xyz, feat):
    xyzT = jnp.zeros((3, NPAD), jnp.float32).at[:, :N].set(xyz.T)
    featT = jnp.zeros((F, NPAD), jnp.float32).at[:, :N].set(feat.T)

    vb2, wT = pl.pallas_call(
        _bin_body,
        out_shape=[
            jax.ShapeDtypeStruct((1, NPAD), jnp.int32),
            jax.ShapeDtypeStruct((F, NPAD), jnp.float32),
        ],
    )(xyzT, featT)

    sc = pl.kernel(
        _sc_body,
        out_type=jax.ShapeDtypeStruct((F, NVOX), jnp.float32),
        mesh=plsc.VectorSubcoreMesh(core_axis_name="c", subcore_axis_name="s"),
        compiler_params=pltpu.CompilerParams(needs_layout_passes=False),
        scratch_types=[
            pltpu.VMEM((NVOX,), jnp.float32),
            pltpu.VMEM((CH,), jnp.int32),
            pltpu.VMEM((CH,), jnp.float32),
            pltpu.VMEM((CH,), jnp.int32),
            pltpu.VMEM((CH,), jnp.float32),
            pltpu.SemaphoreType.DMA,
            pltpu.SemaphoreType.DMA,
        ],
    )
    planes = sc(vb2.reshape(NPAD), wT)

    return pl.pallas_call(
        _conv_body,
        grid=(F,),
        in_specs=[pl.BlockSpec((1, D, D, D), lambda i: (i, 0, 0, 0))],
        out_specs=pl.BlockSpec((1, D, D, D), lambda i: (i, 0, 0, 0)),
        out_shape=jax.ShapeDtypeStruct((F, D, D, D), jnp.float32),
    )(planes.reshape(F, D, D, D))

# --- scband reference (transcript-rebuilt; emitter-appended) ---
"""Pipeline reference for scband-voxelizer3-d-48610439856783 (READ-ONLY COPY).

The authoritative reference and input builder live on the scoring server;
editing this copy changes nothing except your own understanding.
"""

import jax, jax.numpy as jnp
import numpy as np

FEAT_DIM = 19
VOL_DIM = 48
ATOM_RADIUS = 1
N_ATOMS = 20000


def setup_inputs(seed: int = 0) -> dict:
    key = jax.random.key(seed)
    k1, k2 = jax.random.split(key)
    xyz = jax.random.normal(k1, (N_ATOMS, 3), dtype=jnp.float32)
    feat = jax.random.uniform(k2, (N_ATOMS, FEAT_DIM), dtype=jnp.float32)
    return {"xyz": xyz, "feat": feat}


def _voxelize(xyz, feat, mask):
    # relative_size=True: bounds are per-axis data min/max (so no atom is skipped
    # by the in-bounds check; vox_size is only used when atom_radii is given).
    mask_col = mask[:, None]
    mins = jnp.min(jnp.where(mask_col, xyz, jnp.inf), axis=0)
    maxs = jnp.max(jnp.where(mask_col, xyz, -jnp.inf), axis=0)
    # cx = int((x - xmin)/(xmax - xmin) * (vol_dim - 1)); values are >= 0 so
    # Python int() truncation == floor.
    c = jnp.floor((xyz - mins) / (maxs - mins) * (VOL_DIM - 1)).astype(jnp.int32)
    cx, cy, cz = c[:, 0], c[:, 1], c[:, 2]
    feat_m = feat * mask_col.astype(feat.dtype)
    vol = jnp.zeros((VOL_DIM, VOL_DIM, VOL_DIM, FEAT_DIM), dtype=jnp.float32)
    # The per-atom window [max(0, c-r), min(vol_dim-1, c+r)] is exactly the set
    # {c-r, ..., c+r} intersected with [0, vol_dim-1], so we scatter-add each
    # offset with a validity mask -- faithful to the original slice accumulation.
    for dz in range(-ATOM_RADIUS, ATOM_RADIUS + 1):
        for dy in range(-ATOM_RADIUS, ATOM_RADIUS + 1):
            for dx in range(-ATOM_RADIUS, ATOM_RADIUS + 1):
                tz = cz + dz
                ty = cy + dy
                tx = cx + dx
                valid = (
                    (tz >= 0) & (tz <= VOL_DIM - 1)
                    & (ty >= 0) & (ty <= VOL_DIM - 1)
                    & (tx >= 0) & (tx <= VOL_DIM - 1)
                )
                w = feat_m * valid[:, None].astype(feat.dtype)
                tzc = jnp.clip(tz, 0, VOL_DIM - 1)
                tyc = jnp.clip(ty, 0, VOL_DIM - 1)
                txc = jnp.clip(tx, 0, VOL_DIM - 1)
                # vol_data is indexed [z, y, x, feat] in the original
                vol = vol.at[tzc, tyc, txc].add(w)
    return jnp.transpose(vol, (3, 0, 1, 2))


def reference(xyz, feat):
    # mask of atoms with any zero coordinate (data-dependent filter, expressed
    # as a fixed-shape mask so it traces under jit)
    mask = (xyz[:, 0] != 0) & (xyz[:, 1] != 0) & (xyz[:, 2] != 0)
    return _voxelize(xyz, feat, mask)

if __name__ == "__main__":
    import jax
    _d = setup_inputs()
    print(jax.jit(kernel)(*tuple(_d.values())))

</pallas_src>

<mosaic_0001>
#map = affine_map<(d0, d1) -> (0)>
#map1 = affine_map<(d0, d1) -> (0, 0)>
module attributes {stable_mosaic.version = 14 : i64} {
  func.func @_sc_body(%arg0: i32, %arg1: i32, %arg2: memref<20480xi32, #tpu.memory_space<hbm>>, %arg3: memref<19x20480xf32, #tpu.memory_space<hbm>>, %arg4: memref<19x110592xf32, #tpu.memory_space<hbm>>, %arg5: memref<110592xf32, #tpu.memory_space<vmem>>, %arg6: memref<2048xi32, #tpu.memory_space<vmem>>, %arg7: memref<2048xf32, #tpu.memory_space<vmem>>, %arg8: memref<2048xi32, #tpu.memory_space<vmem>>, %arg9: memref<2048xf32, #tpu.memory_space<vmem>>, %arg10: memref<!tpu.dma_semaphore, #tpu.memory_space<semaphore_mem>>, %arg11: memref<!tpu.dma_semaphore, #tpu.memory_space<semaphore_mem>>) attributes {dimension_semantics = [#tpu.dimension_semantics<core_parallel>, #tpu.dimension_semantics<subcore_parallel>], iteration_bounds = array<i64: 2, 16>, scalar_prefetch = 0 : i64, scratch_operands = 7 : i64, tpu.core_type = #tpu.core_type<sc_vector_subcore>, window_params = [{transform_indices = #map}, {transform_indices = #map1}, {transform_indices = #map1}]} {
    %mul3A = arith.constant 2 : i32
    %mul3A_0 = arith.muli %arg1, %mul3A : i32
    %add3A = arith.addi %mul3A_0, %arg0 : i32
    %lt3A = arith.constant 19 : i32
    %lt3A_1 = arith.cmpi slt, %add3A, %lt3A : i32
    %convert_element_type3A = arith.extui %lt3A_1 : i1 to i32
    %cond3A = arith.constant 0 : i32
    %cond3A_2 = arith.cmpi ne, %convert_element_type3A, %cond3A : i32
    scf.if %cond3A_2 {
      %broadcast_in_dim3A = arith.constant 0.000000e+00 : f32
      %broadcast_in_dim3A_3 = vector.broadcast %broadcast_in_dim3A : f32 to vector<16xf32>
      %dma_start3A = arith.constant 0 : i32
      %dma_start3A_4 = tpu.memref_slice %arg2[%dma_start3A] : memref<20480xi32, #tpu.memory_space<hbm>> -> memref<2048xi32, #tpu.memory_space<hbm>>
      %dma_start3A_5 = arith.constant 0 : i32
      %dma_start3A_6 = tpu.memref_slice %arg2[%dma_start3A_5] : memref<20480xi32, #tpu.memory_space<hbm>> -> memref<2048xi32, #tpu.memory_space<hbm>>
      tpu.enqueue_dma source(%dma_start3A_6 : memref<2048xi32, #tpu.memory_space<hbm>>) target(%arg6 : memref<2048xi32, #tpu.memory_space<vmem>>) target_semaphore(%arg10 : memref<!tpu.dma_semaphore, #tpu.memory_space<semaphore_mem>>)
      %dma_start3A_7 = arith.constant 0 : i32
      %dma_start3A_8 = tpu.memref_slice %arg3[%add3A, %dma_start3A_7] : memref<19x20480xf32, #tpu.memory_space<hbm>> -> memref<1x2048xf32, #tpu.memory_space<hbm>>
      %dma_start3A_9 = tpu.memref_squeeze %dma_start3A_8 : memref<1x2048xf32, #tpu.memory_space<hbm>> -> memref<2048xf32, #tpu.memory_space<hbm>>
      %dma_start3A_10 = arith.constant 0 : i32
      %dma_start3A_11 = tpu.memref_slice %arg3[%add3A, %dma_start3A_10] : memref<19x20480xf32, #tpu.memory_space<hbm>> -> memref<1x2048xf32, #tpu.memory_space<hbm>>
      %dma_start3A_12 = tpu.memref_squeeze %dma_start3A_11 : memref<1x2048xf32, #tpu.memory_space<hbm>> -> memref<2048xf32, #tpu.memory_space<hbm>>
      tpu.enqueue_dma source(%dma_start3A_12 : memref<2048xf32, #tpu.memory_space<hbm>>) target(%arg7 : memref<2048xf32, #tpu.memory_space<vmem>>) target_semaphore(%arg10 : memref<!tpu.dma_semaphore, #tpu.memory_space<semaphore_mem>>)
      %parallel_loop3A = arith.constant 0 : i32
      %parallel_loop3A_13 = arith.constant 110592 : i32
      %parallel_loop3A_14 = arith.constant 16 : i32
      scf.for %parallel_loop3A_234 = %parallel_loop3A to %parallel_loop3A_13 step %parallel_loop3A_14  : i32 {
        %parallel_loop3A_235 = arith.index_cast %parallel_loop3A_234 : i32 to index
        %parallel_loop3A_236 = tpu.vector_load %arg5[%parallel_loop3A_235] {strides = array<i32>} : memref<110592xf32, #tpu.memory_space<vmem>>, vector<16xf32>,
        tpu.vector_store %arg5[%parallel_loop3A_235], %broadcast_in_dim3A_3 {strides = array<i32>} : memref<110592xf32, #tpu.memory_space<vmem>>, vector<16xf32>,
      } {sc.loop_unroll_factor = 8 : i64, sc.parallel_access}
      %dma_start3A_15 = arith.constant 2048 : i32
      %dma_start3A_16 = tpu.memref_slice %arg2[%dma_start3A_15] : memref<20480xi32, #tpu.memory_space<hbm>> -> memref<2048xi32, #tpu.memory_space<hbm>>
      %dma_start3A_17 = arith.constant 2048 : i32
      %dma_start3A_18 = tpu.memref_slice %arg2[%dma_start3A_17] : memref<20480xi32, #tpu.memory_space<hbm>> -> memref<2048xi32, #tpu.memory_space<hbm>>
      tpu.enqueue_dma source(%dma_start3A_18 : memref<2048xi32, #tpu.memory_space<hbm>>) target(%arg8 : memref<2048xi32, #tpu.memory_space<vmem>>) target_semaphore(%arg11 : memref<!tpu.dma_semaphore, #tpu.memory_space<semaphore_mem>>)
      %dma_start3A_19 = arith.constant 2048 : i32
      %dma_start3A_20 = tpu.memref_slice %arg3[%add3A, %dma_start3A_19] : memref<19x20480xf32, #tpu.memory_space<hbm>> -> memref<1x2048xf32, #tpu.memory_space<hbm>>
      %dma_start3A_21 = tpu.memref_squeeze %dma_start3A_20 : memref<1x2048xf32, #tpu.memory_space<hbm>> -> memref<2048xf32, #tpu.memory_space<hbm>>
      %dma_start3A_22 = arith.constant 2048 : i32
      %dma_start3A_23 = tpu.memref_slice %arg3[%add3A, %dma_start3A_22] : memref<19x20480xf32, #tpu.memory_space<hbm>> -> memref<1x2048xf32, #tpu.memory_space<hbm>>
      %dma_start3A_24 = tpu.memref_squeeze %dma_start3A_23 : memref<1x2048xf32, #tpu.memory_space<hbm>> -> memref<2048xf32, #tpu.memory_space<hbm>>
      tpu.enqueue_dma source(%dma_start3A_24 : memref<2048xf32, #tpu.memory_space<hbm>>) target(%arg9 : memref<2048xf32, #tpu.memory_space<vmem>>) target_semaphore(%arg11 : memref<!tpu.dma_semaphore, #tpu.memory_space<semaphore_mem>>)
      %dma_wait3A = arith.constant 0 : i32
      %dma_wait3A_25 = tpu.memref_slice %arg2[%dma_wait3A] : memref<20480xi32, #tpu.memory_space<hbm>> -> memref<2048xi32, #tpu.memory_space<hbm>>
      %dma_wait3A_26 = arith.constant 0 : i32
      %dma_wait3A_27 = tpu.memref_slice %arg2[%dma_wait3A_26] : memref<20480xi32, #tpu.memory_space<hbm>> -> memref<2048xi32, #tpu.memory_space<hbm>>
      tpu.wait_dma2 semaphore(%arg10 : memref<!tpu.dma_semaphore, #tpu.memory_space<semaphore_mem>>) src(%dma_wait3A_27 : memref<2048xi32, #tpu.memory_space<hbm>>) dst(%arg6 : memref<2048xi32, #tpu.memory_space<vmem>>)
      %dma_wait3A_28 = arith.constant 0 : i32
      %dma_wait3A_29 = tpu.memref_slice %arg3[%add3A, %dma_wait3A_28] : memref<19x20480xf32, #tpu.memory_space<hbm>> -> memref<1x2048xf32, #tpu.memory_space<hbm>>
      %dma_wait3A_30 = tpu.memref_squeeze %dma_wait3A_29 : memref<1x2048xf32, #tpu.memory_space<hbm>> -> memref<2048xf32, #tpu.memory_space<hbm>>
      %dma_wait3A_31 = arith.constant 0 : i32
      %dma_wait3A_32 = tpu.memref_slice %arg3[%add3A, %dma_wait3A_31] : memref<19x20480xf32, #tpu.memory_space<hbm>> -> memref<1x2048xf32, #tpu.memory_space<hbm>>
      %dma_wait3A_33 = tpu.memref_squeeze %dma_wait3A_32 : memref<1x2048xf32, #tpu.memory_space<hbm>> -> memref<2048xf32, #tpu.memory_space<hbm>>
      tpu.wait_dma2 semaphore(%arg10 : memref<!tpu.dma_semaphore, #tpu.memory_space<semaphore_mem>>) src(%dma_wait3A_33 : memref<2048xf32, #tpu.memory_space<hbm>>) dst(%arg7 : memref<2048xf32, #tpu.memory_space<vmem>>)
      %parallel_loop3A_34 = arith.constant 0 : i32
      %parallel_loop3A_35 = arith.constant 2048 : i32
      %parallel_loop3A_36 = arith.constant 16 : i32
      scf.for %parallel_loop3A_234 = %parallel_loop3A_34 to %parallel_loop3A_35 step %parallel_loop3A_36  : i32 {
        %parallel_loop3A_235 = arith.index_cast %parallel_loop3A_234 : i32 to index
        %parallel_loop3A_236 = tpu.vector_load %arg6[%parallel_loop3A_235] {strides = array<i32>} : memref<2048xi32, #tpu.memory_space<vmem>>, vector<16xi32>,
        %parallel_loop3A_237 = arith.index_cast %parallel_loop3A_234 : i32 to index
        %parallel_loop3A_238 = tpu.vector_load %arg7[%parallel_loop3A_237] {strides = array<i32>} : memref<2048xf32, #tpu.memory_space<vmem>>, vector<16xf32>,
        %parallel_loop3A_239 = arith.constant 110592 : i32
        %parallel_loop3A_240 = vector.broadcast %parallel_loop3A_239 : i32 to vector<16xi32>
        %parallel_loop3A_241 = arith.cmpi slt, %parallel_loop3A_236, %parallel_loop3A_240 : vector<16xi32>
        tpu.vector_store_idx %arg5[%parallel_loop3A_236], %parallel_loop3A_238 masked %parallel_loop3A_241 {add = true} : memref<110592xf32, #tpu.memory_space<vmem>>[vector<16xi32>], vector<16xf32>, vector<16xi1>
      } {sc.loop_unroll_factor = 4 : i64, sc.parallel_access}
      %dma_start3A_37 = arith.constant 4096 : i32
      %dma_start3A_38 = tpu.memref_slice %arg2[%dma_start3A_37] : memref<20480xi32, #tpu.memory_space<hbm>> -> memref<2048xi32, #tpu.memory_space<hbm>>
      %dma_start3A_39 = arith.constant 4096 : i32
      %dma_start3A_40 = tpu.memref_slice %arg2[%dma_start3A_39] : memref<20480xi32, #tpu.memory_space<hbm>> -> memref<2048xi32, #tpu.memory_space<hbm>>
      tpu.enqueue_dma source(%dma_start3A_40 : memref<2048xi32, #tpu.memory_space<hbm>>) target(%arg6 : memref<2048xi32, #tpu.memory_space<vmem>>) target_semaphore(%arg10 : memref<!tpu.dma_semaphore, #tpu.memory_space<semaphore_mem>>)
      %dma_start3A_41 = arith.constant 4096 : i32
      %dma_start3A_42 = tpu.memref_slice %arg3[%add3A, %dma_start3A_41] : memref<19x20480xf32, #tpu.memory_space<hbm>> -> memref<1x2048xf32, #tpu.memory_space<hbm>>
      %dma_start3A_43 = tpu.memref_squeeze %dma_start3A_42 : memref<1x2048xf32, #tpu.memory_space<hbm>> -> memref<2048xf32, #tpu.memory_space<hbm>>
      %dma_start3A_44 = arith.constant 4096 : i32
      %dma_start3A_45 = tpu.memref_slice %arg3[%add3A, %dma_start3A_44] : memref<19x20480xf32, #tpu.memory_space<hbm>> -> memref<1x2048xf32, #tpu.memory_space<hbm>>
      %dma_start3A_46 = tpu.memref_squeeze %dma_start3A_45 : memref<1x2048xf32, #tpu.memory_space<hbm>> -> memref<2048xf32, #tpu.memory_space<hbm>>
      tpu.enqueue_dma source(%dma_start3A_46 : memref<2048xf32, #tpu.memory_space<hbm>>) target(%arg7 : memref<2048xf32, #tpu.memory_space<vmem>>) target_semaphore(%arg10 : memref<!tpu.dma_semaphore, #tpu.memory_space<semaphore_mem>>)
      %dma_wait3A_47 = arith.constant 2048 : i32
      %dma_wait3A_48 = tpu.memref_slice %arg2[%dma_wait3A_47] : memref<20480xi32, #tpu.memory_space<hbm>> -> memref<2048xi32, #tpu.memory_space<hbm>>
      %dma_wait3A_49 = arith.constant 2048 : i32
      %dma_wait3A_50 = tpu.memref_slice %arg2[%dma_wait3A_49] : memref<20480xi32, #tpu.memory_space<hbm>> -> memref<2048xi32, #tpu.memory_space<hbm>>
      tpu.wait_dma2 semaphore(%arg11 : memref<!tpu.dma_semaphore, #tpu.memory_space<semaphore_mem>>) src(%dma_wait3A_50 : memref<2048xi32, #tpu.memory_space<hbm>>) dst(%arg8 : memref<2048xi32, #tpu.memory_space<vmem>>)
      %dma_wait3A_51 = arith.constant 2048 : i32
      %dma_wait3A_52 = tpu.memref_slice %arg3[%add3A, %dma_wait3A_51] : memref<19x20480xf32, #tpu.memory_space<hbm>> -> memref<1x2048xf32, #tpu.memory_space<hbm>>
      %dma_wait3A_53 = tpu.memref_squeeze %dma_wait3A_52 : memref<1x2048xf32, #tpu.memory_space<hbm>> -> memref<2048xf32, #tpu.memory_space<hbm>>
      %dma_wait3A_54 = arith.constant 2048 : i32
      %dma_wait3A_55 = tpu.memref_slice %arg3[%add3A, %dma_wait3A_54] : memref<19x20480xf32, #tpu.memory_space<hbm>> -> memref<1x2048xf32, #tpu.memory_space<hbm>>
      %dma_wait3A_56 = tpu.memref_squeeze %dma_wait3A_55 : memref<1x2048xf32, #tpu.memory_space<hbm>> -> memref<2048xf32, #tpu.memory_space<hbm>>
      tpu.wait_dma2 semaphore(%arg11 : memref<!tpu.dma_semaphore, #tpu.memory_space<semaphore_mem>>) src(%dma_wait3A_56 : memref<2048xf32, #tpu.memory_space<hbm>>) dst(%arg9 : memref<2048xf32, #tpu.memory_space<vmem>>)
      %parallel_loop3A_57 = arith.constant 0 : i32
      %parallel_loop3A_58 = arith.constant 2048 : i32
      %parallel_loop3A_59 = arith.constant 16 : i32
      scf.for %parallel_loop3A_234 = %parallel_loop3A_57 to %parallel_loop3A_58 step %parallel_loop3A_59  : i32 {
        %parallel_loop3A_235 = arith.index_cast %parallel_loop3A_234 : i32 to index
        %parallel_loop3A_236 = tpu.vector_load %arg8[%parallel_loop3A_235] {strides = array<i32>} : memref<2048xi32, #tpu.memory_space<vmem>>, vector<16xi32>,
        %parallel_loop3A_237 = arith.index_cast %parallel_loop3A_234 : i32 to index
        %parallel_loop3A_238 = tpu.vector_load %arg9[%parallel_loop3A_237] {strides = array<i32>} : memref<2048xf32, #tpu.memory_space<vmem>>, vector<16xf32>,
        %parallel_loop3A_239 = arith.constant 110592 : i32
        %parallel_loop3A_240 = vector.broadcast %parallel_loop3A_239 : i32 to vector<16xi32>
        %parallel_loop3A_241 = arith.cmpi slt, %parallel_loop3A_236, %parallel_loop3A_240 : vector<16xi32>
        tpu.vector_store_idx %arg5[%parallel_loop3A_236], %parallel_loop3A_238 masked %parallel_loop3A_241 {add = true} : memref<110592xf32, #tpu.memory_space<vmem>>[vector<16xi32>], vector<16xf32>, vector<16xi1>
      } {sc.loop_unroll_factor = 4 : i64, sc.parallel_access}
      %dma_start3A_60 = arith.constant 6144 : i32
      %dma_start3A_61 = tpu.memref_slice %arg2[%dma_start3A_60] : memref<20480xi32, #tpu.memory_space<hbm>> -> memref<2048xi32, #tpu.memory_space<hbm>>
      %dma_start3A_62 = arith.constant 6144 : i32
      %dma_start3A_63 = tpu.memref_slice %arg2[%dma_start3A_62] : memref<20480xi32, #tpu.memory_space<hbm>> -> memref<2048xi32, #tpu.memory_space<hbm>>
      tpu.enqueue_dma source(%dma_start3A_63 : memref<2048xi32, #tpu.memory_space<hbm>>) target(%arg8 : memref<2048xi32, #tpu.memory_space<vmem>>) target_semaphore(%arg11 : memref<!tpu.dma_semaphore, #tpu.memory_space<semaphore_mem>>)
      %dma_start3A_64 = arith.constant 6144 : i32
      %dma_start3A_65 = tpu.memref_slice %arg3[%add3A, %dma_start3A_64] : memref<19x20480xf32, #tpu.memory_space<hbm>> -> memref<1x2048xf32, #tpu.memory_space<hbm>>
      %dma_start3A_66 = tpu.memref_squeeze %dma_start3A_65 : memref<1x2048xf32, #tpu.memory_space<hbm>> -> memref<2048xf32, #tpu.memory_space<hbm>>
      %dma_start3A_67 = arith.constant 6144 : i32
      %dma_start3A_68 = tpu.memref_slice %arg3[%add3A, %dma_start3A_67] : memref<19x20480xf32, #tpu.memory_space<hbm>> -> memref<1x2048xf32, #tpu.memory_space<hbm>>
      %dma_start3A_69 = tpu.memref_squeeze %dma_start3A_68 : memref<1x2048xf32, #tpu.memory_space<hbm>> -> memref<2048xf32, #tpu.memory_space<hbm>>
      tpu.enqueue_dma source(%dma_start3A_69 : memref<2048xf32, #tpu.memory_space<hbm>>) target(%arg9 : memref<2048xf32, #tpu.memory_space<vmem>>) target_semaphore(%arg11 : memref<!tpu.dma_semaphore, #tpu.memory_space<semaphore_mem>>)
      %dma_wait3A_70 = arith.constant 4096 : i32
      %dma_wait3A_71 = tpu.memref_slice %arg2[%dma_wait3A_70] : memref<20480xi32, #tpu.memory_space<hbm>> -> memref<2048xi32, #tpu.memory_space<hbm>>
      %dma_wait3A_72 = arith.constant 4096 : i32
      %dma_wait3A_73 = tpu.memref_slice %arg2[%dma_wait3A_72] : memref<20480xi32, #tpu.memory_space<hbm>> -> memref<2048xi32, #tpu.memory_space<hbm>>
      tpu.wait_dma2 semaphore(%arg10 : memref<!tpu.dma_semaphore, #tpu.memory_space<semaphore_mem>>) src(%dma_wait3A_73 : memref<2048xi32, #tpu.memory_space<hbm>>) dst(%arg6 : memref<2048xi32, #tpu.memory_space<vmem>>)
      %dma_wait3A_74 = arith.constant 4096 : i32
      %dma_wait3A_75 = tpu.memref_slice %arg3[%add3A, %dma_wait3A_74] : memref<19x20480xf32, #tpu.memory_space<hbm>> -> memref<1x2048xf32, #tpu.memory_space<hbm>>
      %dma_wait3A_76 = tpu.memref_squeeze %dma_wait3A_75 : memref<1x2048xf32, #tpu.memory_space<hbm>> -> memref<2048xf32, #tpu.memory_space<hbm>>
      %dma_wait3A_77 = arith.constant 4096 : i32
      %dma_wait3A_78 = tpu.memref_slice %arg3[%add3A, %dma_wait3A_77] : memref<19x20480xf32, #tpu.memory_space<hbm>> -> memref<1x2048xf32, #tpu.memory_space<hbm>>
      %dma_wait3A_79 = tpu.memref_squeeze %dma_wait3A_78 : memref<1x2048xf32, #tpu.memory_space<hbm>> -> memref<2048xf32, #tpu.memory_space<hbm>>
      tpu.wait_dma2 semaphore(%arg10 : memref<!tpu.dma_semaphore, #tpu.memory_space<semaphore_mem>>) src(%dma_wait3A_79 : memref<2048xf32, #tpu.memory_space<hbm>>) dst(%arg7 : memref<2048xf32, #tpu.memory_space<vmem>>)
      %parallel_loop3A_80 = arith.constant 0 : i32
      %parallel_loop3A_81 = arith.constant 2048 : i32
      %parallel_loop3A_82 = arith.constant 16 : i32
      scf.for %parallel_loop3A_234 = %parallel_loop3A_80 to %parallel_loop3A_81 step %parallel_loop3A_82  : i32 {
        %parallel_loop3A_235 = arith.index_cast %parallel_loop3A_234 : i32 to index
        %parallel_loop3A_236 = tpu.vector_load %arg6[%parallel_loop3A_235] {strides = array<i32>} : memref<2048xi32, #tpu.memory_space<vmem>>, vector<16xi32>,
        %parallel_loop3A_237 = arith.index_cast %parallel_loop3A_234 : i32 to index
        %parallel_loop3A_238 = tpu.vector_load %arg7[%parallel_loop3A_237] {strides = array<i32>} : memref<2048xf32, #tpu.memory_space<vmem>>, vector<16xf32>,
        %parallel_loop3A_239 = arith.constant 110592 : i32
        %parallel_loop3A_240 = vector.broadcast %parallel_loop3A_239 : i32 to vector<16xi32>
        %parallel_loop3A_241 = arith.cmpi slt, %parallel_loop3A_236, %parallel_loop3A_240 : vector<16xi32>
        tpu.vector_store_idx %arg5[%parallel_loop3A_236], %parallel_loop3A_238 masked %parallel_loop3A_241 {add = true} : memref<110592xf32, #tpu.memory_space<vmem>>[vector<16xi32>], vector<16xf32>, vector<16xi1>
      } {sc.loop_unroll_factor = 4 : i64, sc.parallel_access}
      %dma_start3A_83 = arith.constant 8192 : i32
      %dma_start3A_84 = tpu.memref_slice %arg2[%dma_start3A_83] : memref<20480xi32, #tpu.memory_space<hbm>> -> memref<2048xi32, #tpu.memory_space<hbm>>
      %dma_start3A_85 = arith.constant 8192 : i32
      %dma_start3A_86 = tpu.memref_slice %arg2[%dma_start3A_85] : memref<20480xi32, #tpu.memory_space<hbm>> -> memref<2048xi32, #tpu.memory_space<hbm>>
      tpu.enqueue_dma source(%dma_start3A_86 : memref<2048xi32, #tpu.memory_space<hbm>>) target(%arg6 : memref<2048xi32, #tpu.memory_space<vmem>>) target_semaphore(%arg10 : memref<!tpu.dma_semaphore, #tpu.memory_space<semaphore_mem>>)
      %dma_start3A_87 = arith.constant 8192 : i32
      %dma_start3A_88 = tpu.memref_slice %arg3[%add3A, %dma_start3A_87] : memref<19x20480xf32, #tpu.memory_space<hbm>> -> memref<1x2048xf32, #tpu.memory_space<hbm>>
      %dma_start3A_89 = tpu.memref_squeeze %dma_start3A_88 : memref<1x2048xf32, #tpu.memory_space<hbm>> -> memref<2048xf32, #tpu.memory_space<hbm>>
      %dma_start3A_90 = arith.constant 8192 : i32
      %dma_start3A_91 = tpu.memref_slice %arg3[%add3A, %dma_start3A_90] : memref<19x20480xf32, #tpu.memory_space<hbm>> -> memref<1x2048xf32, #tpu.memory_space<hbm>>
      %dma_start3A_92 = tpu.memref_squeeze %dma_start3A_91 : memref<1x2048xf32, #tpu.memory_space<hbm>> -> memref<2048xf32, #tpu.memory_space<hbm>>
      tpu.enqueue_dma source(%dma_start3A_92 : memref<2048xf32, #tpu.memory_space<hbm>>) target(%arg7 : memref<2048xf32, #tpu.memory_space<vmem>>) target_semaphore(%arg10 : memref<!tpu.dma_semaphore, #tpu.memory_space<semaphore_mem>>)
      %dma_wait3A_93 = arith.constant 6144 : i32
      %dma_wait3A_94 = tpu.memref_slice %arg2[%dma_wait3A_93] : memref<20480xi32, #tpu.memory_space<hbm>> -> memref<2048xi32, #tpu.memory_space<hbm>>
      %dma_wait3A_95 = arith.constant 6144 : i32
      %dma_wait3A_96 = tpu.memref_slice %arg2[%dma_wait3A_95] : memref<20480xi32, #tpu.memory_space<hbm>> -> memref<2048xi32, #tpu.memory_space<hbm>>
      tpu.wait_dma2 semaphore(%arg11 : memref<!tpu.dma_semaphore, #tpu.memory_space<semaphore_mem>>) src(%dma_wait3A_96 : memref<2048xi32, #tpu.memory_space<hbm>>) dst(%arg8 : memref<2048xi32, #tpu.memory_space<vmem>>)
      %dma_wait3A_97 = arith.constant 6144 : i32
      %dma_wait3A_98 = tpu.memref_slice %arg3[%add3A, %dma_wait3A_97] : memref<19x20480xf32, #tpu.memory_space<hbm>> -> memref<1x2048xf32, #tpu.memory_space<hbm>>
      %dma_wait3A_99 = tpu.memref_squeeze %dma_wait3A_98 : memref<1x2048xf32, #tpu.memory_space<hbm>> -> memref<2048xf32, #tpu.memory_space<hbm>>
      %dma_wait3A_100 = arith.constant 6144 : i32
      %dma_wait3A_101 = tpu.memref_slice %arg3[%add3A, %dma_wait3A_100] : memref<19x20480xf32, #tpu.memory_space<hbm>> -> memref<1x2048xf32, #tpu.memory_space<hbm>>
      %dma_wait3A_102 = tpu.memref_squeeze %dma_wait3A_101 : memref<1x2048xf32, #tpu.memory_space<hbm>> -> memref<2048xf32, #tpu.memory_space<hbm>>
      tpu.wait_dma2 semaphore(%arg11 : memref<!tpu.dma_semaphore, #tpu.memory_space<semaphore_mem>>) src(%dma_wait3A_102 : memref<2048xf32, #tpu.memory_space<hbm>>) dst(%arg9 : memref<2048xf32, #tpu.memory_space<vmem>>)
      %parallel_loop3A_103 = arith.constant 0 : i32
      %parallel_loop3A_104 = arith.constant 2048 : i32
      %parallel_loop3A_105 = arith.constant 16 : i32
      scf.for %parallel_loop3A_234 = %parallel_loop3A_103 to %parallel_loop3A_104 step %parallel_loop3A_105  : i32 {
        %parallel_loop3A_235 = arith.index_cast %parallel_loop3A_234 : i32 to index
        %parallel_loop3A_236 = tpu.vector_load %arg8[%parallel_loop3A_235] {strides = array<i32>} : memref<2048xi32, #tpu.memory_space<vmem>>, vector<16xi32>,
        %parallel_loop3A_237 = arith.index_cast %parallel_loop3A_234 : i32 to index
        %parallel_loop3A_238 = tpu.vector_load %arg9[%parallel_loop3A_237] {strides = array<i32>} : memref<2048xf32, #tpu.memory_space<vmem>>, vector<16xf32>,
        %parallel_loop3A_239 = arith.constant 110592 : i32
        %parallel_loop3A_240 = vector.broadcast %parallel_loop3A_239 : i32 to vector<16xi32>
        %parallel_loop3A_241 = arith.cmpi slt, %parallel_loop3A_236, %parallel_loop3A_240 : vector<16xi32>
        tpu.vector_store_idx %arg5[%parallel_loop3A_236], %parallel_loop3A_238 masked %parallel_loop3A_241 {add = true} : memref<110592xf32, #tpu.memory_space<vmem>>[vector<16xi32>], vector<16xf32>, vector<16xi1>
      } {sc.loop_unroll_factor = 4 : i64, sc.parallel_access}
      %dma_start3A_106 = arith.constant 10240 : i32
      %dma_start3A_107 = tpu.memref_slice %arg2[%dma_start3A_106] : memref<20480xi32, #tpu.memory_space<hbm>> -> memref<2048xi32, #tpu.memory_space<hbm>>
      %dma_start3A_108 = arith.constant 10240 : i32
      %dma_start3A_109 = tpu.memref_slice %arg2[%dma_start3A_108] : memref<20480xi32, #tpu.memory_space<hbm>> -> memref<2048xi32, #tpu.memory_space<hbm>>
      tpu.enqueue_dma source(%dma_start3A_109 : memref<2048xi32, #tpu.memory_space<hbm>>) target(%arg8 : memref<2048xi32, #tpu.memory_space<vmem>>) target_semaphore(%arg11 : memref<!tpu.dma_semaphore, #tpu.memory_space<semaphore_mem>>)
      %dma_start3A_110 = arith.constant 10240 : i32
      %dma_start3A_111 = tpu.memref_slice %arg3[%add3A, %dma_start3A_110] : memref<19x20480xf32, #tpu.memory_space<hbm>> -> memref<1x2048xf32, #tpu.memory_space<hbm>>
      %dma_start3A_112 = tpu.memref_squeeze %dma_start3A_111 : memref<1x2048xf32, #tpu.memory_space<hbm>> -> memref<2048xf32, #tpu.memory_space<hbm>>
      %dma_start3A_113 = arith.constant 10240 : i32
      %dma_start3A_114 = tpu.memref_slice %arg3[%add3A, %dma_start3A_113] : memref<19x20480xf32, #tpu.memory_space<hbm>> -> memref<1x2048xf32, #tpu.memory_space<hbm>>
      %dma_start3A_115 = tpu.memref_squeeze %dma_start3A_114 : memref<1x2048xf32, #tpu.memory_space<hbm>> -> memref<2048xf32, #tpu.memory_space<hbm>>
      tpu.enqueue_dma source(%dma_start3A_115 : memref<2048xf32, #tpu.memory_space<hbm>>) target(%arg9 : memref<2048xf32, #tpu.memory_space<vmem>>) target_semaphore(%arg11 : memref<!tpu.dma_semaphore, #tpu.memory_space<semaphore_mem>>)
      %dma_wait3A_116 = arith.constant 8192 : i32
      %dma_wait3A_117 = tpu.memref_slice %arg2[%dma_wait3A_116] : memref<20480xi32, #tpu.memory_space<hbm>> -> memref<2048xi32, #tpu.memory_space<hbm>>
      %dma_wait3A_118 = arith.constant 8192 : i32
      %dma_wait3A_119 = tpu.memref_slice %arg2[%dma_wait3A_118] : memref<20480xi32, #tpu.memory_space<hbm>> -> memref<2048xi32, #tpu.memory_space<hbm>>
      tpu.wait_dma2 semaphore(%arg10 : memref<!tpu.dma_semaphore, #tpu.memory_space<semaphore_mem>>) src(%dma_wait3A_119 : memref<2048xi32, #tpu.memory_space<hbm>>) dst(%arg6 : memref<2048xi32, #tpu.memory_space<vmem>>)
      %dma_wait3A_120 = arith.constant 8192 : i32
      %dma_wait3A_121 = tpu.memref_slice %arg3[%add3A, %dma_wait3A_120] : memref<19x20480xf32, #tpu.memory_space<hbm>> -> memref<1x2048xf32, #tpu.memory_space<hbm>>
      %dma_wait3A_122 = tpu.memref_squeeze %dma_wait3A_121 : memref<1x2048xf32, #tpu.memory_space<hbm>> -> memref<2048xf32, #tpu.memory_space<hbm>>
      %dma_wait3A_123 = arith.constant 8192 : i32
      %dma_wait3A_124 = tpu.memref_slice %arg3[%add3A, %dma_wait3A_123] : memref<19x20480xf32, #tpu.memory_space<hbm>> -> memref<1x2048xf32, #tpu.memory_space<hbm>>
      %dma_wait3A_125 = tpu.memref_squeeze %dma_wait3A_124 : memref<1x2048xf32, #tpu.memory_space<hbm>> -> memref<2048xf32, #tpu.memory_space<hbm>>
      tpu.wait_dma2 semaphore(%arg10 : memref<!tpu.dma_semaphore, #tpu.memory_space<semaphore_mem>>) src(%dma_wait3A_125 : memref<2048xf32, #tpu.memory_space<hbm>>) dst(%arg7 : memref<2048xf32, #tpu.memory_space<vmem>>)
      %parallel_loop3A_126 = arith.constant 0 : i32
      %parallel_loop3A_127 = arith.constant 2048 : i32
      %parallel_loop3A_128 = arith.constant 16 : i32
      scf.for %parallel_loop3A_234 = %parallel_loop3A_126 to %parallel_loop3A_127 step %parallel_loop3A_128  : i32 {
        %parallel_loop3A_235 = arith.index_cast %parallel_loop3A_234 : i32 to index
        %parallel_loop3A_236 = tpu.vector_load %arg6[%parallel_loop3A_235] {strides = array<i32>} : memref<2048xi32, #tpu.memory_space<vmem>>, vector<16xi32>,
        %parallel_loop3A_237 = arith.index_cast %parallel_loop3A_234 : i32 to index
        %parallel_loop3A_238 = tpu.vector_load %arg7[%parallel_loop3A_237] {strides = array<i32>} : memref<2048xf32, #tpu.memory_space<vmem>>, vector<16xf32>,
        %parallel_loop3A_239 = arith.constant 110592 : i32
        %parallel_loop3A_240 = vector.broadcast %parallel_loop3A_239 : i32 to vector<16xi32>
        %parallel_loop3A_241 = arith.cmpi slt, %parallel_loop3A_236, %parallel_loop3A_240 : vector<16xi32>
        tpu.vector_store_idx %arg5[%parallel_loop3A_236], %parallel_loop3A_238 masked %parallel_loop3A_241 {add = true} : memref<110592xf32, #tpu.memory_space<vmem>>[vector<16xi32>], vector<16xf32>, vector<16xi1>
      } {sc.loop_unroll_factor = 4 : i64, sc.parallel_access}
      %dma_start3A_129 = arith.constant 12288 : i32
      %dma_start3A_130 = tpu.memref_slice %arg2[%dma_start3A_129] : memref<20480xi32, #tpu.memory_space<hbm>> -> memref<2048xi32, #tpu.memory_space<hbm>>
      %dma_start3A_131 = arith.constant 12288 : i32
      %dma_start3A_132 = tpu.memref_slice %arg2[%dma_start3A_131] : memref<20480xi32, #tpu.memory_space<hbm>> -> memref<2048xi32, #tpu.memory_space<hbm>>
      tpu.enqueue_dma source(%dma_start3A_132 : memref<2048xi32, #tpu.memory_space<hbm>>) target(%arg6 : memref<2048xi32, #tpu.memory_space<vmem>>) target_semaphore(%arg10 : memref<!tpu.dma_semaphore, #tpu.memory_space<semaphore_mem>>)
      %dma_start3A_133 = arith.constant 12288 : i32
      %dma_start3A_134 = tpu.memref_slice %arg3[%add3A, %dma_start3A_133] : memref<19x20480xf32, #tpu.memory_space<hbm>> -> memref<1x2048xf32, #tpu.memory_space<hbm>>
      %dma_start3A_135 = tpu.memref_squeeze %dma_start3A_134 : memref<1x2048xf32, #tpu.memory_space<hbm>> -> memref<2048xf32, #tpu.memory_space<hbm>>
      %dma_start3A_136 = arith.constant 12288 : i32
      %dma_start3A_137 = tpu.memref_slice %arg3[%add3A, %dma_start3A_136] : memref<19x20480xf32, #tpu.memory_space<hbm>> -> memref<1x2048xf32, #tpu.memory_space<hbm>>
      %dma_start3A_138 = tpu.memref_squeeze %dma_start3A_137 : memref<1x2048xf32, #tpu.memory_space<hbm>> -> memref<2048xf32, #tpu.memory_space<hbm>>
      tpu.enqueue_dma source(%dma_start3A_138 : memref<2048xf32, #tpu.memory_space<hbm>>) target(%arg7 : memref<2048xf32, #tpu.memory_space<vmem>>) target_semaphore(%arg10 : memref<!tpu.dma_semaphore, #tpu.memory_space<semaphore_mem>>)
      %dma_wait3A_139 = arith.constant 10240 : i32
      %dma_wait3A_140 = tpu.memref_slice %arg2[%dma_wait3A_139] : memref<20480xi32, #tpu.memory_space<hbm>> -> memref<2048xi32, #tpu.memory_space<hbm>>
      %dma_wait3A_141 = arith.constant 10240 : i32
      %dma_wait3A_142 = tpu.memref_slice %arg2[%dma_wait3A_141] : memref<20480xi32, #tpu.memory_space<hbm>> -> memref<2048xi32, #tpu.memory_space<hbm>>
      tpu.wait_dma2 semaphore(%arg11 : memref<!tpu.dma_semaphore, #tpu.memory_space<semaphore_mem>>) src(%dma_wait3A_142 : memref<2048xi32, #tpu.memory_space<hbm>>) dst(%arg8 : memref<2048xi32, #tpu.memory_space<vmem>>)
      %dma_wait3A_143 = arith.constant 10240 : i32
      %dma_wait3A_144 = tpu.memref_slice %arg3[%add3A, %dma_wait3A_143] : memref<19x20480xf32, #tpu.memory_space<hbm>> -> memref<1x2048xf32, #tpu.memory_space<hbm>>
      %dma_wait3A_145 = tpu.memref_squeeze %dma_wait3A_144 : memref<1x2048xf32, #tpu.memory_space<hbm>> -> memref<2048xf32, #tpu.memory_space<hbm>>
      %dma_wait3A_146 = arith.constant 10240 : i32
      %dma_wait3A_147 = tpu.memref_slice %arg3[%add3A, %dma_wait3A_146] : memref<19x20480xf32, #tpu.memory_space<hbm>> -> memref<1x2048xf32, #tpu.memory_space<hbm>>
      %dma_wait3A_148 = tpu.memref_squeeze %dma_wait3A_147 : memref<1x2048xf32, #tpu.memory_space<hbm>> -> memref<2048xf32, #tpu.memory_space<hbm>>
      tpu.wait_dma2 semaphore(%arg11 : memref<!tpu.dma_semaphore, #tpu.memory_space<semaphore_mem>>) src(%dma_wait3A_148 : memref<2048xf32, #tpu.memory_space<hbm>>) dst(%arg9 : memref<2048xf32, #tpu.memory_space<vmem>>)
      %parallel_loop3A_149 = arith.constant 0 : i32
      %parallel_loop3A_150 = arith.constant 2048 : i32
      %parallel_loop3A_151 = arith.constant 16 : i32
      scf.for %parallel_loop3A_234 = %parallel_loop3A_149 to %parallel_loop3A_150 step %parallel_loop3A_151  : i32 {
        %parallel_loop3A_235 = arith.index_cast %parallel_loop3A_234 : i32 to index
        %parallel_loop3A_236 = tpu.vector_load %arg8[%parallel_loop3A_235] {strides = array<i32>} : memref<2048xi32, #tpu.memory_space<vmem>>, vector<16xi32>,
        %parallel_loop3A_237 = arith.index_cast %parallel_loop3A_234 : i32 to index
        %parallel_loop3A_238 = tpu.vector_load %arg9[%parallel_loop3A_237] {strides = array<i32>} : memref<2048xf32, #tpu.memory_space<vmem>>, vector<16xf32>,
        %parallel_loop3A_239 = arith.constant 110592 : i32
        %parallel_loop3A_240 = vector.broadcast %parallel_loop3A_239 : i32 to vector<16xi32>
        %parallel_loop3A_241 = arith.cmpi slt, %parallel_loop3A_236, %parallel_loop3A_240 : vector<16xi32>
        tpu.vector_store_idx %arg5[%parallel_loop3A_236], %parallel_loop3A_238 masked %parallel_loop3A_241 {add = true} : memref<110592xf32, #tpu.memory_space<vmem>>[vector<16xi32>], vector<16xf32>, vector<16xi1>
      } {sc.loop_unroll_factor = 4 : i64, sc.parallel_access}
      %dma_start3A_152 = arith.constant 14336 : i32
      %dma_start3A_153 = tpu.memref_slice %arg2[%dma_start3A_152] : memref<20480xi32, #tpu.memory_space<hbm>> -> memref<2048xi32, #tpu.memory_space<hbm>>
      %dma_start3A_154 = arith.constant 14336 : i32
      %dma_start3A_155 = tpu.memref_slice %arg2[%dma_start3A_154] : memref<20480xi32, #tpu.memory_space<hbm>> -> memref<2048xi32, #tpu.memory_space<hbm>>
      tpu.enqueue_dma source(%dma_start3A_155 : memref<2048xi32, #tpu.memory_space<hbm>>) target(%arg8 : memref<2048xi32, #tpu.memory_space<vmem>>) target_semaphore(%arg11 : memref<!tpu.dma_semaphore, #tpu.memory_space<semaphore_mem>>)
      %dma_start3A_156 = arith.constant 14336 : i32
      %dma_start3A_157 = tpu.memref_slice %arg3[%add3A, %dma_start3A_156] : memref<19x20480xf32, #tpu.memory_space<hbm>> -> memref<1x2048xf32, #tpu.memory_space<hbm>>
      %dma_start3A_158 = tpu.memref_squeeze %dma_start3A_157 : memref<1x2048xf32, #tpu.memory_space<hbm>> -> memref<2048xf32, #tpu.memory_space<hbm>>
      %dma_start3A_159 = arith.constant 14336 : i32
      %dma_start3A_160 = tpu.memref_slice %arg3[%add3A, %dma_start3A_159] : memref<19x20480xf32, #tpu.memory_space<hbm>> -> memref<1x2048xf32, #tpu.memory_space<hbm>>
      %dma_start3A_161 = tpu.memref_squeeze %dma_start3A_160 : memref<1x2048xf32, #tpu.memory_space<hbm>> -> memref<2048xf32, #tpu.memory_space<hbm>>
      tpu.enqueue_dma source(%dma_start3A_161 : memref<2048xf32, #tpu.memory_space<hbm>>) target(%arg9 : memref<2048xf32, #tpu.memory_space<vmem>>) target_semaphore(%arg11 : memref<!tpu.dma_semaphore, #tpu.memory_space<semaphore_mem>>)
      %dma_wait3A_162 = arith.constant 12288 : i32
      %dma_wait3A_163 = tpu.memref_slice %arg2[%dma_wait3A_162] : memref<20480xi32, #tpu.memory_space<hbm>> -> memref<2048xi32, #tpu.memory_space<hbm>>
      %dma_wait3A_164 = arith.constant 12288 : i32
      %dma_wait3A_165 = tpu.memref_slice %arg2[%dma_wait3A_164] : memref<20480xi32, #tpu.memory_space<hbm>> -> memref<2048xi32, #tpu.memory_space<hbm>>
      tpu.wait_dma2 semaphore(%arg10 : memref<!tpu.dma_semaphore, #tpu.memory_space<semaphore_mem>>) src(%dma_wait3A_165 : memref<2048xi32, #tpu.memory_space<hbm>>) dst(%arg6 : memref<2048xi32, #tpu.memory_space<vmem>>)
      %dma_wait3A_166 = arith.constant 12288 : i32
      %dma_wait3A_167 = tpu.memref_slice %arg3[%add3A, %dma_wait3A_166] : memref<19x20480xf32, #tpu.memory_space<hbm>> -> memref<1x2048xf32, #tpu.memory_space<hbm>>
      %dma_wait3A_168 = tpu.memref_squeeze %dma_wait3A_167 : memref<1x2048xf32, #tpu.memory_space<hbm>> -> memref<2048xf32, #tpu.memory_space<hbm>>
      %dma_wait3A_169 = arith.constant 12288 : i32
      %dma_wait3A_170 = tpu.memref_slice %arg3[%add3A, %dma_wait3A_169] : memref<19x20480xf32, #tpu.memory_space<hbm>> -> memref<1x2048xf32, #tpu.memory_space<hbm>>
      %dma_wait3A_171 = tpu.memref_squeeze %dma_wait3A_170 : memref<1x2048xf32, #tpu.memory_space<hbm>> -> memref<2048xf32, #tpu.memory_space<hbm>>
      tpu.wait_dma2 semaphore(%arg10 : memref<!tpu.dma_semaphore, #tpu.memory_space<semaphore_mem>>) src(%dma_wait3A_171 : memref<2048xf32, #tpu.memory_space<hbm>>) dst(%arg7 : memref<2048xf32, #tpu.memory_space<vmem>>)
      %parallel_loop3A_172 = arith.constant 0 : i32
      %parallel_loop3A_173 = arith.constant 2048 : i32
      %parallel_loop3A_174 = arith.constant 16 : i32
      scf.for %parallel_loop3A_234 = %parallel_loop3A_172 to %parallel_loop3A_173 step %parallel_loop3A_174  : i32 {
        %parallel_loop3A_235 = arith.index_cast %parallel_loop3A_234 : i32 to index
        %parallel_loop3A_236 = tpu.vector_load %arg6[%parallel_loop3A_235] {strides = array<i32>} : memref<2048xi32, #tpu.memory_space<vmem>>, vector<16xi32>,
        %parallel_loop3A_237 = arith.index_cast %parallel_loop3A_234 : i32 to index
        %parallel_loop3A_238 = tpu.vector_load %arg7[%parallel_loop3A_237] {strides = array<i32>} : memref<2048xf32, #tpu.memory_space<vmem>>, vector<16xf32>,
        %parallel_loop3A_239 = arith.constant 110592 : i32
        %parallel_loop3A_240 = vector.broadcast %parallel_loop3A_239 : i32 to vector<16xi32>
        %parallel_loop3A_241 = arith.cmpi slt, %parallel_loop3A_236, %parallel_loop3A_240 : vector<16xi32>
        tpu.vector_store_idx %arg5[%parallel_loop3A_236], %parallel_loop3A_238 masked %parallel_loop3A_241 {add = true} : memref<110592xf32, #tpu.memory_space<vmem>>[vector<16xi32>], vector<16xf32>, vector<16xi1>
      } {sc.loop_unroll_factor = 4 : i64, sc.parallel_access}
      %dma_start3A_175 = arith.constant 16384 : i32
      %dma_start3A_176 = tpu.memref_slice %arg2[%dma_start3A_175] : memref<20480xi32, #tpu.memory_space<hbm>> -> memref<2048xi32, #tpu.memory_space<hbm>>
      %dma_start3A_177 = arith.constant 16384 : i32
      %dma_start3A_178 = tpu.memref_slice %arg2[%dma_start3A_177] : memref<20480xi32, #tpu.memory_space<hbm>> -> memref<2048xi32, #tpu.memory_space<hbm>>
      tpu.enqueue_dma source(%dma_start3A_178 : memref<2048xi32, #tpu.memory_space<hbm>>) target(%arg6 : memref<2048xi32, #tpu.memory_space<vmem>>) target_semaphore(%arg10 : memref<!tpu.dma_semaphore, #tpu.memory_space<semaphore_mem>>)
      %dma_start3A_179 = arith.constant 16384 : i32
      %dma_start3A_180 = tpu.memref_slice %arg3[%add3A, %dma_start3A_179] : memref<19x20480xf32, #tpu.memory_space<hbm>> -> memref<1x2048xf32, #tpu.memory_space<hbm>>
      %dma_start3A_181 = tpu.memref_squeeze %dma_start3A_180 : memref<1x2048xf32, #tpu.memory_space<hbm>> -> memref<2048xf32, #tpu.memory_space<hbm>>
      %dma_start3A_182 = arith.constant 16384 : i32
      %dma_start3A_183 = tpu.memref_slice %arg3[%add3A, %dma_start3A_182] : memref<19x20480xf32, #tpu.memory_space<hbm>> -> memref<1x2048xf32, #tpu.memory_space<hbm>>
      %dma_start3A_184 = tpu.memref_squeeze %dma_start3A_183 : memref<1x2048xf32, #tpu.memory_space<hbm>> -> memref<2048xf32, #tpu.memory_space<hbm>>
      tpu.enqueue_dma source(%dma_start3A_184 : memref<2048xf32, #tpu.memory_space<hbm>>) target(%arg7 : memref<2048xf32, #tpu.memory_space<vmem>>) target_semaphore(%arg10 : memref<!tpu.dma_semaphore, #tpu.memory_space<semaphore_mem>>)
      %dma_wait3A_185 = arith.constant 14336 : i32
      %dma_wait3A_186 = tpu.memref_slice %arg2[%dma_wait3A_185] : memref<20480xi32, #tpu.memory_space<hbm>> -> memref<2048xi32, #tpu.memory_space<hbm>>
      %dma_wait3A_187 = arith.constant 14336 : i32
      %dma_wait3A_188 = tpu.memref_slice %arg2[%dma_wait3A_187] : memref<20480xi32, #tpu.memory_space<hbm>> -> memref<2048xi32, #tpu.memory_space<hbm>>
      tpu.wait_dma2 semaphore(%arg11 : memref<!tpu.dma_semaphore, #tpu.memory_space<semaphore_mem>>) src(%dma_wait3A_188 : memref<2048xi32, #tpu.memory_space<hbm>>) dst(%arg8 : memref<2048xi32, #tpu.memory_space<vmem>>)
      %dma_wait3A_189 = arith.constant 14336 : i32
      %dma_wait3A_190 = tpu.memref_slice %arg3[%add3A, %dma_wait3A_189] : memref<19x20480xf32, #tpu.memory_space<hbm>> -> memref<1x2048xf32, #tpu.memory_space<hbm>>
      %dma_wait3A_191 = tpu.memref_squeeze %dma_wait3A_190 : memref<1x2048xf32, #tpu.memory_space<hbm>> -> memref<2048xf32, #tpu.memory_space<hbm>>
      %dma_wait3A_192 = arith.constant 14336 : i32
      %dma_wait3A_193 = tpu.memref_slice %arg3[%add3A, %dma_wait3A_192] : memref<19x20480xf32, #tpu.memory_space<hbm>> -> memref<1x2048xf32, #tpu.memory_space<hbm>>
      %dma_wait3A_194 = tpu.memref_squeeze %dma_wait3A_193 : memref<1x2048xf32, #tpu.memory_space<hbm>> -> memref<2048xf32, #tpu.memory_space<hbm>>
      tpu.wait_dma2 semaphore(%arg11 : memref<!tpu.dma_semaphore, #tpu.memory_space<semaphore_mem>>) src(%dma_wait3A_194 : memref<2048xf32, #tpu.memory_space<hbm>>) dst(%arg9 : memref<2048xf32, #tpu.memory_space<vmem>>)
      %parallel_loop3A_195 = arith.constant 0 : i32
      %parallel_loop3A_196 = arith.constant 2048 : i32
      %parallel_loop3A_197 = arith.constant 16 : i32
      scf.for %parallel_loop3A_234 = %parallel_loop3A_195 to %parallel_loop3A_196 step %parallel_loop3A_197  : i32 {
        %parallel_loop3A_235 = arith.index_cast %parallel_loop3A_234 : i32 to index
        %parallel_loop3A_236 = tpu.vector_load %arg8[%parallel_loop3A_235] {strides = array<i32>} : memref<2048xi32, #tpu.memory_space<vmem>>, vector<16xi32>,
        %parallel_loop3A_237 = arith.index_cast %parallel_loop3A_234 : i32 to index
        %parallel_loop3A_238 = tpu.vector_load %arg9[%parallel_loop3A_237] {strides = array<i32>} : memref<2048xf32, #tpu.memory_space<vmem>>, vector<16xf32>,
        %parallel_loop3A_239 = arith.constant 110592 : i32
        %parallel_loop3A_240 = vector.broadcast %parallel_loop3A_239 : i32 to vector<16xi32>
        %parallel_loop3A_241 = arith.cmpi slt, %parallel_loop3A_236, %parallel_loop3A_240 : vector<16xi32>
        tpu.vector_store_idx %arg5[%parallel_loop3A_236], %parallel_loop3A_238 masked %parallel_loop3A_241 {add = true} : memref<110592xf32, #tpu.memory_space<vmem>>[vector<16xi32>], vector<16xf32>, vector<16xi1>
      } {sc.loop_unroll_factor = 4 : i64, sc.parallel_access}
      %dma_start3A_198 = arith.constant 18432 : i32
      %dma_start3A_199 = tpu.memref_slice %arg2[%dma_start3A_198] : memref<20480xi32, #tpu.memory_space<hbm>> -> memref<2048xi32, #tpu.memory_space<hbm>>
      %dma_start3A_200 = arith.constant 18432 : i32
      %dma_start3A_201 = tpu.memref_slice %arg2[%dma_start3A_200] : memref<20480xi32, #tpu.memory_space<hbm>> -> memref<2048xi32, #tpu.memory_space<hbm>>
      tpu.enqueue_dma source(%dma_start3A_201 : memref<2048xi32, #tpu.memory_space<hbm>>) target(%arg8 : memref<2048xi32, #tpu.memory_space<vmem>>) target_semaphore(%arg11 : memref<!tpu.dma_semaphore, #tpu.memory_space<semaphore_mem>>)
      %dma_start3A_202 = arith.constant 18432 : i32
      %dma_start3A_203 = tpu.memref_slice %arg3[%add3A, %dma_start3A_202] : memref<19x20480xf32, #tpu.memory_space<hbm>> -> memref<1x2048xf32, #tpu.memory_space<hbm>>
      %dma_start3A_204 = tpu.memref_squeeze %dma_start3A_203 : memref<1x2048xf32, #tpu.memory_space<hbm>> -> memref<2048xf32, #tpu.memory_space<hbm>>
      %dma_start3A_205 = arith.constant 18432 : i32
      %dma_start3A_206 = tpu.memref_slice %arg3[%add3A, %dma_start3A_205] : memref<19x20480xf32, #tpu.memory_space<hbm>> -> memref<1x2048xf32, #tpu.memory_space<hbm>>
      %dma_start3A_207 = tpu.memref_squeeze %dma_start3A_206 : memref<1x2048xf32, #tpu.memory_space<hbm>> -> memref<2048xf32, #tpu.memory_space<hbm>>
      tpu.enqueue_dma source(%dma_start3A_207 : memref<2048xf32, #tpu.memory_space<hbm>>) target(%arg9 : memref<2048xf32, #tpu.memory_space<vmem>>) target_semaphore(%arg11 : memref<!tpu.dma_semaphore, #tpu.memory_space<semaphore_mem>>)
      %dma_wait3A_208 = arith.constant 16384 : i32
      %dma_wait3A_209 = tpu.memref_slice %arg2[%dma_wait3A_208] : memref<20480xi32, #tpu.memory_space<hbm>> -> memref<2048xi32, #tpu.memory_space<hbm>>
      %dma_wait3A_210 = arith.constant 16384 : i32
      %dma_wait3A_211 = tpu.memref_slice %arg2[%dma_wait3A_210] : memref<20480xi32, #tpu.memory_space<hbm>> -> memref<2048xi32, #tpu.memory_space<hbm>>
      tpu.wait_dma2 semaphore(%arg10 : memref<!tpu.dma_semaphore, #tpu.memory_space<semaphore_mem>>) src(%dma_wait3A_211 : memref<2048xi32, #tpu.memory_space<hbm>>) dst(%arg6 : memref<2048xi32, #tpu.memory_space<vmem>>)
      %dma_wait3A_212 = arith.constant 16384 : i32
      %dma_wait3A_213 = tpu.memref_slice %arg3[%add3A, %dma_wait3A_212] : memref<19x20480xf32, #tpu.memory_space<hbm>> -> memref<1x2048xf32, #tpu.memory_space<hbm>>
      %dma_wait3A_214 = tpu.memref_squeeze %dma_wait3A_213 : memref<1x2048xf32, #tpu.memory_space<hbm>> -> memref<2048xf32, #tpu.memory_space<hbm>>
      %dma_wait3A_215 = arith.constant 16384 : i32
      %dma_wait3A_216 = tpu.memref_slice %arg3[%add3A, %dma_wait3A_215] : memref<19x20480xf32, #tpu.memory_space<hbm>> -> memref<1x2048xf32, #tpu.memory_space<hbm>>
      %dma_wait3A_217 = tpu.memref_squeeze %dma_wait3A_216 : memref<1x2048xf32, #tpu.memory_space<hbm>> -> memref<2048xf32, #tpu.memory_space<hbm>>
      tpu.wait_dma2 semaphore(%arg10 : memref<!tpu.dma_semaphore, #tpu.memory_space<semaphore_mem>>) src(%dma_wait3A_217 : memref<2048xf32, #tpu.memory_space<hbm>>) dst(%arg7 : memref<2048xf32, #tpu.memory_space<vmem>>)
      %parallel_loop3A_218 = arith.constant 0 : i32
      %parallel_loop3A_219 = arith.constant 2048 : i32
      %parallel_loop3A_220 = arith.constant 16 : i32
      scf.for %parallel_loop3A_234 = %parallel_loop3A_218 to %parallel_loop3A_219 step %parallel_loop3A_220  : i32 {
        %parallel_loop3A_235 = arith.index_cast %parallel_loop3A_234 : i32 to index
        %parallel_loop3A_236 = tpu.vector_load %arg6[%parallel_loop3A_235] {strides = array<i32>} : memref<2048xi32, #tpu.memory_space<vmem>>, vector<16xi32>,
        %parallel_loop3A_237 = arith.index_cast %parallel_loop3A_234 : i32 to index
        %parallel_loop3A_238 = tpu.vector_load %arg7[%parallel_loop3A_237] {strides = array<i32>} : memref<2048xf32, #tpu.memory_space<vmem>>, vector<16xf32>,
        %parallel_loop3A_239 = arith.constant 110592 : i32
        %parallel_loop3A_240 = vector.broadcast %parallel_loop3A_239 : i32 to vector<16xi32>
        %parallel_loop3A_241 = arith.cmpi slt, %parallel_loop3A_236, %parallel_loop3A_240 : vector<16xi32>
        tpu.vector_store_idx %arg5[%parallel_loop3A_236], %parallel_loop3A_238 masked %parallel_loop3A_241 {add = true} : memref<110592xf32, #tpu.memory_space<vmem>>[vector<16xi32>], vector<16xf32>, vector<16xi1>
      } {sc.loop_unroll_factor = 4 : i64, sc.parallel_access}
      %dma_wait3A_221 = arith.constant 18432 : i32
      %dma_wait3A_222 = tpu.memref_slice %arg2[%dma_wait3A_221] : memref<20480xi32, #tpu.memory_space<hbm>> -> memref<2048xi32, #tpu.memory_space<hbm>>
      %dma_wait3A_223 = arith.constant 18432 : i32
      %dma_wait3A_224 = tpu.memref_slice %arg2[%dma_wait3A_223] : memref<20480xi32, #tpu.memory_space<hbm>> -> memref<2048xi32, #tpu.memory_space<hbm>>
      tpu.wait_dma2 semaphore(%arg11 : memref<!tpu.dma_semaphore, #tpu.memory_space<semaphore_mem>>) src(%dma_wait3A_224 : memref<2048xi32, #tpu.memory_space<hbm>>) dst(%arg8 : memref<2048xi32, #tpu.memory_space<vmem>>)
      %dma_wait3A_225 = arith.constant 18432 : i32
      %dma_wait3A_226 = tpu.memref_slice %arg3[%add3A, %dma_wait3A_225] : memref<19x20480xf32, #tpu.memory_space<hbm>> -> memref<1x2048xf32, #tpu.memory_space<hbm>>
      %dma_wait3A_227 = tpu.memref_squeeze %dma_wait3A_226 : memref<1x2048xf32, #tpu.memory_space<hbm>> -> memref<2048xf32, #tpu.memory_space<hbm>>
      %dma_wait3A_228 = arith.constant 18432 : i32
      %dma_wait3A_229 = tpu.memref_slice %arg3[%add3A, %dma_wait3A_228] : memref<19x20480xf32, #tpu.memory_space<hbm>> -> memref<1x2048xf32, #tpu.memory_space<hbm>>
      %dma_wait3A_230 = tpu.memref_squeeze %dma_wait3A_229 : memref<1x2048xf32, #tpu.memory_space<hbm>> -> memref<2048xf32, #tpu.memory_space<hbm>>
      tpu.wait_dma2 semaphore(%arg11 : memref<!tpu.dma_semaphore, #tpu.memory_space<semaphore_mem>>) src(%dma_wait3A_230 : memref<2048xf32, #tpu.memory_space<hbm>>) dst(%arg9 : memref<2048xf32, #tpu.memory_space<vmem>>)
      %parallel_loop3A_231 = arith.constant 0 : i32
      %parallel_loop3A_232 = arith.constant 2048 : i32
      %parallel_loop3A_233 = arith.constant 16 : i32
      scf.for %parallel_loop3A_234 = %parallel_loop3A_231 to %parallel_loop3A_232 step %parallel_loop3A_233  : i32 {
        %parallel_loop3A_235 = arith.index_cast %parallel_loop3A_234 : i32 to index
        %parallel_loop3A_236 = tpu.vector_load %arg8[%parallel_loop3A_235] {strides = array<i32>} : memref<2048xi32, #tpu.memory_space<vmem>>, vector<16xi32>,
        %parallel_loop3A_237 = arith.index_cast %parallel_loop3A_234 : i32 to index
        %parallel_loop3A_238 = tpu.vector_load %arg9[%parallel_loop3A_237] {strides = array<i32>} : memref<2048xf32, #tpu.memory_space<vmem>>, vector<16xf32>,
        %parallel_loop3A_239 = arith.constant 110592 : i32
        %parallel_loop3A_240 = vector.broadcast %parallel_loop3A_239 : i32 to vector<16xi32>
        %parallel_loop3A_241 = arith.cmpi slt, %parallel_loop3A_236, %parallel_loop3A_240 : vector<16xi32>
        tpu.vector_store_idx %arg5[%parallel_loop3A_236], %parallel_loop3A_238 masked %parallel_loop3A_241 {add = true} : memref<110592xf32, #tpu.memory_space<vmem>>[vector<16xi32>], vector<16xf32>, vector<16xi1>
      } {sc.loop_unroll_factor = 4 : i64, sc.parallel_access}
      "tpu.region"() ({
        %run_scoped3A = tpu.sem_alloc : memref<!tpu.dma_semaphore, #tpu.memory_space<semaphore_mem>>
        %dma_start3A_234 = arith.constant 0 : i32
        %dma_start3A_235 = tpu.memref_slice %arg4[%add3A, %dma_start3A_234] : memref<19x110592xf32, #tpu.memory_space<hbm>> -> memref<1x110592xf32, #tpu.memory_space<hbm>>
        %dma_start3A_236 = tpu.memref_squeeze %dma_start3A_235 : memref<1x110592xf32, #tpu.memory_space<hbm>> -> memref<110592xf32, #tpu.memory_space<hbm>>
        %dma_start3A_237 = arith.constant 0 : i32
        %dma_start3A_238 = tpu.memref_slice %arg4[%add3A, %dma_start3A_237] : memref<19x110592xf32, #tpu.memory_space<hbm>> -> memref<1x110592xf32, #tpu.memory_space<hbm>>
        %dma_start3A_239 = tpu.memref_squeeze %dma_start3A_238 : memref<1x110592xf32, #tpu.memory_space<hbm>> -> memref<110592xf32, #tpu.memory_space<hbm>>
        tpu.enqueue_dma source(%arg5 : memref<110592xf32, #tpu.memory_space<vmem>>) target(%dma_start3A_239 : memref<110592xf32, #tpu.memory_space<hbm>>) target_semaphore(%run_scoped3A : memref<!tpu.dma_semaphore, #tpu.memory_space<semaphore_mem>>)
        %dma_wait3A_240 = arith.constant 0 : i32
        %dma_wait3A_241 = tpu.memref_slice %arg4[%add3A, %dma_wait3A_240] : memref<19x110592xf32, #tpu.memory_space<hbm>> -> memref<1x110592xf32, #tpu.memory_space<hbm>>
        %dma_wait3A_242 = tpu.memref_squeeze %dma_wait3A_241 : memref<1x110592xf32, #tpu.memory_space<hbm>> -> memref<110592xf32, #tpu.memory_space<hbm>>
        %dma_wait3A_243 = arith.constant 0 : i32
        %dma_wait3A_244 = tpu.memref_slice %arg4[%add3A, %dma_wait3A_243] : memref<19x110592xf32, #tpu.memory_space<hbm>> -> memref<1x110592xf32, #tpu.memory_space<hbm>>
        %dma_wait3A_245 = tpu.memref_squeeze %dma_wait3A_244 : memref<1x110592xf32, #tpu.memory_space<hbm>> -> memref<110592xf32, #tpu.memory_space<hbm>>
        tpu.wait_dma2 semaphore(%run_scoped3A : memref<!tpu.dma_semaphore, #tpu.memory_space<semaphore_mem>>) src(%arg5 : memref<110592xf32, #tpu.memory_space<vmem>>) dst(%dma_wait3A_245 : memref<110592xf32, #tpu.memory_space<hbm>>)
        tpu.yield
      }) : () -> ()
    } else {
    }
    return
  }
}

module attributes {stable_mosaic.version = 14 : i64} {
  func.func @_bin_body(%arg0: memref<3x20480xf32, #tpu.memory_space<vmem>>, %arg1: memref<19x20480xf32, #tpu.memory_space<vmem>>, %arg2: memref<1x20480xi32, #tpu.memory_space<vmem>>, %arg3: memref<19x20480xf32, #tpu.memory_space<vmem>>) attributes {dimension_semantics = [], scalar_prefetch = 0 : i64, scratch_operands = 0 : i64, tpu.core_type = #tpu.core_type<tc>} {
    %get3A = arith.constant 0 : index
    %get3A_0 = arith.constant 0 : index
    %get3A_1 = vector.load %arg0[%get3A, %get3A_0] : memref<3x20480xf32, #tpu.memory_space<vmem>>, vector<1x20480xf32>
    %get3A_2 = arith.constant 1 : index
    %get3A_3 = arith.constant 0 : index
    %get3A_4 = vector.load %arg0[%get3A_2, %get3A_3] : memref<3x20480xf32, #tpu.memory_space<vmem>>, vector<1x20480xf32>
    %get3A_5 = arith.constant 2 : index
    %get3A_6 = arith.constant 0 : index
    %get3A_7 = vector.load %arg0[%get3A_5, %get3A_6] : memref<3x20480xf32, #tpu.memory_space<vmem>>, vector<1x20480xf32>
    %ne3A = arith.constant 0.000000e+00 : f32
    %ne3A_8 = vector.broadcast %ne3A : f32 to vector<1x20480xf32>
    %ne3A_9 = arith.cmpf one, %get3A_1, %ne3A_8 : vector<1x20480xf32>
    %ne3A_10 = arith.constant 0.000000e+00 : f32
    %ne3A_11 = vector.broadcast %ne3A_10 : f32 to vector<1x20480xf32>
    %ne3A_12 = arith.cmpf one, %get3A_4, %ne3A_11 : vector<1x20480xf32>
    %and3A = arith.andi %ne3A_9, %ne3A_12 : vector<1x20480xi1>
    %ne3A_13 = arith.constant 0.000000e+00 : f32
    %ne3A_14 = vector.broadcast %ne3A_13 : f32 to vector<1x20480xf32>
    %ne3A_15 = arith.cmpf one, %get3A_7, %ne3A_14 : vector<1x20480xf32>
    %and3A_16 = arith.andi %and3A, %ne3A_15 : vector<1x20480xi1>
    %jit3A = arith.constant 0x7F800000 : f32
    %broadcast_in_dim3A = vector.broadcast %jit3A : f32 to vector<1x20480xf32>
    %select_n3A = arith.select %and3A_16, %get3A_7, %broadcast_in_dim3A : vector<1x20480xi1>, vector<1x20480xf32>
    %reduce_min3A = arith.constant dense<0x7F800000> : vector<1xf32>
    %reduce_min3A_17 = vector.multi_reduction <minimumf>, %select_n3A, %reduce_min3A [1] : vector<1x20480xf32> to vector<1xf32>
    %broadcast_in_dim3A_18 = vector.shape_cast %reduce_min3A_17 : vector<1xf32> to vector<1x1xf32>
    %jit3A_19 = arith.constant 0xFF800000 : f32
    %broadcast_in_dim3A_20 = vector.broadcast %jit3A_19 : f32 to vector<1x20480xf32>
    %select_n3A_21 = arith.select %and3A_16, %get3A_7, %broadcast_in_dim3A_20 : vector<1x20480xi1>, vector<1x20480xf32>
    %reduce_max3A = arith.constant dense<0xFF800000> : vector<1xf32>
    %reduce_max3A_22 = vector.multi_reduction <maximumf>, %select_n3A_21, %reduce_max3A [1] : vector<1x20480xf32> to vector<1xf32>
    %broadcast_in_dim3A_23 = vector.shape_cast %reduce_max3A_22 : vector<1xf32> to vector<1x1xf32>
    %sub3A = vector.broadcast %broadcast_in_dim3A_18 : vector<1x1xf32> to vector<1x20480xf32>
    %sub3A_24 = arith.subf %get3A_7, %sub3A : vector<1x20480xf32>
    %sub3A_25 = arith.subf %broadcast_in_dim3A_23, %broadcast_in_dim3A_18 : vector<1x1xf32>
    %div3A = vector.broadcast %sub3A_25 : vector<1x1xf32> to vector<1x20480xf32>
    %div3A_26 = arith.divf %sub3A_24, %div3A : vector<1x20480xf32>
    %mul3A = arith.constant 4.700000e+01 : f32
    %mul3A_27 = vector.broadcast %mul3A : f32 to vector<1x20480xf32>
    %mul3A_28 = arith.mulf %div3A_26, %mul3A_27 : vector<1x20480xf32>
    %floor3A = math.floor %mul3A_28 : vector<1x20480xf32>
    %convert_element_type3A = arith.fptosi %floor3A : vector<1x20480xf32> to vector<1x20480xi32>
    %jit3A_29 = arith.constant 0 : i32
    %jit3A_30 = arith.constant 47 : i32
    %max3A = vector.broadcast %jit3A_29 : i32 to vector<1x20480xi32>
    %max3A_31 = arith.maxsi %max3A, %convert_element_type3A : vector<1x20480xi32>
    %min3A = vector.broadcast %jit3A_30 : i32 to vector<1x20480xi32>
    %min3A_32 = arith.minsi %min3A, %max3A_31 : vector<1x20480xi32>
    %mul3A_33 = arith.constant 2304 : i32
    %mul3A_34 = vector.broadcast %mul3A_33 : i32 to vector<1x20480xi32>
    %mul3A_35 = arith.muli %min3A_32, %mul3A_34 : vector<1x20480xi32>
    %jit3A_36 = arith.constant 0x7F800000 : f32
    %broadcast_in_dim3A_37 = vector.broadcast %jit3A_36 : f32 to vector<1x20480xf32>
    %select_n3A_38 = arith.select %and3A_16, %get3A_4, %broadcast_in_dim3A_37 : vector<1x20480xi1>, vector<1x20480xf32>
    %reduce_min3A_39 = arith.constant dense<0x7F800000> : vector<1xf32>
    %reduce_min3A_40 = vector.multi_reduction <minimumf>, %select_n3A_38, %reduce_min3A_39 [1] : vector<1x20480xf32> to vector<1xf32>
    %broadcast_in_dim3A_41 = vector.shape_cast %reduce_min3A_40 : vector<1xf32> to vector<1x1xf32>
    %jit3A_42 = arith.constant 0xFF800000 : f32
    %broadcast_in_dim3A_43 = vector.broadcast %jit3A_42 : f32 to vector<1x20480xf32>
    %select_n3A_44 = arith.select %and3A_16, %get3A_4, %broadcast_in_dim3A_43 : vector<1x20480xi1>, vector<1x20480xf32>
    %reduce_max3A_45 = arith.constant dense<0xFF800000> : vector<1xf32>
    %reduce_max3A_46 = vector.multi_reduction <maximumf>, %select_n3A_44, %reduce_max3A_45 [1] : vector<1x20480xf32> to vector<1xf32>
    %broadcast_in_dim3A_47 = vector.shape_cast %reduce_max3A_46 : vector<1xf32> to vector<1x1xf32>
    %sub3A_48 = vector.broadcast %broadcast_in_dim3A_41 : vector<1x1xf32> to vector<1x20480xf32>
    %sub3A_49 = arith.subf %get3A_4, %sub3A_48 : vector<1x20480xf32>
    %sub3A_50 = arith.subf %broadcast_in_dim3A_47, %broadcast_in_dim3A_41 : vector<1x1xf32>
    %div3A_51 = vector.broadcast %sub3A_50 : vector<1x1xf32> to vector<1x20480xf32>
    %div3A_52 = arith.divf %sub3A_49, %div3A_51 : vector<1x20480xf32>
    %mul3A_53 = arith.constant 4.700000e+01 : f32
    %mul3A_54 = vector.broadcast %mul3A_53 : f32 to vector<1x20480xf32>
    %mul3A_55 = arith.mulf %div3A_52, %mul3A_54 : vector<1x20480xf32>
    %floor3A_56 = math.floor %mul3A_55 : vector<1x20480xf32>
    %convert_element_type3A_57 = arith.fptosi %floor3A_56 : vector<1x20480xf32> to vector<1x20480xi32>
    %jit3A_58 = arith.constant 0 : i32
    %jit3A_59 = arith.constant 47 : i32
    %max3A_60 = vector.broadcast %jit3A_58 : i32 to vector<1x20480xi32>
    %max3A_61 = arith.maxsi %max3A_60, %convert_element_type3A_57 : vector<1x20480xi32>
    %min3A_62 = vector.broadcast %jit3A_59 : i32 to vector<1x20480xi32>
    %min3A_63 = arith.minsi %min3A_62, %max3A_61 : vector<1x20480xi32>
    %mul3A_64 = arith.constant 48 : i32
    %mul3A_65 = vector.broadcast %mul3A_64 : i32 to vector<1x20480xi32>
    %mul3A_66 = arith.muli %min3A_63, %mul3A_65 : vector<1x20480xi32>
    %add3A = arith.addi %mul3A_35, %mul3A_66 : vector<1x20480xi32>
    %jit3A_67 = arith.constant 0x7F800000 : f32
    %broadcast_in_dim3A_68 = vector.broadcast %jit3A_67 : f32 to vector<1x20480xf32>
    %select_n3A_69 = arith.select %and3A_16, %get3A_1, %broadcast_in_dim3A_68 : vector<1x20480xi1>, vector<1x20480xf32>
    %reduce_min3A_70 = arith.constant dense<0x7F800000> : vector<1xf32>
    %reduce_min3A_71 = vector.multi_reduction <minimumf>, %select_n3A_69, %reduce_min3A_70 [1] : vector<1x20480xf32> to vector<1xf32>
    %broadcast_in_dim3A_72 = vector.shape_cast %reduce_min3A_71 : vector<1xf32> to vector<1x1xf32>
    %jit3A_73 = arith.constant 0xFF800000 : f32
    %broadcast_in_dim3A_74 = vector.broadcast %jit3A_73 : f32 to vector<1x20480xf32>
    %select_n3A_75 = arith.select %and3A_16, %get3A_1, %broadcast_in_dim3A_74 : vector<1x20480xi1>, vector<1x20480xf32>
    %reduce_max3A_76 = arith.constant dense<0xFF800000> : vector<1xf32>
    %reduce_max3A_77 = vector.multi_reduction <maximumf>, %select_n3A_75, %reduce_max3A_76 [1] : vector<1x20480xf32> to vector<1xf32>
    %broadcast_in_dim3A_78 = vector.shape_cast %reduce_max3A_77 : vector<1xf32> to vector<1x1xf32>
    %sub3A_79 = vector.broadcast %broadcast_in_dim3A_72 : vector<1x1xf32> to vector<1x20480xf32>
    %sub3A_80 = arith.subf %get3A_1, %sub3A_79 : vector<1x20480xf32>
    %sub3A_81 = arith.subf %broadcast_in_dim3A_78, %broadcast_in_dim3A_72 : vector<1x1xf32>
    %div3A_82 = vector.broadcast %sub3A_81 : vector<1x1xf32> to vector<1x20480xf32>
    %div3A_83 = arith.divf %sub3A_80, %div3A_82 : vector<1x20480xf32>
    %mul3A_84 = arith.constant 4.700000e+01 : f32
    %mul3A_85 = vector.broadcast %mul3A_84 : f32 to vector<1x20480xf32>
    %mul3A_86 = arith.mulf %div3A_83, %mul3A_85 : vector<1x20480xf32>
    %floor3A_87 = math.floor %mul3A_86 : vector<1x20480xf32>
    %convert_element_type3A_88 = arith.fptosi %floor3A_87 : vector<1x20480xf32> to vector<1x20480xi32>
    %jit3A_89 = arith.constant 0 : i32
    %jit3A_90 = arith.constant 47 : i32
    %max3A_91 = vector.broadcast %jit3A_89 : i32 to vector<1x20480xi32>
    %max3A_92 = arith.maxsi %max3A_91, %convert_element_type3A_88 : vector<1x20480xi32>
    %min3A_93 = vector.broadcast %jit3A_90 : i32 to vector<1x20480xi32>
    %min3A_94 = arith.minsi %min3A_93, %max3A_92 : vector<1x20480xi32>
    %add3A_95 = arith.addi %add3A, %min3A_94 : vector<1x20480xi32>
    %jit3A_96 = arith.constant 110592 : i32
    %broadcast_in_dim3A_97 = vector.broadcast %jit3A_96 : i32 to vector<1x20480xi32>
    %select_n3A_98 = arith.select %and3A_16, %add3A_95, %broadcast_in_dim3A_97 : vector<1x20480xi1>, vector<1x20480xi32>
    %swap3A = arith.constant 0 : index
    %swap3A_99 = arith.constant 0 : index
    %swap3A_100 = vector.load %arg2[%swap3A, %swap3A_99] : memref<1x20480xi32, #tpu.memory_space<vmem>>, vector<1x20480xi32>
    tpu.vector_store %arg2[%swap3A, %swap3A_99], %select_n3A_98 {strides = array<i32>} : memref<1x20480xi32, #tpu.memory_space<vmem>>, vector<1x20480xi32>,
    %get3A_101 = arith.constant 0 : index
    %get3A_102 = arith.constant 0 : index
    %get3A_103 = vector.load %arg1[%get3A_101, %get3A_102] : memref<19x20480xf32, #tpu.memory_space<vmem>>, vector<19x20480xf32>
    %convert_element_type3A_104 = arith.extui %and3A_16 : vector<1x20480xi1> to vector<1x20480xi32>
    %convert_element_type3A_105 = arith.sitofp %convert_element_type3A_104 : vector<1x20480xi32> to vector<1x20480xf32>
    %mul3A_106 = vector.broadcast %convert_element_type3A_105 : vector<1x20480xf32> to vector<19x20480xf32>
    %mul3A_107 = arith.mulf %get3A_103, %mul3A_106 : vector<19x20480xf32>
    %swap3A_108 = arith.constant 0 : index
    %swap3A_109 = arith.constant 0 : index
    %swap3A_110 = vector.load %arg3[%swap3A_108, %swap3A_109] : memref<19x20480xf32, #tpu.memory_space<vmem>>, vector<19x20480xf32>
    tpu.vector_store %arg3[%swap3A_108, %swap3A_109], %mul3A_107 {strides = array<i32>} : memref<19x20480xf32, #tpu.memory_space<vmem>>, vector<19x20480xf32>,
    return
  }
}

module attributes {stable_mosaic.version = 14 : i64} {
  func.func @_conv_body(%arg0: i32, %arg1: memref<1x48x48x48xf32, #tpu.memory_space<vmem>>, %arg2: memref<1x48x48x48xf32, #tpu.memory_space<vmem>>) attributes {dimension_semantics = [#tpu.dimension_semantics<arbitrary>], iteration_bounds = array<i64: 19>, scalar_prefetch = 0 : i64, scratch_operands = 0 : i64, tpu.core_type = #tpu.core_type<tc>, window_params = [{transform_indices = @transform_0, window_bounds = array<i64: 1, 48, 48, 48>}, {transform_indices = @transform_1, window_bounds = array<i64: 1, 48, 48, 48>}]} {
    %broadcast_in_dim3A = arith.constant 0.000000e+00 : f32
    %broadcast_in_dim3A_0 = vector.broadcast %broadcast_in_dim3A : f32 to vector<1x48xf32>
    %broadcast_in_dim3A_1 = arith.constant 0.000000e+00 : f32
    %broadcast_in_dim3A_2 = vector.broadcast %broadcast_in_dim3A_1 : f32 to vector<48x1xf32>
    %get3A = arith.constant 0 : index
    %get3A_3 = arith.constant 0 : index
    %get3A_4 = arith.constant 0 : index
    %get3A_5 = arith.constant 0 : index
    %get3A_6 = vector.load %arg1[%get3A, %get3A_3, %get3A_4, %get3A_5] : memref<1x48x48x48xf32, #tpu.memory_space<vmem>>, vector<1x1x48x48xf32>
    %get3A_7 = vector.shape_cast %get3A_6 : vector<1x1x48x48xf32> to vector<48x48xf32>
    %get3A_8 = arith.constant 0 : index
    %get3A_9 = arith.constant 1 : index
    %get3A_10 = arith.constant 0 : index
    %get3A_11 = arith.constant 0 : index
    %get3A_12 = vector.load %arg1[%get3A_8, %get3A_9, %get3A_10, %get3A_11] : memref<1x48x48x48xf32, #tpu.memory_space<vmem>>, vector<1x1x48x48xf32>
    %get3A_13 = vector.shape_cast %get3A_12 : vector<1x1x48x48xf32> to vector<48x48xf32>
    %add3A = arith.addf %get3A_7, %get3A_13 : vector<48x48xf32>
    %slice3A = vector.extract_strided_slice %add3A {offsets = [1, 0], sizes = [47, 48], strides = [1, 1]} : vector<48x48xf32> to vector<47x48xf32>
    %concatenate3A = tpu.concatenate %slice3A, %broadcast_in_dim3A_0 in 0 : vector<47x48xf32>, vector<1x48xf32> -> vector<48x48xf32>
    %add3A_14 = arith.addf %add3A, %concatenate3A : vector<48x48xf32>
    %slice3A_15 = vector.extract_strided_slice %add3A {offsets = [0, 0], sizes = [47, 48], strides = [1, 1]} : vector<48x48xf32> to vector<47x48xf32>
    %concatenate3A_16 = tpu.concatenate %broadcast_in_dim3A_0, %slice3A_15 in 0 : vector<1x48xf32>, vector<47x48xf32> -> vector<48x48xf32>
    %add3A_17 = arith.addf %add3A_14, %concatenate3A_16 : vector<48x48xf32>
    %slice3A_18 = vector.extract_strided_slice %add3A_17 {offsets = [0, 1], sizes = [48, 47], strides = [1, 1]} : vector<48x48xf32> to vector<48x47xf32>
    %concatenate3A_19 = tpu.concatenate %slice3A_18, %broadcast_in_dim3A_2 in 1 : vector<48x47xf32>, vector<48x1xf32> -> vector<48x48xf32>
    %add3A_20 = arith.addf %add3A_17, %concatenate3A_19 : vector<48x48xf32>
    %slice3A_21 = vector.extract_strided_slice %add3A_17 {offsets = [0, 0], sizes = [48, 47], strides = [1, 1]} : vector<48x48xf32> to vector<48x47xf32>
    %concatenate3A_22 = tpu.concatenate %broadcast_in_dim3A_2, %slice3A_21 in 1 : vector<48x1xf32>, vector<48x47xf32> -> vector<48x48xf32>
    %add3A_23 = arith.addf %add3A_20, %concatenate3A_22 : vector<48x48xf32>
    %swap3A = arith.constant 0 : index
    %swap3A_24 = arith.constant 0 : index
    %swap3A_25 = arith.constant 0 : index
    %swap3A_26 = arith.constant 0 : index
    %swap3A_27 = vector.load %arg2[%swap3A, %swap3A_24, %swap3A_25, %swap3A_26] : memref<1x48x48x48xf32, #tpu.memory_space<vmem>>, vector<1x1x48x48xf32>
    %swap3A_28 = vector.shape_cast %swap3A_27 : vector<1x1x48x48xf32> to vector<48x48xf32>
    %swap3A_29 = vector.shape_cast %add3A_23 : vector<48x48xf32> to vector<1x1x48x48xf32>
    tpu.vector_store %arg2[%swap3A, %swap3A_24, %swap3A_25, %swap3A_26], %swap3A_29 {strides = array<i32>} : memref<1x48x48x48xf32, #tpu.memory_space<vmem>>, vector<1x1x48x48xf32>,
    %get3A_30 = arith.constant 0 : index
    %get3A_31 = arith.constant 2 : index
    %get3A_32 = arith.constant 0 : index
    %get3A_33 = arith.constant 0 : index
    %get3A_34 = vector.load %arg1[%get3A_30, %get3A_31, %get3A_32, %get3A_33] : memref<1x48x48x48xf32, #tpu.memory_space<vmem>>, vector<1x1x48x48xf32>
    %get3A_35 = vector.shape_cast %get3A_34 : vector<1x1x48x48xf32> to vector<48x48xf32>
    %add3A_36 = arith.addf %get3A_13, %get3A_7 : vector<48x48xf32>
    %add3A_37 = arith.addf %add3A_36, %get3A_35 : vector<48x48xf32>
    %slice3A_38 = vector.extract_strided_slice %add3A_37 {offsets = [1, 0], sizes = [47, 48], strides = [1, 1]} : vector<48x48xf32> to vector<47x48xf32>
    %concatenate3A_39 = tpu.concatenate %slice3A_38, %broadcast_in_dim3A_0 in 0 : vector<47x48xf32>, vector<1x48xf32> -> vector<48x48xf32>
    %add3A_40 = arith.addf %add3A_37, %concatenate3A_39 : vector<48x48xf32>
    %slice3A_41 = vector.extract_strided_slice %add3A_37 {offsets = [0, 0], sizes = [47, 48], strides = [1, 1]} : vector<48x48xf32> to vector<47x48xf32>
    %concatenate3A_42 = tpu.concatenate %broadcast_in_dim3A_0, %slice3A_41 in 0 : vector<1x48xf32>, vector<47x48xf32> -> vector<48x48xf32>
    %add3A_43 = arith.addf %add3A_40, %concatenate3A_42 : vector<48x48xf32>
    %slice3A_44 = vector.extract_strided_slice %add3A_43 {offsets = [0, 1], sizes = [48, 47], strides = [1, 1]} : vector<48x48xf32> to vector<48x47xf32>
    %concatenate3A_45 = tpu.concatenate %slice3A_44, %broadcast_in_dim3A_2 in 1 : vector<48x47xf32>, vector<48x1xf32> -> vector<48x48xf32>
    %add3A_46 = arith.addf %add3A_43, %concatenate3A_45 : vector<48x48xf32>
    %slice3A_47 = vector.extract_strided_slice %add3A_43 {offsets = [0, 0], sizes = [48, 47], strides = [1, 1]} : vector<48x48xf32> to vector<48x47xf32>
    %concatenate3A_48 = tpu.concatenate %broadcast_in_dim3A_2, %slice3A_47 in 1 : vector<48x1xf32>, vector<48x47xf32> -> vector<48x48xf32>
    %add3A_49 = arith.addf %add3A_46, %concatenate3A_48 : vector<48x48xf32>
    %swap3A_50 = arith.constant 0 : index
    %swap3A_51 = arith.constant 1 : index
    %swap3A_52 = arith.constant 0 : index
    %swap3A_53 = arith.constant 0 : index
    %swap3A_54 = vector.load %arg2[%swap3A_50, %swap3A_51, %swap3A_52, %swap3A_53] : memref<1x48x48x48xf32, #tpu.memory_space<vmem>>, vector<1x1x48x48xf32>
    %swap3A_55 = vector.shape_cast %swap3A_54 : vector<1x1x48x48xf32> to vector<48x48xf32>
    %swap3A_56 = vector.shape_cast %add3A_49 : vector<48x48xf32> to vector<1x1x48x48xf32>
    tpu.vector_store %arg2[%swap3A_50, %swap3A_51, %swap3A_52, %swap3A_53], %swap3A_56 {strides = array<i32>} : memref<1x48x48x48xf32, #tpu.memory_space<vmem>>, vector<1x1x48x48xf32>,
    %get3A_57 = arith.constant 0 : index
    %get3A_58 = arith.constant 3 : index
    %get3A_59 = arith.constant 0 : index
    %get3A_60 = arith.constant 0 : index
    %get3A_61 = vector.load %arg1[%get3A_57, %get3A_58, %get3A_59, %get3A_60] : memref<1x48x48x48xf32, #tpu.memory_space<vmem>>, vector<1x1x48x48xf32>
    %get3A_62 = vector.shape_cast %get3A_61 : vector<1x1x48x48xf32> to vector<48x48xf32>
    %add3A_63 = arith.addf %get3A_35, %get3A_13 : vector<48x48xf32>
    %add3A_64 = arith.addf %add3A_63, %get3A_62 : vector<48x48xf32>
    %slice3A_65 = vector.extract_strided_slice %add3A_64 {offsets = [1, 0], sizes = [47, 48], strides = [1, 1]} : vector<48x48xf32> to vector<47x48xf32>
    %concatenate3A_66 = tpu.concatenate %slice3A_65, %broadcast_in_dim3A_0 in 0 : vector<47x48xf32>, vector<1x48xf32> -> vector<48x48xf32>
    %add3A_67 = arith.addf %add3A_64, %concatenate3A_66 : vector<48x48xf32>
    %slice3A_68 = vector.extract_strided_slice %add3A_64 {offsets = [0, 0], sizes = [47, 48], strides = [1, 1]} : vector<48x48xf32> to vector<47x48xf32>
    %concatenate3A_69 = tpu.concatenate %broadcast_in_dim3A_0, %slice3A_68 in 0 : vector<1x48xf32>, vector<47x48xf32> -> vector<48x48xf32>
    %add3A_70 = arith.addf %add3A_67, %concatenate3A_69 : vector<48x48xf32>
    %slice3A_71 = vector.extract_strided_slice %add3A_70 {offsets = [0, 1], sizes = [48, 47], strides = [1, 1]} : vector<48x48xf32> to vector<48x47xf32>
    %concatenate3A_72 = tpu.concatenate %slice3A_71, %broadcast_in_dim3A_2 in 1 : vector<48x47xf32>, vector<48x1xf32> -> vector<48x48xf32>
    %add3A_73 = arith.addf %add3A_70, %concatenate3A_72 : vector<48x48xf32>
    %slice3A_74 = vector.extract_strided_slice %add3A_70 {offsets = [0, 0], sizes = [48, 47], strides = [1, 1]} : vector<48x48xf32> to vector<48x47xf32>
    %concatenate3A_75 = tpu.concatenate %broadcast_in_dim3A_2, %slice3A_74 in 1 : vector<48x1xf32>, vector<48x47xf32> -> vector<48x48xf32>
    %add3A_76 = arith.addf %add3A_73, %concatenate3A_75 : vector<48x48xf32>
    %swap3A_77 = arith.constant 0 : index
    %swap3A_78 = arith.constant 2 : index
    %swap3A_79 = arith.constant 0 : index
    %swap3A_80 = arith.constant 0 : index
    %swap3A_81 = vector.load %arg2[%swap3A_77, %swap3A_78, %swap3A_79, %swap3A_80] : memref<1x48x48x48xf32, #tpu.memory_space<vmem>>, vector<1x1x48x48xf32>
    %swap3A_82 = vector.shape_cast %swap3A_81 : vector<1x1x48x48xf32> to vector<48x48xf32>
    %swap3A_83 = vector.shape_cast %add3A_76 : vector<48x48xf32> to vector<1x1x48x48xf32>
    tpu.vector_store %arg2[%swap3A_77, %swap3A_78, %swap3A_79, %swap3A_80], %swap3A_83 {strides = array<i32>} : memref<1x48x48x48xf32, #tpu.memory_space<vmem>>, vector<1x1x48x48xf32>,
    %get3A_84 = arith.constant 0 : index
    %get3A_85 = arith.constant 4 : index
    %get3A_86 = arith.constant 0 : index
    %get3A_87 = arith.constant 0 : index
    %get3A_88 = vector.load %arg1[%get3A_84, %get3A_85, %get3A_86, %get3A_87] : memref<1x48x48x48xf32, #tpu.memory_space<vmem>>, vector<1x1x48x48xf32>
    %get3A_89 = vector.shape_cast %get3A_88 : vector<1x1x48x48xf32> to vector<48x48xf32>
    %add3A_90 = arith.addf %get3A_62, %get3A_35 : vector<48x48xf32>
    %add3A_91 = arith.addf %add3A_90, %get3A_89 : vector<48x48xf32>
    %slice3A_92 = vector.extract_strided_slice %add3A_91 {offsets = [1, 0], sizes = [47, 48], strides = [1, 1]} : vector<48x48xf32> to vector<47x48xf32>
    %concatenate3A_93 = tpu.concatenate %slice3A_92, %broadcast_in_dim3A_0 in 0 : vector<47x48xf32>, vector<1x48xf32> -> vector<48x48xf32>
    %add3A_94 = arith.addf %add3A_91, %concatenate3A_93 : vector<48x48xf32>
    %slice3A_95 = vector.extract_strided_slice %add3A_91 {offsets = [0, 0], sizes = [47, 48], strides = [1, 1]} : vector<48x48xf32> to vector<47x48xf32>
    %concatenate3A_96 = tpu.concatenate %broadcast_in_dim3A_0, %slice3A_95 in 0 : vector<1x48xf32>, vector<47x48xf32> -> vector<48x48xf32>
    %add3A_97 = arith.addf %add3A_94, %concatenate3A_96 : vector<48x48xf32>
    %slice3A_98 = vector.extract_strided_slice %add3A_97 {offsets = [0, 1], sizes = [48, 47], strides = [1, 1]} : vector<48x48xf32> to vector<48x47xf32>
    %concatenate3A_99 = tpu.concatenate %slice3A_98, %broadcast_in_dim3A_2 in 1 : vector<48x47xf32>, vector<48x1xf32> -> vector<48x48xf32>
    %add3A_100 = arith.addf %add3A_97, %concatenate3A_99 : vector<48x48xf32>
    %slice3A_101 = vector.extract_strided_slice %add3A_97 {offsets = [0, 0], sizes = [48, 47], strides = [1, 1]} : vector<48x48xf32> to vector<48x47xf32>
    %concatenate3A_102 = tpu.concatenate %broadcast_in_dim3A_2, %slice3A_101 in 1 : vector<48x1xf32>, vector<48x47xf32> -> vector<48x48xf32>
    %add3A_103 = arith.addf %add3A_100, %concatenate3A_102 : vector<48x48xf32>
    %swap3A_104 = arith.constant 0 : index
    %swap3A_105 = arith.constant 3 : index
    %swap3A_106 = arith.constant 0 : index
    %swap3A_107 = arith.constant 0 : index
    %swap3A_108 = vector.load %arg2[%swap3A_104, %swap3A_105, %swap3A_106, %swap3A_107] : memref<1x48x48x48xf32, #tpu.memory_space<vmem>>, vector<1x1x48x48xf32>
    %swap3A_109 = vector.shape_cast %swap3A_108 : vector<1x1x48x48xf32> to vector<48x48xf32>
    %swap3A_110 = vector.shape_cast %add3A_103 : vector<48x48xf32> to vector<1x1x48x48xf32>
    tpu.vector_store %arg2[%swap3A_104, %swap3A_105, %swap3A_106, %swap3A_107], %swap3A_110 {strides = array<i32>} : memref<1x48x48x48xf32, #tpu.memory_space<vmem>>, vector<1x1x48x48xf32>,
    %get3A_111 = arith.constant 0 : index
    %get3A_112 = arith.constant 5 : index
    %get3A_113 = arith.constant 0 : index
    %get3A_114 = arith.constant 0 : index
    %get3A_115 = vector.load %arg1[%get3A_111, %get3A_112, %get3A_113, %get3A_114] : memref<1x48x48x48xf32, #tpu.memory_space<vmem>>, vector<1x1x48x48xf32>
    %get3A_116 = vector.shape_cast %get3A_115 : vector<1x1x48x48xf32> to vector<48x48xf32>
    %add3A_117 = arith.addf %get3A_89, %get3A_62 : vector<48x48xf32>
    %add3A_118 = arith.addf %add3A_117, %get3A_116 : vector<48x48xf32>
    %slice3A_119 = vector.extract_strided_slice %add3A_118 {offsets = [1, 0], sizes = [47, 48], strides = [1, 1]} : vector<48x48xf32> to vector<47x48xf32>
    %concatenate3A_120 = tpu.concatenate %slice3A_119, %broadcast_in_dim3A_0 in 0 : vector<47x48xf32>, vector<1x48xf32> -> vector<48x48xf32>
    %add3A_121 = arith.addf %add3A_118, %concatenate3A_120 : vector<48x48xf32>
    %slice3A_122 = vector.extract_strided_slice %add3A_118 {offsets = [0, 0], sizes = [47, 48], strides = [1, 1]} : vector<48x48xf32> to vector<47x48xf32>
    %concatenate3A_123 = tpu.concatenate %broadcast_in_dim3A_0, %slice3A_122 in 0 : vector<1x48xf32>, vector<47x48xf32> -> vector<48x48xf32>
    %add3A_124 = arith.addf %add3A_121, %concatenate3A_123 : vector<48x48xf32>
    %slice3A_125 = vector.extract_strided_slice %add3A_124 {offsets = [0, 1], sizes = [48, 47], strides = [1, 1]} : vector<48x48xf32> to vector<48x47xf32>
    %concatenate3A_126 = tpu.concatenate %slice3A_125, %broadcast_in_dim3A_2 in 1 : vector<48x47xf32>, vector<48x1xf32> -> vector<48x48xf32>
    %add3A_127 = arith.addf %add3A_124, %concatenate3A_126 : vector<48x48xf32>
    %slice3A_128 = vector.extract_strided_slice %add3A_124 {offsets = [0, 0], sizes = [48, 47], strides = [1, 1]} : vector<48x48xf32> to vector<48x47xf32>
    %concatenate3A_129 = tpu.concatenate %broadcast_in_dim3A_2, %slice3A_128 in 1 : vector<48x1xf32>, vector<48x47xf32> -> vector<48x48xf32>
    %add3A_130 = arith.addf %add3A_127, %concatenate3A_129 : vector<48x48xf32>
    %swap3A_131 = arith.constant 0 : index
    %swap3A_132 = arith.constant 4 : index
    %swap3A_133 = arith.constant 0 : index
    %swap3A_134 = arith.constant 0 : index
    %swap3A_135 = vector.load %arg2[%swap3A_131, %swap3A_132, %swap3A_133, %swap3A_134] : memref<1x48x48x48xf32, #tpu.memory_space<vmem>>, vector<1x1x48x48xf32>
    %swap3A_136 = vector.shape_cast %swap3A_135 : vector<1x1x48x48xf32> to vector<48x48xf32>
    %swap3A_137 = vector.shape_cast %add3A_130 : vector<48x48xf32> to vector<1x1x48x48xf32>
    tpu.vector_store %arg2[%swap3A_131, %swap3A_132, %swap3A_133, %swap3A_134], %swap3A_137 {strides = array<i32>} : memref<1x48x48x48xf32, #tpu.memory_space<vmem>>, vector<1x1x48x48xf32>,
    %get3A_138 = arith.constant 0 : index
    %get3A_139 = arith.constant 6 : index
    %get3A_140 = arith.constant 0 : index
    %get3A_141 = arith.constant 0 : index
    %get3A_142 = vector.load %arg1[%get3A_138, %get3A_139, %get3A_140, %get3A_141] : memref<1x48x48x48xf32, #tpu.memory_space<vmem>>, vector<1x1x48x48xf32>
    %get3A_143 = vector.shape_cast %get3A_142 : vector<1x1x48x48xf32> to vector<48x48xf32>
    %add3A_144 = arith.addf %get3A_116, %get3A_89 : vector<48x48xf32>
    %add3A_145 = arith.addf %add3A_144, %get3A_143 : vector<48x48xf32>
    %slice3A_146 = vector.extract_strided_slice %add3A_145 {offsets = [1, 0], sizes = [47, 48], strides = [1, 1]} : vector<48x48xf32> to vector<47x48xf32>
    %concatenate3A_147 = tpu.concatenate %slice3A_146, %broadcast_in_dim3A_0 in 0 : vector<47x48xf32>, vector<1x48xf32> -> vector<48x48xf32>
    %add3A_148 = arith.addf %add3A_145, %concatenate3A_147 : vector<48x48xf32>
    %slice3A_149 = vector.extract_strided_slice %add3A_145 {offsets = [0, 0], sizes = [47, 48], strides = [1, 1]} : vector<48x48xf32> to vector<47x48xf32>
    %concatenate3A_150 = tpu.concatenate %broadcast_in_dim3A_0, %slice3A_149 in 0 : vector<1x48xf32>, vector<47x48xf32> -> vector<48x48xf32>
    %add3A_151 = arith.addf %add3A_148, %concatenate3A_150 : vector<48x48xf32>
    %slice3A_152 = vector.extract_strided_slice %add3A_151 {offsets = [0, 1], sizes = [48, 47], strides = [1, 1]} : vector<48x48xf32> to vector<48x47xf32>
    %concatenate3A_153 = tpu.concatenate %slice3A_152, %broadcast_in_dim3A_2 in 1 : vector<48x47xf32>, vector<48x1xf32> -> vector<48x48xf32>
    %add3A_154 = arith.addf %add3A_151, %concatenate3A_153 : vector<48x48xf32>
    %slice3A_155 = vector.extract_strided_slice %add3A_151 {offsets = [0, 0], sizes = [48, 47], strides = [1, 1]} : vector<48x48xf32> to vector<48x47xf32>
    %concatenate3A_156 = tpu.concatenate %broadcast_in_dim3A_2, %slice3A_155 in 1 : vector<48x1xf32>, vector<48x47xf32> -> vector<48x48xf32>
    %add3A_157 = arith.addf %add3A_154, %concatenate3A_156 : vector<48x48xf32>
    %swap3A_158 = arith.constant 0 : index
    %swap3A_159 = arith.constant 5 : index
    %swap3A_160 = arith.constant 0 : index
    %swap3A_161 = arith.constant 0 : index
    %swap3A_162 = vector.load %arg2[%swap3A_158, %swap3A_159, %swap3A_160, %swap3A_161] : memref<1x48x48x48xf32, #tpu.memory_space<vmem>>, vector<1x1x48x48xf32>
    %swap3A_163 = vector.shape_cast %swap3A_162 : vector<1x1x48x48xf32> to vector<48x48xf32>
    %swap3A_164 = vector.shape_cast %add3A_157 : vector<48x48xf32> to vector<1x1x48x48xf32>
    tpu.vector_store %arg2[%swap3A_158, %swap3A_159, %swap3A_160, %swap3A_161], %swap3A_164 {strides = array<i32>} : memref<1x48x48x48xf32, #tpu.memory_space<vmem>>, vector<1x1x48x48xf32>,
    %get3A_165 = arith.constant 0 : index
    %get3A_166 = arith.constant 7 : index
    %get3A_167 = arith.constant 0 : index
    %get3A_168 = arith.constant 0 : index
    %get3A_169 = vector.load %arg1[%get3A_165, %get3A_166, %get3A_167, %get3A_168] : memref<1x48x48x48xf32, #tpu.memory_space<vmem>>, vector<1x1x48x48xf32>
    %get3A_170 = vector.shape_cast %get3A_169 : vector<1x1x48x48xf32> to vector<48x48xf32>
    %add3A_171 = arith.addf %get3A_143, %get3A_116 : vector<48x48xf32>
    %add3A_172 = arith.addf %add3A_171, %get3A_170 : vector<48x48xf32>
    %slice3A_173 = vector.extract_strided_slice %add3A_172 {offsets = [1, 0], sizes = [47, 48], strides = [1, 1]} : vector<48x48xf32> to vector<47x48xf32>
    %concatenate3A_174 = tpu.concatenate %slice3A_173, %broadcast_in_dim3A_0 in 0 : vector<47x48xf32>, vector<1x48xf32> -> vector<48x48xf32>
    %add3A_175 = arith.addf %add3A_172, %concatenate3A_174 : vector<48x48xf32>
    %slice3A_176 = vector.extract_strided_slice %add3A_172 {offsets = [0, 0], sizes = [47, 48], strides = [1, 1]} : vector<48x48xf32> to vector<47x48xf32>
    %concatenate3A_177 = tpu.concatenate %broadcast_in_dim3A_0, %slice3A_176 in 0 : vector<1x48xf32>, vector<47x48xf32> -> vector<48x48xf32>
    %add3A_178 = arith.addf %add3A_175, %concatenate3A_177 : vector<48x48xf32>
    %slice3A_179 = vector.extract_strided_slice %add3A_178 {offsets = [0, 1], sizes = [48, 47], strides = [1, 1]} : vector<48x48xf32> to vector<48x47xf32>
    %concatenate3A_180 = tpu.concatenate %slice3A_179, %broadcast_in_dim3A_2 in 1 : vector<48x47xf32>, vector<48x1xf32> -> vector<48x48xf32>
    %add3A_181 = arith.addf %add3A_178, %concatenate3A_180 : vector<48x48xf32>
    %slice3A_182 = vector.extract_strided_slice %add3A_178 {offsets = [0, 0], sizes = [48, 47], strides = [1, 1]} : vector<48x48xf32> to vector<48x47xf32>
    %concatenate3A_183 = tpu.concatenate %broadcast_in_dim3A_2, %slice3A_182 in 1 : vector<48x1xf32>, vector<48x47xf32> -> vector<48x48xf32>
    %add3A_184 = arith.addf %add3A_181, %concatenate3A_183 : vector<48x48xf32>
    %swap3A_185 = arith.constant 0 : index
    %swap3A_186 = arith.constant 6 : index
    %swap3A_187 = arith.constant 0 : index
    %swap3A_188 = arith.constant 0 : index
    %swap3A_189 = vector.load %arg2[%swap3A_185, %swap3A_186, %swap3A_187, %swap3A_188] : memref<1x48x48x48xf32, #tpu.memory_space<vmem>>, vector<1x1x48x48xf32>
    %swap3A_190 = vector.shape_cast %swap3A_189 : vector<1x1x48x48xf32> to vector<48x48xf32>
    %swap3A_191 = vector.shape_cast %add3A_184 : vector<48x48xf32> to vector<1x1x48x48xf32>
    tpu.vector_store %arg2[%swap3A_185, %swap3A_186, %swap3A_187, %swap3A_188], %swap3A_191 {strides = array<i32>} : memref<1x48x48x48xf32, #tpu.memory_space<vmem>>, vector<1x1x48x48xf32>,
    %get3A_192 = arith.constant 0 : index
    %get3A_193 = arith.constant 8 : index
    %get3A_194 = arith.constant 0 : index
    %get3A_195 = arith.constant 0 : index
    %get3A_196 = vector.load %arg1[%get3A_192, %get3A_193, %get3A_194, %get3A_195] : memref<1x48x48x48xf32, #tpu.memory_space<vmem>>, vector<1x1x48x48xf32>
    %get3A_197 = vector.shape_cast %get3A_196 : vector<1x1x48x48xf32> to vector<48x48xf32>
    %add3A_198 = arith.addf %get3A_170, %get3A_143 : vector<48x48xf32>
    %add3A_199 = arith.addf %add3A_198, %get3A_197 : vector<48x48xf32>
    %slice3A_200 = vector.extract_strided_slice %add3A_199 {offsets = [1, 0], sizes = [47, 48], strides = [1, 1]} : vector<48x48xf32> to vector<47x48xf32>
    %concatenate3A_201 = tpu.concatenate %slice3A_200, %broadcast_in_dim3A_0 in 0 : vector<47x48xf32>, vector<1x48xf32> -> vector<48x48xf32>
    %add3A_202 = arith.addf %add3A_199, %concatenate3A_201 : vector<48x48xf32>
    %slice3A_203 = vector.extract_strided_slice %add3A_199 {offsets = [0, 0], sizes = [47, 48], strides = [1, 1]} : vector<48x48xf32> to vector<47x48xf32>
    %concatenate3A_204 = tpu.concatenate %broadcast_in_dim3A_0, %slice3A_203 in 0 : vector<1x48xf32>, vector<47x48xf32> -> vector<48x48xf32>
    %add3A_205 = arith.addf %add3A_202, %concatenate3A_204 : vector<48x48xf32>
    %slice3A_206 = vector.extract_strided_slice %add3A_205 {offsets = [0, 1], sizes = [48, 47], strides = [1, 1]} : vector<48x48xf32> to vector<48x47xf32>
    %concatenate3A_207 = tpu.concatenate %slice3A_206, %broadcast_in_dim3A_2 in 1 : vector<48x47xf32>, vector<48x1xf32> -> vector<48x48xf32>
    %add3A_208 = arith.addf %add3A_205, %concatenate3A_207 : vector<48x48xf32>
    %slice3A_209 = vector.extract_strided_slice %add3A_205 {offsets = [0, 0], sizes = [48, 47], strides = [1, 1]} : vector<48x48xf32> to vector<48x47xf32>
    %concatenate3A_210 = tpu.concatenate %broadcast_in_dim3A_2, %slice3A_209 in 1 : vector<48x1xf32>, vector<48x47xf32> -> vector<48x48xf32>
    %add3A_211 = arith.addf %add3A_208, %concatenate3A_210 : vector<48x48xf32>
    %swap3A_212 = arith.constant 0 : index
    %swap3A_213 = arith.constant 7 : index
    %swap3A_214 = arith.constant 0 : index
    %swap3A_215 = arith.constant 0 : index
    %swap3A_216 = vector.load %arg2[%swap3A_212, %swap3A_213, %swap3A_214, %swap3A_215] : memref<1x48x48x48xf32, #tpu.memory_space<vmem>>, vector<1x1x48x48xf32>
    %swap3A_217 = vector.shape_cast %swap3A_216 : vector<1x1x48x48xf32> to vector<48x48xf32>
    %swap3A_218 = vector.shape_cast %add3A_211 : vector<48x48xf32> to vector<1x1x48x48xf32>
    tpu.vector_store %arg2[%swap3A_212, %swap3A_213, %swap3A_214, %swap3A_215], %swap3A_218 {strides = array<i32>} : memref<1x48x48x48xf32, #tpu.memory_space<vmem>>, vector<1x1x48x48xf32>,
    %get3A_219 = arith.constant 0 : index
    %get3A_220 = arith.constant 9 : index
    %get3A_221 = arith.constant 0 : index
    %get3A_222 = arith.constant 0 : index
    %get3A_223 = vector.load %arg1[%get3A_219, %get3A_220, %get3A_221, %get3A_222] : memref<1x48x48x48xf32, #tpu.memory_space<vmem>>, vector<1x1x48x48xf32>
    %get3A_224 = vector.shape_cast %get3A_223 : vector<1x1x48x48xf32> to vector<48x48xf32>
    %add3A_225 = arith.addf %get3A_197, %get3A_170 : vector<48x48xf32>
    %add3A_226 = arith.addf %add3A_225, %get3A_224 : vector<48x48xf32>
    %slice3A_227 = vector.extract_strided_slice %add3A_226 {offsets = [1, 0], sizes = [47, 48], strides = [1, 1]} : vector<48x48xf32> to vector<47x48xf32>
    %concatenate3A_228 = tpu.concatenate %slice3A_227, %broadcast_in_dim3A_0 in 0 : vector<47x48xf32>, vector<1x48xf32> -> vector<48x48xf32>
    %add3A_229 = arith.addf %add3A_226, %concatenate3A_228 : vector<48x48xf32>
    %slice3A_230 = vector.extract_strided_slice %add3A_226 {offsets = [0, 0], sizes = [47, 48], strides = [1, 1]} : vector<48x48xf32> to vector<47x48xf32>
    %concatenate3A_231 = tpu.concatenate %broadcast_in_dim3A_0, %slice3A_230 in 0 : vector<1x48xf32>, vector<47x48xf32> -> vector<48x48xf32>
    %add3A_232 = arith.addf %add3A_229, %concatenate3A_231 : vector<48x48xf32>
    %slice3A_233 = vector.extract_strided_slice %add3A_232 {offsets = [0, 1], sizes = [48, 47], strides = [1, 1]} : vector<48x48xf32> to vector<48x47xf32>
    %concatenate3A_234 = tpu.concatenate %slice3A_233, %broadcast_in_dim3A_2 in 1 : vector<48x47xf32>, vector<48x1xf32> -> vector<48x48xf32>
    %add3A_235 = arith.addf %add3A_232, %concatenate3A_234 : vector<48x48xf32>
    %slice3A_236 = vector.extract_strided_slice %add3A_232 {offsets = [0, 0], sizes = [48, 47], strides = [1, 1]} : vector<48x48xf32> to vector<48x47xf32>
    %concatenate3A_237 = tpu.concatenate %broadcast_in_dim3A_2, %slice3A_236 in 1 : vector<48x1xf32>, vector<48x47xf32> -> vector<48x48xf32>
    %add3A_238 = arith.addf %add3A_235, %concatenate3A_237 : vector<48x48xf32>
    %swap3A_239 = arith.constant 0 : index
    %swap3A_240 = arith.constant 8 : index
    %swap3A_241 = arith.constant 0 : index
    %swap3A_242 = arith.constant 0 : index
    %swap3A_243 = vector.load %arg2[%swap3A_239, %swap3A_240, %swap3A_241, %swap3A_242] : memref<1x48x48x48xf32, #tpu.memory_space<vmem>>, vector<1x1x48x48xf32>
    %swap3A_244 = vector.shape_cast %swap3A_243 : vector<1x1x48x48xf32> to vector<48x48xf32>
    %swap3A_245 = vector.shape_cast %add3A_238 : vector<48x48xf32> to vector<1x1x48x48xf32>
    tpu.vector_store %arg2[%swap3A_239, %swap3A_240, %swap3A_241, %swap3A_242], %swap3A_245 {strides = array<i32>} : memref<1x48x48x48xf32, #tpu.memory_space<vmem>>, vector<1x1x48x48xf32>,
    %get3A_246 = arith.constant 0 : index
    %get3A_247 = arith.constant 10 : index
    %get3A_248 = arith.constant 0 : index
    %get3A_249 = arith.constant 0 : index
    %get3A_250 = vector.load %arg1[%get3A_246, %get3A_247, %get3A_248, %get3A_249] : memref<1x48x48x48xf32, #tpu.memory_space<vmem>>, vector<1x1x48x48xf32>
    %get3A_251 = vector.shape_cast %get3A_250 : vector<1x1x48x48xf32> to vector<48x48xf32>
    %add3A_252 = arith.addf %get3A_224, %get3A_197 : vector<48x48xf32>
    %add3A_253 = arith.addf %add3A_252, %get3A_251 : vector<48x48xf32>
    %slice3A_254 = vector.extract_strided_slice %add3A_253 {offsets = [1, 0], sizes = [47, 48], strides = [1, 1]} : vector<48x48xf32> to vector<47x48xf32>
    %concatenate3A_255 = tpu.concatenate %slice3A_254, %broadcast_in_dim3A_0 in 0 : vector<47x48xf32>, vector<1x48xf32> -> vector<48x48xf32>
    %add3A_256 = arith.addf %add3A_253, %concatenate3A_255 : vector<48x48xf32>
    %slice3A_257 = vector.extract_strided_slice %add3A_253 {offsets = [0, 0], sizes = [47, 48], strides = [1, 1]} : vector<48x48xf32> to vector<47x48xf32>
    %concatenate3A_258 = tpu.concatenate %broadcast_in_dim3A_0, %slice3A_257 in 0 : vector<1x48xf32>, vector<47x48xf32> -> vector<48x48xf32>
    %add3A_259 = arith.addf %add3A_256, %concatenate3A_258 : vector<48x48xf32>
    %slice3A_260 = vector.extract_strided_slice %add3A_259 {offsets = [0, 1], sizes = [48, 47], strides = [1, 1]} : vector<48x48xf32> to vector<48x47xf32>
    %concatenate3A_261 = tpu.concatenate %slice3A_260, %broadcast_in_dim3A_2 in 1 : vector<48x47xf32>, vector<48x1xf32> -> vector<48x48xf32>
    %add3A_262 = arith.addf %add3A_259, %concatenate3A_261 : vector<48x48xf32>
    %slice3A_263 = vector.extract_strided_slice %add3A_259 {offsets = [0, 0], sizes = [48, 47], strides = [1, 1]} : vector<48x48xf32> to vector<48x47xf32>
    %concatenate3A_264 = tpu.concatenate %broadcast_in_dim3A_2, %slice3A_263 in 1 : vector<48x1xf32>, vector<48x47xf32> -> vector<48x48xf32>
    %add3A_265 = arith.addf %add3A_262, %concatenate3A_264 : vector<48x48xf32>
    %swap3A_266 = arith.constant 0 : index
    %swap3A_267 = arith.constant 9 : index
    %swap3A_268 = arith.constant 0 : index
    %swap3A_269 = arith.constant 0 : index
    %swap3A_270 = vector.load %arg2[%swap3A_266, %swap3A_267, %swap3A_268, %swap3A_269] : memref<1x48x48x48xf32, #tpu.memory_space<vmem>>, vector<1x1x48x48xf32>
    %swap3A_271 = vector.shape_cast %swap3A_270 : vector<1x1x48x48xf32> to vector<48x48xf32>
    %swap3A_272 = vector.shape_cast %add3A_265 : vector<48x48xf32> to vector<1x1x48x48xf32>
    tpu.vector_store %arg2[%swap3A_266, %swap3A_267, %swap3A_268, %swap3A_269], %swap3A_272 {strides = array<i32>} : memref<1x48x48x48xf32, #tpu.memory_space<vmem>>, vector<1x1x48x48xf32>,
    %get3A_273 = arith.constant 0 : index
    %get3A_274 = arith.constant 11 : index
    %get3A_275 = arith.constant 0 : index
    %get3A_276 = arith.constant 0 : index
    %get3A_277 = vector.load %arg1[%get3A_273, %get3A_274, %get3A_275, %get3A_276] : memref<1x48x48x48xf32, #tpu.memory_space<vmem>>, vector<1x1x48x48xf32>
    %get3A_278 = vector.shape_cast %get3A_277 : vector<1x1x48x48xf32> to vector<48x48xf32>
    %add3A_279 = arith.addf %get3A_251, %get3A_224 : vector<48x48xf32>
    %add3A_280 = arith.addf %add3A_279, %get3A_278 : vector<48x48xf32>
    %slice3A_281 = vector.extract_strided_slice %add3A_280 {offsets = [1, 0], sizes = [47, 48], strides = [1, 1]} : vector<48x48xf32> to vector<47x48xf32>
    %concatenate3A_282 = tpu.concatenate %slice3A_281, %broadcast_in_dim3A_0 in 0 : vector<47x48xf32>, vector<1x48xf32> -> vector<48x48xf32>
    %add3A_283 = arith.addf %add3A_280, %concatenate3A_282 : vector<48x48xf32>
    %slice3A_284 = vector.extract_strided_slice %add3A_280 {offsets = [0, 0], sizes = [47, 48], strides = [1, 1]} : vector<48x48xf32> to vector<47x48xf32>
    %concatenate3A_285 = tpu.concatenate %broadcast_in_dim3A_0, %slice3A_284 in 0 : vector<1x48xf32>, vector<47x48xf32> -> vector<48x48xf32>
    %add3A_286 = arith.addf %add3A_283, %concatenate3A_285 : vector<48x48xf32>
    %slice3A_287 = vector.extract_strided_slice %add3A_286 {offsets = [0, 1], sizes = [48, 47], strides = [1, 1]} : vector<48x48xf32> to vector<48x47xf32>
    %concatenate3A_288 = tpu.concatenate %slice3A_287, %broadcast_in_dim3A_2 in 1 : vector<48x47xf32>, vector<48x1xf32> -> vector<48x48xf32>
    %add3A_289 = arith.addf %add3A_286, %concatenate3A_288 : vector<48x48xf32>
    %slice3A_290 = vector.extract_strided_slice %add3A_286 {offsets = [0, 0], sizes = [48, 47], strides = [1, 1]} : vector<48x48xf32> to vector<48x47xf32>
    %concatenate3A_291 = tpu.concatenate %broadcast_in_dim3A_2, %slice3A_290 in 1 : vector<48x1xf32>, vector<48x47xf32> -> vector<48x48xf32>
    %add3A_292 = arith.addf %add3A_289, %concatenate3A_291 : vector<48x48xf32>
    %swap3A_293 = arith.constant 0 : index
    %swap3A_294 = arith.constant 10 : index
    %swap3A_295 = arith.constant 0 : index
    %swap3A_296 = arith.constant 0 : index
    %swap3A_297 = vector.load %arg2[%swap3A_293, %swap3A_294, %swap3A_295, %swap3A_296] : memref<1x48x48x48xf32, #tpu.memory_space<vmem>>, vector<1x1x48x48xf32>
    %swap3A_298 = vector.shape_cast %swap3A_297 : vector<1x1x48x48xf32> to vector<48x48xf32>
    %swap3A_299 = vector.shape_cast %add3A_292 : vector<48x48xf32> to vector<1x1x48x48xf32>
    tpu.vector_store %arg2[%swap3A_293, %swap3A_294, %swap3A_295, %swap3A_296], %swap3A_299 {strides = array<i32>} : memref<1x48x48x48xf32, #tpu.memory_space<vmem>>, vector<1x1x48x48xf32>,
    %get3A_300 = arith.constant 0 : index
    %get3A_301 = arith.constant 12 : index
    %get3A_302 = arith.constant 0 : index
    %get3A_303 = arith.constant 0 : index
    %get3A_304 = vector.load %arg1[%get3A_300, %get3A_301, %get3A_302, %get3A_303] : memref<1x48x48x48xf32, #tpu.memory_space<vmem>>, vector<1x1x48x48xf32>
    %get3A_305 = vector.shape_cast %get3A_304 : vector<1x1x48x48xf32> to vector<48x48xf32>
    %add3A_306 = arith.addf %get3A_278, %get3A_251 : vector<48x48xf32>
    %add3A_307 = arith.addf %add3A_306, %get3A_305 : vector<48x48xf32>
    %slice3A_308 = vector.extract_strided_slice %add3A_307 {offsets = [1, 0], sizes = [47, 48], strides = [1, 1]} : vector<48x48xf32> to vector<47x48xf32>
    %concatenate3A_309 = tpu.concatenate %slice3A_308, %broadcast_in_dim3A_0 in 0 : vector<47x48xf32>, vector<1x48xf32> -> vector<48x48xf32>
    %add3A_310 = arith.addf %add3A_307, %concatenate3A_309 : vector<48x48xf32>
    %slice3A_311 = vector.extract_strided_slice %add3A_307 {offsets = [0, 0], sizes = [47, 48], strides = [1, 1]} : vector<48x48xf32> to vector<47x48xf32>
    %concatenate3A_312 = tpu.concatenate %broadcast_in_dim3A_0, %slice3A_311 in 0 : vector<1x48xf32>, vector<47x48xf32> -> vector<48x48xf32>
    %add3A_313 = arith.addf %add3A_310, %concatenate3A_312 : vector<48x48xf32>
    %slice3A_314 = vector.extract_strided_slice %add3A_313 {offsets = [0, 1], sizes = [48, 47], strides = [1, 1]} : vector<48x48xf32> to vector<48x47xf32>
    %concatenate3A_315 = tpu.concatenate %slice3A_314, %broadcast_in_dim3A_2 in 1 : vector<48x47xf32>, vector<48x1xf32> -> vector<48x48xf32>
    %add3A_316 = arith.addf %add3A_313, %concatenate3A_315 : vector<48x48xf32>
    %slice3A_317 = vector.extract_strided_slice %add3A_313 {offsets = [0, 0], sizes = [48, 47], strides = [1, 1]} : vector<48x48xf32> to vector<48x47xf32>
    %concatenate3A_318 = tpu.concatenate %broadcast_in_dim3A_2, %slice3A_317 in 1 : vector<48x1xf32>, vector<48x47xf32> -> vector<48x48xf32>
    %add3A_319 = arith.addf %add3A_316, %concatenate3A_318 : vector<48x48xf32>
    %swap3A_320 = arith.constant 0 : index
    %swap3A_321 = arith.constant 11 : index
    %swap3A_322 = arith.constant 0 : index
    %swap3A_323 = arith.constant 0 : index
    %swap3A_324 = vector.load %arg2[%swap3A_320, %swap3A_321, %swap3A_322, %swap3A_323] : memref<1x48x48x48xf32, #tpu.memory_space<vmem>>, vector<1x1x48x48xf32>
    %swap3A_325 = vector.shape_cast %swap3A_324 : vector<1x1x48x48xf32> to vector<48x48xf32>
    %swap3A_326 = vector.shape_cast %add3A_319 : vector<48x48xf32> to vector<1x1x48x48xf32>
    tpu.vector_store %arg2[%swap3A_320, %swap3A_321, %swap3A_322, %swap3A_323], %swap3A_326 {strides = array<i32>} : memref<1x48x48x48xf32, #tpu.memory_space<vmem>>, vector<1x1x48x48xf32>,
    %get3A_327 = arith.constant 0 : index
    %get3A_328 = arith.constant 13 : index
    %get3A_329 = arith.constant 0 : index
    %get3A_330 = arith.constant 0 : index
    %get3A_331 = vector.load %arg1[%get3A_327, %get3A_328, %get3A_329, %get3A_330] : memref<1x48x48x48xf32, #tpu.memory_space<vmem>>, vector<1x1x48x48xf32>
    %get3A_332 = vector.shape_cast %get3A_331 : vector<1x1x48x48xf32> to vector<48x48xf32>
    %add3A_333 = arith.addf %get3A_305, %get3A_278 : vector<48x48xf32>
    %add3A_334 = arith.addf %add3A_333, %get3A_332 : vector<48x48xf32>
    %slice3A_335 = vector.extract_strided_slice %add3A_334 {offsets = [1, 0], sizes = [47, 48], strides = [1, 1]} : vector<48x48xf32> to vector<47x48xf32>
    %concatenate3A_336 = tpu.concatenate %slice3A_335, %broadcast_in_dim3A_0 in 0 : vector<47x48xf32>, vector<1x48xf32> -> vector<48x48xf32>
    %add3A_337 = arith.addf %add3A_334, %concatenate3A_336 : vector<48x48xf32>
    %slice3A_338 = vector.extract_strided_slice %add3A_334 {offsets = [0, 0], sizes = [47, 48], strides = [1, 1]} : vector<48x48xf32> to vector<47x48xf32>
    %concatenate3A_339 = tpu.concatenate %broadcast_in_dim3A_0, %slice3A_338 in 0 : vector<1x48xf32>, vector<47x48xf32> -> vector<48x48xf32>
    %add3A_340 = arith.addf %add3A_337, %concatenate3A_339 : vector<48x48xf32>
    %slice3A_341 = vector.extract_strided_slice %add3A_340 {offsets = [0, 1], sizes = [48, 47], strides = [1, 1]} : vector<48x48xf32> to vector<48x47xf32>
    %concatenate3A_342 = tpu.concatenate %slice3A_341, %broadcast_in_dim3A_2 in 1 : vector<48x47xf32>, vector<48x1xf32> -> vector<48x48xf32>
    %add3A_343 = arith.addf %add3A_340, %concatenate3A_342 : vector<48x48xf32>
    %slice3A_344 = vector.extract_strided_slice %add3A_340 {offsets = [0, 0], sizes = [48, 47], strides = [1, 1]} : vector<48x48xf32> to vector<48x47xf32>
    %concatenate3A_345 = tpu.concatenate %broadcast_in_dim3A_2, %slice3A_344 in 1 : vector<48x1xf32>, vector<48x47xf32> -> vector<48x48xf32>
    %add3A_346 = arith.addf %add3A_343, %concatenate3A_345 : vector<48x48xf32>
    %swap3A_347 = arith.constant 0 : index
    %swap3A_348 = arith.constant 12 : index
    %swap3A_349 = arith.constant 0 : index
    %swap3A_350 = arith.constant 0 : index
    %swap3A_351 = vector.load %arg2[%swap3A_347, %swap3A_348, %swap3A_349, %swap3A_350] : memref<1x48x48x48xf32, #tpu.memory_space<vmem>>, vector<1x1x48x48xf32>
    %swap3A_352 = vector.shape_cast %swap3A_351 : vector<1x1x48x48xf32> to vector<48x48xf32>
    %swap3A_353 = vector.shape_cast %add3A_346 : vector<48x48xf32> to vector<1x1x48x48xf32>
    tpu.vector_store %arg2[%swap3A_347, %swap3A_348, %swap3A_349, %swap3A_350], %swap3A_353 {strides = array<i32>} : memref<1x48x48x48xf32, #tpu.memory_space<vmem>>, vector<1x1x48x48xf32>,
    %get3A_354 = arith.constant 0 : index
    %get3A_355 = arith.constant 14 : index
    %get3A_356 = arith.constant 0 : index
    %get3A_357 = arith.constant 0 : index
    %get3A_358 = vector.load %arg1[%get3A_354, %get3A_355, %get3A_356, %get3A_357] : memref<1x48x48x48xf32, #tpu.memory_space<vmem>>, vector<1x1x48x48xf32>
    %get3A_359 = vector.shape_cast %get3A_358 : vector<1x1x48x48xf32> to vector<48x48xf32>
    %add3A_360 = arith.addf %get3A_332, %get3A_305 : vector<48x48xf32>
    %add3A_361 = arith.addf %add3A_360, %get3A_359 : vector<48x48xf32>
    %slice3A_362 = vector.extract_strided_slice %add3A_361 {offsets = [1, 0], sizes = [47, 48], strides = [1, 1]} : vector<48x48xf32> to vector<47x48xf32>
    %concatenate3A_363 = tpu.concatenate %slice3A_362, %broadcast_in_dim3A_0 in 0 : vector<47x48xf32>, vector<1x48xf32> -> vector<48x48xf32>
    %add3A_364 = arith.addf %add3A_361, %concatenate3A_363 : vector<48x48xf32>
    %slice3A_365 = vector.extract_strided_slice %add3A_361 {offsets = [0, 0], sizes = [47, 48], strides = [1, 1]} : vector<48x48xf32> to vector<47x48xf32>
    %concatenate3A_366 = tpu.concatenate %broadcast_in_dim3A_0, %slice3A_365 in 0 : vector<1x48xf32>, vector<47x48xf32> -> vector<48x48xf32>
    %add3A_367 = arith.addf %add3A_364, %concatenate3A_366 : vector<48x48xf32>
    %slice3A_368 = vector.extract_strided_slice %add3A_367 {offsets = [0, 1], sizes = [48, 47], strides = [1, 1]} : vector<48x48xf32> to vector<48x47xf32>
    %concatenate3A_369 = tpu.concatenate %slice3A_368, %broadcast_in_dim3A_2 in 1 : vector<48x47xf32>, vector<48x1xf32> -> vector<48x48xf32>
    %add3A_370 = arith.addf %add3A_367, %concatenate3A_369 : vector<48x48xf32>
    %slice3A_371 = vector.extract_strided_slice %add3A_367 {offsets = [0, 0], sizes = [48, 47], strides = [1, 1]} : vector<48x48xf32> to vector<48x47xf32>
    %concatenate3A_372 = tpu.concatenate %broadcast_in_dim3A_2, %slice3A_371 in 1 : vector<48x1xf32>, vector<48x47xf32> -> vector<48x48xf32>
    %add3A_373 = arith.addf %add3A_370, %concatenate3A_372 : vector<48x48xf32>
    %swap3A_374 = arith.constant 0 : index
    %swap3A_375 = arith.constant 13 : index
    %swap3A_376 = arith.constant 0 : index
    %swap3A_377 = arith.constant 0 : index
    %swap3A_378 = vector.load %arg2[%swap3A_374, %swap3A_375, %swap3A_376, %swap3A_377] : memref<1x48x48x48xf32, #tpu.memory_space<vmem>>, vector<1x1x48x48xf32>
    %swap3A_379 = vector.shape_cast %swap3A_378 : vector<1x1x48x48xf32> to vector<48x48xf32>
    %swap3A_380 = vector.shape_cast %add3A_373 : vector<48x48xf32> to vector<1x1x48x48xf32>
    tpu.vector_store %arg2[%swap3A_374, %swap3A_375, %swap3A_376, %swap3A_377], %swap3A_380 {strides = array<i32>} : memref<1x48x48x48xf32, #tpu.memory_space<vmem>>, vector<1x1x48x48xf32>,
    %get3A_381 = arith.constant 0 : index
    %get3A_382 = arith.constant 15 : index
    %get3A_383 = arith.constant 0 : index
    %get3A_384 = arith.constant 0 : index
    %get3A_385 = vector.load %arg1[%get3A_381, %get3A_382, %get3A_383, %get3A_384] : memref<1x48x48x48xf32, #tpu.memory_space<vmem>>, vector<1x1x48x48xf32>
    %get3A_386 = vector.shape_cast %get3A_385 : vector<1x1x48x48xf32> to vector<48x48xf32>
    %add3A_387 = arith.addf %get3A_359, %get3A_332 : vector<48x48xf32>
    %add3A_388 = arith.addf %add3A_387, %get3A_386 : vector<48x48xf32>
    %slice3A_389 = vector.extract_strided_slice %add3A_388 {offsets = [1, 0], sizes = [47, 48], strides = [1, 1]} : vector<48x48xf32> to vector<47x48xf32>
    %concatenate3A_390 = tpu.concatenate %slice3A_389, %broadcast_in_dim3A_0 in 0 : vector<47x48xf32>, vector<1x48xf32> -> vector<48x48xf32>
    %add3A_391 = arith.addf %add3A_388, %concatenate3A_390 : vector<48x48xf32>
    %slice3A_392 = vector.extract_strided_slice %add3A_388 {offsets = [0, 0], sizes = [47, 48], strides = [1, 1]} : vector<48x48xf32> to vector<47x48xf32>
    %concatenate3A_393 = tpu.concatenate %broadcast_in_dim3A_0, %slice3A_392 in 0 : vector<1x48xf32>, vector<47x48xf32> -> vector<48x48xf32>
    %add3A_394 = arith.addf %add3A_391, %concatenate3A_393 : vector<48x48xf32>
    %slice3A_395 = vector.extract_strided_slice %add3A_394 {offsets = [0, 1], sizes = [48, 47], strides = [1, 1]} : vector<48x48xf32> to vector<48x47xf32>
    %concatenate3A_396 = tpu.concatenate %slice3A_395, %broadcast_in_dim3A_2 in 1 : vector<48x47xf32>, vector<48x1xf32> -> vector<48x48xf32>
    %add3A_397 = arith.addf %add3A_394, %concatenate3A_396 : vector<48x48xf32>
    %slice3A_398 = vector.extract_strided_slice %add3A_394 {offsets = [0, 0], sizes = [48, 47], strides = [1, 1]} : vector<48x48xf32> to vector<48x47xf32>
    %concatenate3A_399 = tpu.concatenate %broadcast_in_dim3A_2, %slice3A_398 in 1 : vector<48x1xf32>, vector<48x47xf32> -> vector<48x48xf32>
    %add3A_400 = arith.addf %add3A_397, %concatenate3A_399 : vector<48x48xf32>
    %swap3A_401 = arith.constant 0 : index
    %swap3A_402 = arith.constant 14 : index
    %swap3A_403 = arith.constant 0 : index
    %swap3A_404 = arith.constant 0 : index
    %swap3A_405 = vector.load %arg2[%swap3A_401, %swap3A_402, %swap3A_403, %swap3A_404] : memref<1x48x48x48xf32, #tpu.memory_space<vmem>>, vector<1x1x48x48xf32>
    %swap3A_406 = vector.shape_cast %swap3A_405 : vector<1x1x48x48xf32> to vector<48x48xf32>
    %swap3A_407 = vector.shape_cast %add3A_400 : vector<48x48xf32> to vector<1x1x48x48xf32>
    tpu.vector_store %arg2[%swap3A_401, %swap3A_402, %swap3A_403, %swap3A_404], %swap3A_407 {strides = array<i32>} : memref<1x48x48x48xf32, #tpu.memory_space<vmem>>, vector<1x1x48x48xf32>,
    %get3A_408 = arith.constant 0 : index
    %get3A_409 = arith.constant 16 : index
    %get3A_410 = arith.constant 0 : index
    %get3A_411 = arith.constant 0 : index
    %get3A_412 = vector.load %arg1[%get3A_408, %get3A_409, %get3A_410, %get3A_411] : memref<1x48x48x48xf32, #tpu.memory_space<vmem>>, vector<1x1x48x48xf32>
    %get3A_413 = vector.shape_cast %get3A_412 : vector<1x1x48x48xf32> to vector<48x48xf32>
    %add3A_414 = arith.addf %get3A_386, %get3A_359 : vector<48x48xf32>
    %add3A_415 = arith.addf %add3A_414, %get3A_413 : vector<48x48xf32>
    %slice3A_416 = vector.extract_strided_slice %add3A_415 {offsets = [1, 0], sizes = [47, 48], strides = [1, 1]} : vector<48x48xf32> to vector<47x48xf32>
    %concatenate3A_417 = tpu.concatenate %slice3A_416, %broadcast_in_dim3A_0 in 0 : vector<47x48xf32>, vector<1x48xf32> -> vector<48x48xf32>
    %add3A_418 = arith.addf %add3A_415, %concatenate3A_417 : vector<48x48xf32>
    %slice3A_419 = vector.extract_strided_slice %add3A_415 {offsets = [0, 0], sizes = [47, 48], strides = [1, 1]} : vector<48x48xf32> to vector<47x48xf32>
    %concatenate3A_420 = tpu.concatenate %broadcast_in_dim3A_0, %slice3A_419 in 0 : vector<1x48xf32>, vector<47x48xf32> -> vector<48x48xf32>
    %add3A_421 = arith.addf %add3A_418, %concatenate3A_420 : vector<48x48xf32>
    %slice3A_422 = vector.extract_strided_slice %add3A_421 {offsets = [0, 1], sizes = [48, 47], strides = [1, 1]} : vector<48x48xf32> to vector<48x47xf32>
    %concatenate3A_423 = tpu.concatenate %slice3A_422, %broadcast_in_dim3A_2 in 1 : vector<48x47xf32>, vector<48x1xf32> -> vector<48x48xf32>
    %add3A_424 = arith.addf %add3A_421, %concatenate3A_423 : vector<48x48xf32>
    %slice3A_425 = vector.extract_strided_slice %add3A_421 {offsets = [0, 0], sizes = [48, 47], strides = [1, 1]} : vector<48x48xf32> to vector<48x47xf32>
    %concatenate3A_426 = tpu.concatenate %broadcast_in_dim3A_2, %slice3A_425 in 1 : vector<48x1xf32>, vector<48x47xf32> -> vector<48x48xf32>
    %add3A_427 = arith.addf %add3A_424, %concatenate3A_426 : vector<48x48xf32>
    %swap3A_428 = arith.constant 0 : index
    %swap3A_429 = arith.constant 15 : index
    %swap3A_430 = arith.constant 0 : index
    %swap3A_431 = arith.constant 0 : index
    %swap3A_432 = vector.load %arg2[%swap3A_428, %swap3A_429, %swap3A_430, %swap3A_431] : memref<1x48x48x48xf32, #tpu.memory_space<vmem>>, vector<1x1x48x48xf32>
    %swap3A_433 = vector.shape_cast %swap3A_432 : vector<1x1x48x48xf32> to vector<48x48xf32>
    %swap3A_434 = vector.shape_cast %add3A_427 : vector<48x48xf32> to vector<1x1x48x48xf32>
    tpu.vector_store %arg2[%swap3A_428, %swap3A_429, %swap3A_430, %swap3A_431], %swap3A_434 {strides = array<i32>} : memref<1x48x48x48xf32, #tpu.memory_space<vmem>>, vector<1x1x48x48xf32>,
    %get3A_435 = arith.constant 0 : index
    %get3A_436 = arith.constant 17 : index
    %get3A_437 = arith.constant 0 : index
    %get3A_438 = arith.constant 0 : index
    %get3A_439 = vector.load %arg1[%get3A_435, %get3A_436, %get3A_437, %get3A_438] : memref<1x48x48x48xf32, #tpu.memory_space<vmem>>, vector<1x1x48x48xf32>
    %get3A_440 = vector.shape_cast %get3A_439 : vector<1x1x48x48xf32> to vector<48x48xf32>
    %add3A_441 = arith.addf %get3A_413, %get3A_386 : vector<48x48xf32>
    %add3A_442 = arith.addf %add3A_441, %get3A_440 : vector<48x48xf32>
    %slice3A_443 = vector.extract_strided_slice %add3A_442 {offsets = [1, 0], sizes = [47, 48], strides = [1, 1]} : vector<48x48xf32> to vector<47x48xf32>
    %concatenate3A_444 = tpu.concatenate %slice3A_443, %broadcast_in_dim3A_0 in 0 : vector<47x48xf32>, vector<1x48xf32> -> vector<48x48xf32>
    %add3A_445 = arith.addf %add3A_442, %concatenate3A_444 : vector<48x48xf32>
    %slice3A_446 = vector.extract_strided_slice %add3A_442 {offsets = [0, 0], sizes = [47, 48], strides = [1, 1]} : vector<48x48xf32> to vector<47x48xf32>
    %concatenate3A_447 = tpu.concatenate %broadcast_in_dim3A_0, %slice3A_446 in 0 : vector<1x48xf32>, vector<47x48xf32> -> vector<48x48xf32>
    %add3A_448 = arith.addf %add3A_445, %concatenate3A_447 : vector<48x48xf32>
    %slice3A_449 = vector.extract_strided_slice %add3A_448 {offsets = [0, 1], sizes = [48, 47], strides = [1, 1]} : vector<48x48xf32> to vector<48x47xf32>
    %concatenate3A_450 = tpu.concatenate %slice3A_449, %broadcast_in_dim3A_2 in 1 : vector<48x47xf32>, vector<48x1xf32> -> vector<48x48xf32>
    %add3A_451 = arith.addf %add3A_448, %concatenate3A_450 : vector<48x48xf32>
    %slice3A_452 = vector.extract_strided_slice %add3A_448 {offsets = [0, 0], sizes = [48, 47], strides = [1, 1]} : vector<48x48xf32> to vector<48x47xf32>
    %concatenate3A_453 = tpu.concatenate %broadcast_in_dim3A_2, %slice3A_452 in 1 : vector<48x1xf32>, vector<48x47xf32> -> vector<48x48xf32>
    %add3A_454 = arith.addf %add3A_451, %concatenate3A_453 : vector<48x48xf32>
    %swap3A_455 = arith.constant 0 : index
    %swap3A_456 = arith.constant 16 : index
    %swap3A_457 = arith.constant 0 : index
    %swap3A_458 = arith.constant 0 : index
    %swap3A_459 = vector.load %arg2[%swap3A_455, %swap3A_456, %swap3A_457, %swap3A_458] : memref<1x48x48x48xf32, #tpu.memory_space<vmem>>, vector<1x1x48x48xf32>
    %swap3A_460 = vector.shape_cast %swap3A_459 : vector<1x1x48x48xf32> to vector<48x48xf32>
    %swap3A_461 = vector.shape_cast %add3A_454 : vector<48x48xf32> to vector<1x1x48x48xf32>
    tpu.vector_store %arg2[%swap3A_455, %swap3A_456, %swap3A_457, %swap3A_458], %swap3A_461 {strides = array<i32>} : memref<1x48x48x48xf32, #tpu.memory_space<vmem>>, vector<1x1x48x48xf32>,
    %get3A_462 = arith.constant 0 : index
    %get3A_463 = arith.constant 18 : index
    %get3A_464 = arith.constant 0 : index
    %get3A_465 = arith.constant 0 : index
    %get3A_466 = vector.load %arg1[%get3A_462, %get3A_463, %get3A_464, %get3A_465] : memref<1x48x48x48xf32, #tpu.memory_space<vmem>>, vector<1x1x48x48xf32>
    %get3A_467 = vector.shape_cast %get3A_466 : vector<1x1x48x48xf32> to vector<48x48xf32>
    %add3A_468 = arith.addf %get3A_440, %get3A_413 : vector<48x48xf32>
    %add3A_469 = arith.addf %add3A_468, %get3A_467 : vector<48x48xf32>
    %slice3A_470 = vector.extract_strided_slice %add3A_469 {offsets = [1, 0], sizes = [47, 48], strides = [1, 1]} : vector<48x48xf32> to vector<47x48xf32>
    %concatenate3A_471 = tpu.concatenate %slice3A_470, %broadcast_in_dim3A_0 in 0 : vector<47x48xf32>, vector<1x48xf32> -> vector<48x48xf32>
    %add3A_472 = arith.addf %add3A_469, %concatenate3A_471 : vector<48x48xf32>
    %slice3A_473 = vector.extract_strided_slice %add3A_469 {offsets = [0, 0], sizes = [47, 48], strides = [1, 1]} : vector<48x48xf32> to vector<47x48xf32>
    %concatenate3A_474 = tpu.concatenate %broadcast_in_dim3A_0, %slice3A_473 in 0 : vector<1x48xf32>, vector<47x48xf32> -> vector<48x48xf32>
    %add3A_475 = arith.addf %add3A_472, %concatenate3A_474 : vector<48x48xf32>
    %slice3A_476 = vector.extract_strided_slice %add3A_475 {offsets = [0, 1], sizes = [48, 47], strides = [1, 1]} : vector<48x48xf32> to vector<48x47xf32>
    %concatenate3A_477 = tpu.concatenate %slice3A_476, %broadcast_in_dim3A_2 in 1 : vector<48x47xf32>, vector<48x1xf32> -> vector<48x48xf32>
    %add3A_478 = arith.addf %add3A_475, %concatenate3A_477 : vector<48x48xf32>
    %slice3A_479 = vector.extract_strided_slice %add3A_475 {offsets = [0, 0], sizes = [48, 47], strides = [1, 1]} : vector<48x48xf32> to vector<48x47xf32>
    %concatenate3A_480 = tpu.concatenate %broadcast_in_dim3A_2, %slice3A_479 in 1 : vector<48x1xf32>, vector<48x47xf32> -> vector<48x48xf32>
    %add3A_481 = arith.addf %add3A_478, %concatenate3A_480 : vector<48x48xf32>
    %swap3A_482 = arith.constant 0 : index
    %swap3A_483 = arith.constant 17 : index
    %swap3A_484 = arith.constant 0 : index
    %swap3A_485 = arith.constant 0 : index
    %swap3A_486 = vector.load %arg2[%swap3A_482, %swap3A_483, %swap3A_484, %swap3A_485] : memref<1x48x48x48xf32, #tpu.memory_space<vmem>>, vector<1x1x48x48xf32>
    %swap3A_487 = vector.shape_cast %swap3A_486 : vector<1x1x48x48xf32> to vector<48x48xf32>
    %swap3A_488 = vector.shape_cast %add3A_481 : vector<48x48xf32> to vector<1x1x48x48xf32>
    tpu.vector_store %arg2[%swap3A_482, %swap3A_483, %swap3A_484, %swap3A_485], %swap3A_488 {strides = array<i32>} : memref<1x48x48x48xf32, #tpu.memory_space<vmem>>, vector<1x1x48x48xf32>,
    %get3A_489 = arith.constant 0 : index
    %get3A_490 = arith.constant 19 : index
    %get3A_491 = arith.constant 0 : index
    %get3A_492 = arith.constant 0 : index
    %get3A_493 = vector.load %arg1[%get3A_489, %get3A_490, %get3A_491, %get3A_492] : memref<1x48x48x48xf32, #tpu.memory_space<vmem>>, vector<1x1x48x48xf32>
    %get3A_494 = vector.shape_cast %get3A_493 : vector<1x1x48x48xf32> to vector<48x48xf32>
    %add3A_495 = arith.addf %get3A_467, %get3A_440 : vector<48x48xf32>
    %add3A_496 = arith.addf %add3A_495, %get3A_494 : vector<48x48xf32>
    %slice3A_497 = vector.extract_strided_slice %add3A_496 {offsets = [1, 0], sizes = [47, 48], strides = [1, 1]} : vector<48x48xf32> to vector<47x48xf32>
    %concatenate3A_498 = tpu.concatenate %slice3A_497, %broadcast_in_dim3A_0 in 0 : vector<47x48xf32>, vector<1x48xf32> -> vector<48x48xf32>
    %add3A_499 = arith.addf %add3A_496, %concatenate3A_498 : vector<48x48xf32>
    %slice3A_500 = vector.extract_strided_slice %add3A_496 {offsets = [0, 0], sizes = [47, 48], strides = [1, 1]} : vector<48x48xf32> to vector<47x48xf32>
    %concatenate3A_501 = tpu.concatenate %broadcast_in_dim3A_0, %slice3A_500 in 0 : vector<1x48xf32>, vector<47x48xf32> -> vector<48x48xf32>
    %add3A_502 = arith.addf %add3A_499, %concatenate3A_501 : vector<48x48xf32>
    %slice3A_503 = vector.extract_strided_slice %add3A_502 {offsets = [0, 1], sizes = [48, 47], strides = [1, 1]} : vector<48x48xf32> to vector<48x47xf32>
    %concatenate3A_504 = tpu.concatenate %slice3A_503, %broadcast_in_dim3A_2 in 1 : vector<48x47xf32>, vector<48x1xf32> -> vector<48x48xf32>
    %add3A_505 = arith.addf %add3A_502, %concatenate3A_504 : vector<48x48xf32>
    %slice3A_506 = vector.extract_strided_slice %add3A_502 {offsets = [0, 0], sizes = [48, 47], strides = [1, 1]} : vector<48x48xf32> to vector<48x47xf32>
    %concatenate3A_507 = tpu.concatenate %broadcast_in_dim3A_2, %slice3A_506 in 1 : vector<48x1xf32>, vector<48x47xf32> -> vector<48x48xf32>
    %add3A_508 = arith.addf %add3A_505, %concatenate3A_507 : vector<48x48xf32>
    %swap3A_509 = arith.constant 0 : index
    %swap3A_510 = arith.constant 18 : index
    %swap3A_511 = arith.constant 0 : index
    %swap3A_512 = arith.constant 0 : index
    %swap3A_513 = vector.load %arg2[%swap3A_509, %swap3A_510, %swap3A_511, %swap3A_512] : memref<1x48x48x48xf32, #tpu.memory_space<vmem>>, vector<1x1x48x48xf32>
    %swap3A_514 = vector.shape_cast %swap3A_513 : vector<1x1x48x48xf32> to vector<48x48xf32>
    %swap3A_515 = vector.shape_cast %add3A_508 : vector<48x48xf32> to vector<1x1x48x48xf32>
    tpu.vector_store %arg2[%swap3A_509, %swap3A_510, %swap3A_511, %swap3A_512], %swap3A_515 {strides = array<i32>} : memref<1x48x48x48xf32, #tpu.memory_space<vmem>>, vector<1x1x48x48xf32>,
    %get3A_516 = arith.constant 0 : index
    %get3A_517 = arith.constant 20 : index
    %get3A_518 = arith.constant 0 : index
    %get3A_519 = arith.constant 0 : index
    %get3A_520 = vector.load %arg1[%get3A_516, %get3A_517, %get3A_518, %get3A_519] : memref<1x48x48x48xf32, #tpu.memory_space<vmem>>, vector<1x1x48x48xf32>
    %get3A_521 = vector.shape_cast %get3A_520 : vector<1x1x48x48xf32> to vector<48x48xf32>
    %add3A_522 = arith.addf %get3A_494, %get3A_467 : vector<48x48xf32>
    %add3A_523 = arith.addf %add3A_522, %get3A_521 : vector<48x48xf32>
    %slice3A_524 = vector.extract_strided_slice %add3A_523 {offsets = [1, 0], sizes = [47, 48], strides = [1, 1]} : vector<48x48xf32> to vector<47x48xf32>
    %concatenate3A_525 = tpu.concatenate %slice3A_524, %broadcast_in_dim3A_0 in 0 : vector<47x48xf32>, vector<1x48xf32> -> vector<48x48xf32>
    %add3A_526 = arith.addf %add3A_523, %concatenate3A_525 : vector<48x48xf32>
    %slice3A_527 = vector.extract_strided_slice %add3A_523 {offsets = [0, 0], sizes = [47, 48], strides = [1, 1]} : vector<48x48xf32> to vector<47x48xf32>
    %concatenate3A_528 = tpu.concatenate %broadcast_in_dim3A_0, %slice3A_527 in 0 : vector<1x48xf32>, vector<47x48xf32> -> vector<48x48xf32>
    %add3A_529 = arith.addf %add3A_526, %concatenate3A_528 : vector<48x48xf32>
    %slice3A_530 = vector.extract_strided_slice %add3A_529 {offsets = [0, 1], sizes = [48, 47], strides = [1, 1]} : vector<48x48xf32> to vector<48x47xf32>
    %concatenate3A_531 = tpu.concatenate %slice3A_530, %broadcast_in_dim3A_2 in 1 : vector<48x47xf32>, vector<48x1xf32> -> vector<48x48xf32>
    %add3A_532 = arith.addf %add3A_529, %concatenate3A_531 : vector<48x48xf32>
    %slice3A_533 = vector.extract_strided_slice %add3A_529 {offsets = [0, 0], sizes = [48, 47], strides = [1, 1]} : vector<48x48xf32> to vector<48x47xf32>
    %concatenate3A_534 = tpu.concatenate %broadcast_in_dim3A_2, %slice3A_533 in 1 : vector<48x1xf32>, vector<48x47xf32> -> vector<48x48xf32>
    %add3A_535 = arith.addf %add3A_532, %concatenate3A_534 : vector<48x48xf32>
    %swap3A_536 = arith.constant 0 : index
    %swap3A_537 = arith.constant 19 : index
    %swap3A_538 = arith.constant 0 : index
    %swap3A_539 = arith.constant 0 : index
    %swap3A_540 = vector.load %arg2[%swap3A_536, %swap3A_537, %swap3A_538, %swap3A_539] : memref<1x48x48x48xf32, #tpu.memory_space<vmem>>, vector<1x1x48x48xf32>
    %swap3A_541 = vector.shape_cast %swap3A_540 : vector<1x1x48x48xf32> to vector<48x48xf32>
    %swap3A_542 = vector.shape_cast %add3A_535 : vector<48x48xf32> to vector<1x1x48x48xf32>
    tpu.vector_store %arg2[%swap3A_536, %swap3A_537, %swap3A_538, %swap3A_539], %swap3A_542 {strides = array<i32>} : memref<1x48x48x48xf32, #tpu.memory_space<vmem>>, vector<1x1x48x48xf32>,
    %get3A_543 = arith.constant 0 : index
    %get3A_544 = arith.constant 21 : index
    %get3A_545 = arith.constant 0 : index
    %get3A_546 = arith.constant 0 : index
    %get3A_547 = vector.load %arg1[%get3A_543, %get3A_544, %get3A_545, %get3A_546] : memref<1x48x48x48xf32, #tpu.memory_space<vmem>>, vector<1x1x48x48xf32>
    %get3A_548 = vector.shape_cast %get3A_547 : vector<1x1x48x48xf32> to vector<48x48xf32>
    %add3A_549 = arith.addf %get3A_521, %get3A_494 : vector<48x48xf32>
    %add3A_550 = arith.addf %add3A_549, %get3A_548 : vector<48x48xf32>
    %slice3A_551 = vector.extract_strided_slice %add3A_550 {offsets = [1, 0], sizes = [47, 48], strides = [1, 1]} : vector<48x48xf32> to vector<47x48xf32>
    %concatenate3A_552 = tpu.concatenate %slice3A_551, %broadcast_in_dim3A_0 in 0 : vector<47x48xf32>, vector<1x48xf32> -> vector<48x48xf32>
    %add3A_553 = arith.addf %add3A_550, %concatenate3A_552 : vector<48x48xf32>
    %slice3A_554 = vector.extract_strided_slice %add3A_550 {offsets = [0, 0], sizes = [47, 48], strides = [1, 1]} : vector<48x48xf32> to vector<47x48xf32>
    %concatenate3A_555 = tpu.concatenate %broadcast_in_dim3A_0, %slice3A_554 in 0 : vector<1x48xf32>, vector<47x48xf32> -> vector<48x48xf32>
    %add3A_556 = arith.addf %add3A_553, %concatenate3A_555 : vector<48x48xf32>
    %slice3A_557 = vector.extract_strided_slice %add3A_556 {offsets = [0, 1], sizes = [48, 47], strides = [1, 1]} : vector<48x48xf32> to vector<48x47xf32>
    %concatenate3A_558 = tpu.concatenate %slice3A_557, %broadcast_in_dim3A_2 in 1 : vector<48x47xf32>, vector<48x1xf32> -> vector<48x48xf32>
    %add3A_559 = arith.addf %add3A_556, %concatenate3A_558 : vector<48x48xf32>
    %slice3A_560 = vector.extract_strided_slice %add3A_556 {offsets = [0, 0], sizes = [48, 47], strides = [1, 1]} : vector<48x48xf32> to vector<48x47xf32>
    %concatenate3A_561 = tpu.concatenate %broadcast_in_dim3A_2, %slice3A_560 in 1 : vector<48x1xf32>, vector<48x47xf32> -> vector<48x48xf32>
    %add3A_562 = arith.addf %add3A_559, %concatenate3A_561 : vector<48x48xf32>
    %swap3A_563 = arith.constant 0 : index
    %swap3A_564 = arith.constant 20 : index
    %swap3A_565 = arith.constant 0 : index
    %swap3A_566 = arith.constant 0 : index
    %swap3A_567 = vector.load %arg2[%swap3A_563, %swap3A_564, %swap3A_565, %swap3A_566] : memref<1x48x48x48xf32, #tpu.memory_space<vmem>>, vector<1x1x48x48xf32>
    %swap3A_568 = vector.shape_cast %swap3A_567 : vector<1x1x48x48xf32> to vector<48x48xf32>
    %swap3A_569 = vector.shape_cast %add3A_562 : vector<48x48xf32> to vector<1x1x48x48xf32>
    tpu.vector_store %arg2[%swap3A_563, %swap3A_564, %swap3A_565, %swap3A_566], %swap3A_569 {strides = array<i32>} : memref<1x48x48x48xf32, #tpu.memory_space<vmem>>, vector<1x1x48x48xf32>,
    %get3A_570 = arith.constant 0 : index
    %get3A_571 = arith.constant 22 : index
    %get3A_572 = arith.constant 0 : index
    %get3A_573 = arith.constant 0 : index
    %get3A_574 = vector.load %arg1[%get3A_570, %get3A_571, %get3A_572, %get3A_573] : memref<1x48x48x48xf32, #tpu.memory_space<vmem>>, vector<1x1x48x48xf32>
    %get3A_575 = vector.shape_cast %get3A_574 : vector<1x1x48x48xf32> to vector<48x48xf32>
    %add3A_576 = arith.addf %get3A_548, %get3A_521 : vector<48x48xf32>
    %add3A_577 = arith.addf %add3A_576, %get3A_575 : vector<48x48xf32>
    %slice3A_578 = vector.extract_strided_slice %add3A_577 {offsets = [1, 0], sizes = [47, 48], strides = [1, 1]} : vector<48x48xf32> to vector<47x48xf32>
    %concatenate3A_579 = tpu.concatenate %slice3A_578, %broadcast_in_dim3A_0 in 0 : vector<47x48xf32>, vector<1x48xf32> -> vector<48x48xf32>
    %add3A_580 = arith.addf %add3A_577, %concatenate3A_579 : vector<48x48xf32>
    %slice3A_581 = vector.extract_strided_slice %add3A_577 {offsets = [0, 0], sizes = [47, 48], strides = [1, 1]} : vector<48x48xf32> to vector<47x48xf32>
    %concatenate3A_582 = tpu.concatenate %broadcast_in_dim3A_0, %slice3A_581 in 0 : vector<1x48xf32>, vector<47x48xf32> -> vector<48x48xf32>
    %add3A_583 = arith.addf %add3A_580, %concatenate3A_582 : vector<48x48xf32>
    %slice3A_584 = vector.extract_strided_slice %add3A_583 {offsets = [0, 1], sizes = [48, 47], strides = [1, 1]} : vector<48x48xf32> to vector<48x47xf32>
    %concatenate3A_585 = tpu.concatenate %slice3A_584, %broadcast_in_dim3A_2 in 1 : vector<48x47xf32>, vector<48x1xf32> -> vector<48x48xf32>
    %add3A_586 = arith.addf %add3A_583, %concatenate3A_585 : vector<48x48xf32>
    %slice3A_587 = vector.extract_strided_slice %add3A_583 {offsets = [0, 0], sizes = [48, 47], strides = [1, 1]} : vector<48x48xf32> to vector<48x47xf32>
    %concatenate3A_588 = tpu.concatenate %broadcast_in_dim3A_2, %slice3A_587 in 1 : vector<48x1xf32>, vector<48x47xf32> -> vector<48x48xf32>
    %add3A_589 = arith.addf %add3A_586, %concatenate3A_588 : vector<48x48xf32>
    %swap3A_590 = arith.constant 0 : index
    %swap3A_591 = arith.constant 21 : index
    %swap3A_592 = arith.constant 0 : index
    %swap3A_593 = arith.constant 0 : index
    %swap3A_594 = vector.load %arg2[%swap3A_590, %swap3A_591, %swap3A_592, %swap3A_593] : memref<1x48x48x48xf32, #tpu.memory_space<vmem>>, vector<1x1x48x48xf32>
    %swap3A_595 = vector.shape_cast %swap3A_594 : vector<1x1x48x48xf32> to vector<48x48xf32>
    %swap3A_596 = vector.shape_cast %add3A_589 : vector<48x48xf32> to vector<1x1x48x48xf32>
    tpu.vector_store %arg2[%swap3A_590, %swap3A_591, %swap3A_592, %swap3A_593], %swap3A_596 {strides = array<i32>} : memref<1x48x48x48xf32, #tpu.memory_space<vmem>>, vector<1x1x48x48xf32>,
    %get3A_597 = arith.constant 0 : index
    %get3A_598 = arith.constant 23 : index
    %get3A_599 = arith.constant 0 : index
    %get3A_600 = arith.constant 0 : index
    %get3A_601 = vector.load %arg1[%get3A_597, %get3A_598, %get3A_599, %get3A_600] : memref<1x48x48x48xf32, #tpu.memory_space<vmem>>, vector<1x1x48x48xf32>
    %get3A_602 = vector.shape_cast %get3A_601 : vector<1x1x48x48xf32> to vector<48x48xf32>
    %add3A_603 = arith.addf %get3A_575, %get3A_548 : vector<48x48xf32>
    %add3A_604 = arith.addf %add3A_603, %get3A_602 : vector<48x48xf32>
    %slice3A_605 = vector.extract_strided_slice %add3A_604 {offsets = [1, 0], sizes = [47, 48], strides = [1, 1]} : vector<48x48xf32> to vector<47x48xf32>
    %concatenate3A_606 = tpu.concatenate %slice3A_605, %broadcast_in_dim3A_0 in 0 : vector<47x48xf32>, vector<1x48xf32> -> vector<48x48xf32>
    %add3A_607 = arith.addf %add3A_604, %concatenate3A_606 : vector<48x48xf32>
    %slice3A_608 = vector.extract_strided_slice %add3A_604 {offsets = [0, 0], sizes = [47, 48], strides = [1, 1]} : vector<48x48xf32> to vector<47x48xf32>
    %concatenate3A_609 = tpu.concatenate %broadcast_in_dim3A_0, %slice3A_608 in 0 : vector<1x48xf32>, vector<47x48xf32> -> vector<48x48xf32>
    %add3A_610 = arith.addf %add3A_607, %concatenate3A_609 : vector<48x48xf32>
    %slice3A_611 = vector.extract_strided_slice %add3A_610 {offsets = [0, 1], sizes = [48, 47], strides = [1, 1]} : vector<48x48xf32> to vector<48x47xf32>
    %concatenate3A_612 = tpu.concatenate %slice3A_611, %broadcast_in_dim3A_2 in 1 : vector<48x47xf32>, vector<48x1xf32> -> vector<48x48xf32>
    %add3A_613 = arith.addf %add3A_610, %concatenate3A_612 : vector<48x48xf32>
    %slice3A_614 = vector.extract_strided_slice %add3A_610 {offsets = [0, 0], sizes = [48, 47], strides = [1, 1]} : vector<48x48xf32> to vector<48x47xf32>
    %concatenate3A_615 = tpu.concatenate %broadcast_in_dim3A_2, %slice3A_614 in 1 : vector<48x1xf32>, vector<48x47xf32> -> vector<48x48xf32>
    %add3A_616 = arith.addf %add3A_613, %concatenate3A_615 : vector<48x48xf32>
    %swap3A_617 = arith.constant 0 : index
    %swap3A_618 = arith.constant 22 : index
    %swap3A_619 = arith.constant 0 : index
    %swap3A_620 = arith.constant 0 : index
    %swap3A_621 = vector.load %arg2[%swap3A_617, %swap3A_618, %swap3A_619, %swap3A_620] : memref<1x48x48x48xf32, #tpu.memory_space<vmem>>, vector<1x1x48x48xf32>
    %swap3A_622 = vector.shape_cast %swap3A_621 : vector<1x1x48x48xf32> to vector<48x48xf32>
    %swap3A_623 = vector.shape_cast %add3A_616 : vector<48x48xf32> to vector<1x1x48x48xf32>
    tpu.vector_store %arg2[%swap3A_617, %swap3A_618, %swap3A_619, %swap3A_620], %swap3A_623 {strides = array<i32>} : memref<1x48x48x48xf32, #tpu.memory_space<vmem>>, vector<1x1x48x48xf32>,
    %get3A_624 = arith.constant 0 : index
    %get3A_625 = arith.constant 24 : index
    %get3A_626 = arith.constant 0 : index
    %get3A_627 = arith.constant 0 : index
    %get3A_628 = vector.load %arg1[%get3A_624, %get3A_625, %get3A_626, %get3A_627] : memref<1x48x48x48xf32, #tpu.memory_space<vmem>>, vector<1x1x48x48xf32>
    %get3A_629 = vector.shape_cast %get3A_628 : vector<1x1x48x48xf32> to vector<48x48xf32>
    %add3A_630 = arith.addf %get3A_602, %get3A_575 : vector<48x48xf32>
    %add3A_631 = arith.addf %add3A_630, %get3A_629 : vector<48x48xf32>
    %slice3A_632 = vector.extract_strided_slice %add3A_631 {offsets = [1, 0], sizes = [47, 48], strides = [1, 1]} : vector<48x48xf32> to vector<47x48xf32>
    %concatenate3A_633 = tpu.concatenate %slice3A_632, %broadcast_in_dim3A_0 in 0 : vector<47x48xf32>, vector<1x48xf32> -> vector<48x48xf32>
    %add3A_634 = arith.addf %add3A_631, %concatenate3A_633 : vector<48x48xf32>
    %slice3A_635 = vector.extract_strided_slice %add3A_631 {offsets = [0, 0], sizes = [47, 48], strides = [1, 1]} : vector<48x48xf32> to vector<47x48xf32>
    %concatenate3A_636 = tpu.concatenate %broadcast_in_dim3A_0, %slice3A_635 in 0 : vector<1x48xf32>, vector<47x48xf32> -> vector<48x48xf32>
    %add3A_637 = arith.addf %add3A_634, %concatenate3A_636 : vector<48x48xf32>
    %slice3A_638 = vector.extract_strided_slice %add3A_637 {offsets = [0, 1], sizes = [48, 47], strides = [1, 1]} : vector<48x48xf32> to vector<48x47xf32>
    %concatenate3A_639 = tpu.concatenate %slice3A_638, %broadcast_in_dim3A_2 in 1 : vector<48x47xf32>, vector<48x1xf32> -> vector<48x48xf32>
    %add3A_640 = arith.addf %add3A_637, %concatenate3A_639 : vector<48x48xf32>
    %slice3A_641 = vector.extract_strided_slice %add3A_637 {offsets = [0, 0], sizes = [48, 47], strides = [1, 1]} : vector<48x48xf32> to vector<48x47xf32>
    %concatenate3A_642 = tpu.concatenate %broadcast_in_dim3A_2, %slice3A_641 in 1 : vector<48x1xf32>, vector<48x47xf32> -> vector<48x48xf32>
    %add3A_643 = arith.addf %add3A_640, %concatenate3A_642 : vector<48x48xf32>
    %swap3A_644 = arith.constant 0 : index
    %swap3A_645 = arith.constant 23 : index
    %swap3A_646 = arith.constant 0 : index
    %swap3A_647 = arith.constant 0 : index
    %swap3A_648 = vector.load %arg2[%swap3A_644, %swap3A_645, %swap3A_646, %swap3A_647] : memref<1x48x48x48xf32, #tpu.memory_space<vmem>>, vector<1x1x48x48xf32>
    %swap3A_649 = vector.shape_cast %swap3A_648 : vector<1x1x48x48xf32> to vector<48x48xf32>
    %swap3A_650 = vector.shape_cast %add3A_643 : vector<48x48xf32> to vector<1x1x48x48xf32>
    tpu.vector_store %arg2[%swap3A_644, %swap3A_645, %swap3A_646, %swap3A_647], %swap3A_650 {strides = array<i32>} : memref<1x48x48x48xf32, #tpu.memory_space<vmem>>, vector<1x1x48x48xf32>,
    %get3A_651 = arith.constant 0 : index
    %get3A_652 = arith.constant 25 : index
    %get3A_653 = arith.constant 0 : index
    %get3A_654 = arith.constant 0 : index
    %get3A_655 = vector.load %arg1[%get3A_651, %get3A_652, %get3A_653, %get3A_654] : memref<1x48x48x48xf32, #tpu.memory_space<vmem>>, vector<1x1x48x48xf32>
    %get3A_656 = vector.shape_cast %get3A_655 : vector<1x1x48x48xf32> to vector<48x48xf32>
    %add3A_657 = arith.addf %get3A_629, %get3A_602 : vector<48x48xf32>
    %add3A_658 = arith.addf %add3A_657, %get3A_656 : vector<48x48xf32>
    %slice3A_659 = vector.extract_strided_slice %add3A_658 {offsets = [1, 0], sizes = [47, 48], strides = [1, 1]} : vector<48x48xf32> to vector<47x48xf32>
    %concatenate3A_660 = tpu.concatenate %slice3A_659, %broadcast_in_dim3A_0 in 0 : vector<47x48xf32>, vector<1x48xf32> -> vector<48x48xf32>
    %add3A_661 = arith.addf %add3A_658, %concatenate3A_660 : vector<48x48xf32>
    %slice3A_662 = vector.extract_strided_slice %add3A_658 {offsets = [0, 0], sizes = [47, 48], strides = [1, 1]} : vector<48x48xf32> to vector<47x48xf32>
    %concatenate3A_663 = tpu.concatenate %broadcast_in_dim3A_0, %slice3A_662 in 0 : vector<1x48xf32>, vector<47x48xf32> -> vector<48x48xf32>
    %add3A_664 = arith.addf %add3A_661, %concatenate3A_663 : vector<48x48xf32>
    %slice3A_665 = vector.extract_strided_slice %add3A_664 {offsets = [0, 1], sizes = [48, 47], strides = [1, 1]} : vector<48x48xf32> to vector<48x47xf32>
    %concatenate3A_666 = tpu.concatenate %slice3A_665, %broadcast_in_dim3A_2 in 1 : vector<48x47xf32>, vector<48x1xf32> -> vector<48x48xf32>
    %add3A_667 = arith.addf %add3A_664, %concatenate3A_666 : vector<48x48xf32>
    %slice3A_668 = vector.extract_strided_slice %add3A_664 {offsets = [0, 0], sizes = [48, 47], strides = [1, 1]} : vector<48x48xf32> to vector<48x47xf32>
    %concatenate3A_669 = tpu.concatenate %broadcast_in_dim3A_2, %slice3A_668 in 1 : vector<48x1xf32>, vector<48x47xf32> -> vector<48x48xf32>
    %add3A_670 = arith.addf %add3A_667, %concatenate3A_669 : vector<48x48xf32>
    %swap3A_671 = arith.constant 0 : index
    %swap3A_672 = arith.constant 24 : index
    %swap3A_673 = arith.constant 0 : index
    %swap3A_674 = arith.constant 0 : index
    %swap3A_675 = vector.load %arg2[%swap3A_671, %swap3A_672, %swap3A_673, %swap3A_674] : memref<1x48x48x48xf32, #tpu.memory_space<vmem>>, vector<1x1x48x48xf32>
    %swap3A_676 = vector.shape_cast %swap3A_675 : vector<1x1x48x48xf32> to vector<48x48xf32>
    %swap3A_677 = vector.shape_cast %add3A_670 : vector<48x48xf32> to vector<1x1x48x48xf32>
    tpu.vector_store %arg2[%swap3A_671, %swap3A_672, %swap3A_673, %swap3A_674], %swap3A_677 {strides = array<i32>} : memref<1x48x48x48xf32, #tpu.memory_space<vmem>>, vector<1x1x48x48xf32>,
    %get3A_678 = arith.constant 0 : index
    %get3A_679 = arith.constant 26 : index
    %get3A_680 = arith.constant 0 : index
    %get3A_681 = arith.constant 0 : index
    %get3A_682 = vector.load %arg1[%get3A_678, %get3A_679, %get3A_680, %get3A_681] : memref<1x48x48x48xf32, #tpu.memory_space<vmem>>, vector<1x1x48x48xf32>
    %get3A_683 = vector.shape_cast %get3A_682 : vector<1x1x48x48xf32> to vector<48x48xf32>
    %add3A_684 = arith.addf %get3A_656, %get3A_629 : vector<48x48xf32>
    %add3A_685 = arith.addf %add3A_684, %get3A_683 : vector<48x48xf32>
    %slice3A_686 = vector.extract_strided_slice %add3A_685 {offsets = [1, 0], sizes = [47, 48], strides = [1, 1]} : vector<48x48xf32> to vector<47x48xf32>
    %concatenate3A_687 = tpu.concatenate %slice3A_686, %broadcast_in_dim3A_0 in 0 : vector<47x48xf32>, vector<1x48xf32> -> vector<48x48xf32>
    %add3A_688 = arith.addf %add3A_685, %concatenate3A_687 : vector<48x48xf32>
    %slice3A_689 = vector.extract_strided_slice %add3A_685 {offsets = [0, 0], sizes = [47, 48], strides = [1, 1]} : vector<48x48xf32> to vector<47x48xf32>
    %concatenate3A_690 = tpu.concatenate %broadcast_in_dim3A_0, %slice3A_689 in 0 : vector<1x48xf32>, vector<47x48xf32> -> vector<48x48xf32>
    %add3A_691 = arith.addf %add3A_688, %concatenate3A_690 : vector<48x48xf32>
    %slice3A_692 = vector.extract_strided_slice %add3A_691 {offsets = [0, 1], sizes = [48, 47], strides = [1, 1]} : vector<48x48xf32> to vector<48x47xf32>
    %concatenate3A_693 = tpu.concatenate %slice3A_692, %broadcast_in_dim3A_2 in 1 : vector<48x47xf32>, vector<48x1xf32> -> vector<48x48xf32>
    %add3A_694 = arith.addf %add3A_691, %concatenate3A_693 : vector<48x48xf32>
    %slice3A_695 = vector.extract_strided_slice %add3A_691 {offsets = [0, 0], sizes = [48, 47], strides = [1, 1]} : vector<48x48xf32> to vector<48x47xf32>
    %concatenate3A_696 = tpu.concatenate %broadcast_in_dim3A_2, %slice3A_695 in 1 : vector<48x1xf32>, vector<48x47xf32> -> vector<48x48xf32>
    %add3A_697 = arith.addf %add3A_694, %concatenate3A_696 : vector<48x48xf32>
    %swap3A_698 = arith.constant 0 : index
    %swap3A_699 = arith.constant 25 : index
    %swap3A_700 = arith.constant 0 : index
    %swap3A_701 = arith.constant 0 : index
    %swap3A_702 = vector.load %arg2[%swap3A_698, %swap3A_699, %swap3A_700, %swap3A_701] : memref<1x48x48x48xf32, #tpu.memory_space<vmem>>, vector<1x1x48x48xf32>
    %swap3A_703 = vector.shape_cast %swap3A_702 : vector<1x1x48x48xf32> to vector<48x48xf32>
    %swap3A_704 = vector.shape_cast %add3A_697 : vector<48x48xf32> to vector<1x1x48x48xf32>
    tpu.vector_store %arg2[%swap3A_698, %swap3A_699, %swap3A_700, %swap3A_701], %swap3A_704 {strides = array<i32>} : memref<1x48x48x48xf32, #tpu.memory_space<vmem>>, vector<1x1x48x48xf32>,
    %get3A_705 = arith.constant 0 : index
    %get3A_706 = arith.constant 27 : index
    %get3A_707 = arith.constant 0 : index
    %get3A_708 = arith.constant 0 : index
    %get3A_709 = vector.load %arg1[%get3A_705, %get3A_706, %get3A_707, %get3A_708] : memref<1x48x48x48xf32, #tpu.memory_space<vmem>>, vector<1x1x48x48xf32>
    %get3A_710 = vector.shape_cast %get3A_709 : vector<1x1x48x48xf32> to vector<48x48xf32>
    %add3A_711 = arith.addf %get3A_683, %get3A_656 : vector<48x48xf32>
    %add3A_712 = arith.addf %add3A_711, %get3A_710 : vector<48x48xf32>
    %slice3A_713 = vector.extract_strided_slice %add3A_712 {offsets = [1, 0], sizes = [47, 48], strides = [1, 1]} : vector<48x48xf32> to vector<47x48xf32>
    %concatenate3A_714 = tpu.concatenate %slice3A_713, %broadcast_in_dim3A_0 in 0 : vector<47x48xf32>, vector<1x48xf32> -> vector<48x48xf32>
    %add3A_715 = arith.addf %add3A_712, %concatenate3A_714 : vector<48x48xf32>
    %slice3A_716 = vector.extract_strided_slice %add3A_712 {offsets = [0, 0], sizes = [47, 48], strides = [1, 1]} : vector<48x48xf32> to vector<47x48xf32>
    %concatenate3A_717 = tpu.concatenate %broadcast_in_dim3A_0, %slice3A_716 in 0 : vector<1x48xf32>, vector<47x48xf32> -> vector<48x48xf32>
    %add3A_718 = arith.addf %add3A_715, %concatenate3A_717 : vector<48x48xf32>
    %slice3A_719 = vector.extract_strided_slice %add3A_718 {offsets = [0, 1], sizes = [48, 47], strides = [1, 1]} : vector<48x48xf32> to vector<48x47xf32>
    %concatenate3A_720 = tpu.concatenate %slice3A_719, %broadcast_in_dim3A_2 in 1 : vector<48x47xf32>, vector<48x1xf32> -> vector<48x48xf32>
    %add3A_721 = arith.addf %add3A_718, %concatenate3A_720 : vector<48x48xf32>
    %slice3A_722 = vector.extract_strided_slice %add3A_718 {offsets = [0, 0], sizes = [48, 47], strides = [1, 1]} : vector<48x48xf32> to vector<48x47xf32>
    %concatenate3A_723 = tpu.concatenate %broadcast_in_dim3A_2, %slice3A_722 in 1 : vector<48x1xf32>, vector<48x47xf32> -> vector<48x48xf32>
    %add3A_724 = arith.addf %add3A_721, %concatenate3A_723 : vector<48x48xf32>
    %swap3A_725 = arith.constant 0 : index
    %swap3A_726 = arith.constant 26 : index
    %swap3A_727 = arith.constant 0 : index
    %swap3A_728 = arith.constant 0 : index
    %swap3A_729 = vector.load %arg2[%swap3A_725, %swap3A_726, %swap3A_727, %swap3A_728] : memref<1x48x48x48xf32, #tpu.memory_space<vmem>>, vector<1x1x48x48xf32>
    %swap3A_730 = vector.shape_cast %swap3A_729 : vector<1x1x48x48xf32> to vector<48x48xf32>
    %swap3A_731 = vector.shape_cast %add3A_724 : vector<48x48xf32> to vector<1x1x48x48xf32>
    tpu.vector_store %arg2[%swap3A_725, %swap3A_726, %swap3A_727, %swap3A_728], %swap3A_731 {strides = array<i32>} : memref<1x48x48x48xf32, #tpu.memory_space<vmem>>, vector<1x1x48x48xf32>,
    %get3A_732 = arith.constant 0 : index
    %get3A_733 = arith.constant 28 : index
    %get3A_734 = arith.constant 0 : index
    %get3A_735 = arith.constant 0 : index
    %get3A_736 = vector.load %arg1[%get3A_732, %get3A_733, %get3A_734, %get3A_735] : memref<1x48x48x48xf32, #tpu.memory_space<vmem>>, vector<1x1x48x48xf32>
    %get3A_737 = vector.shape_cast %get3A_736 : vector<1x1x48x48xf32> to vector<48x48xf32>
    %add3A_738 = arith.addf %get3A_710, %get3A_683 : vector<48x48xf32>
    %add3A_739 = arith.addf %add3A_738, %get3A_737 : vector<48x48xf32>
    %slice3A_740 = vector.extract_strided_slice %add3A_739 {offsets = [1, 0], sizes = [47, 48], strides = [1, 1]} : vector<48x48xf32> to vector<47x48xf32>
    %concatenate3A_741 = tpu.concatenate %slice3A_740, %broadcast_in_dim3A_0 in 0 : vector<47x48xf32>, vector<1x48xf32> -> vector<48x48xf32>
    %add3A_742 = arith.addf %add3A_739, %concatenate3A_741 : vector<48x48xf32>
    %slice3A_743 = vector.extract_strided_slice %add3A_739 {offsets = [0, 0], sizes = [47, 48], strides = [1, 1]} : vector<48x48xf32> to vector<47x48xf32>
    %concatenate3A_744 = tpu.concatenate %broadcast_in_dim3A_0, %slice3A_743 in 0 : vector<1x48xf32>, vector<47x48xf32> -> vector<48x48xf32>
    %add3A_745 = arith.addf %add3A_742, %concatenate3A_744 : vector<48x48xf32>
    %slice3A_746 = vector.extract_strided_slice %add3A_745 {offsets = [0, 1], sizes = [48, 47], strides = [1, 1]} : vector<48x48xf32> to vector<48x47xf32>
    %concatenate3A_747 = tpu.concatenate %slice3A_746, %broadcast_in_dim3A_2 in 1 : vector<48x47xf32>, vector<48x1xf32> -> vector<48x48xf32>
    %add3A_748 = arith.addf %add3A_745, %concatenate3A_747 : vector<48x48xf32>
    %slice3A_749 = vector.extract_strided_slice %add3A_745 {offsets = [0, 0], sizes = [48, 47], strides = [1, 1]} : vector<48x48xf32> to vector<48x47xf32>
    %concatenate3A_750 = tpu.concatenate %broadcast_in_dim3A_2, %slice3A_749 in 1 : vector<48x1xf32>, vector<48x47xf32> -> vector<48x48xf32>
    %add3A_751 = arith.addf %add3A_748, %concatenate3A_750 : vector<48x48xf32>
    %swap3A_752 = arith.constant 0 : index
    %swap3A_753 = arith.constant 27 : index
    %swap3A_754 = arith.constant 0 : index
    %swap3A_755 = arith.constant 0 : index
    %swap3A_756 = vector.load %arg2[%swap3A_752, %swap3A_753, %swap3A_754, %swap3A_755] : memref<1x48x48x48xf32, #tpu.memory_space<vmem>>, vector<1x1x48x48xf32>
    %swap3A_757 = vector.shape_cast %swap3A_756 : vector<1x1x48x48xf32> to vector<48x48xf32>
    %swap3A_758 = vector.shape_cast %add3A_751 : vector<48x48xf32> to vector<1x1x48x48xf32>
    tpu.vector_store %arg2[%swap3A_752, %swap3A_753, %swap3A_754, %swap3A_755], %swap3A_758 {strides = array<i32>} : memref<1x48x48x48xf32, #tpu.memory_space<vmem>>, vector<1x1x48x48xf32>,
    %get3A_759 = arith.constant 0 : index
    %get3A_760 = arith.constant 29 : index
    %get3A_761 = arith.constant 0 : index
    %get3A_762 = arith.constant 0 : index
    %get3A_763 = vector.load %arg1[%get3A_759, %get3A_760, %get3A_761, %get3A_762] : memref<1x48x48x48xf32, #tpu.memory_space<vmem>>, vector<1x1x48x48xf32>
    %get3A_764 = vector.shape_cast %get3A_763 : vector<1x1x48x48xf32> to vector<48x48xf32>
    %add3A_765 = arith.addf %get3A_737, %get3A_710 : vector<48x48xf32>
    %add3A_766 = arith.addf %add3A_765, %get3A_764 : vector<48x48xf32>
    %slice3A_767 = vector.extract_strided_slice %add3A_766 {offsets = [1, 0], sizes = [47, 48], strides = [1, 1]} : vector<48x48xf32> to vector<47x48xf32>
    %concatenate3A_768 = tpu.concatenate %slice3A_767, %broadcast_in_dim3A_0 in 0 : vector<47x48xf32>, vector<1x48xf32> -> vector<48x48xf32>
    %add3A_769 = arith.addf %add3A_766, %concatenate3A_768 : vector<48x48xf32>
    %slice3A_770 = vector.extract_strided_slice %add3A_766 {offsets = [0, 0], sizes = [47, 48], strides = [1, 1]} : vector<48x48xf32> to vector<47x48xf32>
    %concatenate3A_771 = tpu.concatenate %broadcast_in_dim3A_0, %slice3A_770 in 0 : vector<1x48xf32>, vector<47x48xf32> -> vector<48x48xf32>
    %add3A_772 = arith.addf %add3A_769, %concatenate3A_771 : vector<48x48xf32>
    %slice3A_773 = vector.extract_strided_slice %add3A_772 {offsets = [0, 1], sizes = [48, 47], strides = [1, 1]} : vector<48x48xf32> to vector<48x47xf32>
    %concatenate3A_774 = tpu.concatenate %slice3A_773, %broadcast_in_dim3A_2 in 1 : vector<48x47xf32>, vector<48x1xf32> -> vector<48x48xf32>
    %add3A_775 = arith.addf %add3A_772, %concatenate3A_774 : vector<48x48xf32>
    %slice3A_776 = vector.extract_strided_slice %add3A_772 {offsets = [0, 0], sizes = [48, 47], strides = [1, 1]} : vector<48x48xf32> to vector<48x47xf32>
    %concatenate3A_777 = tpu.concatenate %broadcast_in_dim3A_2, %slice3A_776 in 1 : vector<48x1xf32>, vector<48x47xf32> -> vector<48x48xf32>
    %add3A_778 = arith.addf %add3A_775, %concatenate3A_777 : vector<48x48xf32>
    %swap3A_779 = arith.constant 0 : index
    %swap3A_780 = arith.constant 28 : index
    %swap3A_781 = arith.constant 0 : index
    %swap3A_782 = arith.constant 0 : index
    %swap3A_783 = vector.load %arg2[%swap3A_779, %swap3A_780, %swap3A_781, %swap3A_782] : memref<1x48x48x48xf32, #tpu.memory_space<vmem>>, vector<1x1x48x48xf32>
    %swap3A_784 = vector.shape_cast %swap3A_783 : vector<1x1x48x48xf32> to vector<48x48xf32>
    %swap3A_785 = vector.shape_cast %add3A_778 : vector<48x48xf32> to vector<1x1x48x48xf32>
    tpu.vector_store %arg2[%swap3A_779, %swap3A_780, %swap3A_781, %swap3A_782], %swap3A_785 {strides = array<i32>} : memref<1x48x48x48xf32, #tpu.memory_space<vmem>>, vector<1x1x48x48xf32>,
    %get3A_786 = arith.constant 0 : index
    %get3A_787 = arith.constant 30 : index
    %get3A_788 = arith.constant 0 : index
    %get3A_789 = arith.constant 0 : index
    %get3A_790 = vector.load %arg1[%get3A_786, %get3A_787, %get3A_788, %get3A_789] : memref<1x48x48x48xf32, #tpu.memory_space<vmem>>, vector<1x1x48x48xf32>
    %get3A_791 = vector.shape_cast %get3A_790 : vector<1x1x48x48xf32> to vector<48x48xf32>
    %add3A_792 = arith.addf %get3A_764, %get3A_737 : vector<48x48xf32>
    %add3A_793 = arith.addf %add3A_792, %get3A_791 : vector<48x48xf32>
    %slice3A_794 = vector.extract_strided_slice %add3A_793 {offsets = [1, 0], sizes = [47, 48], strides = [1, 1]} : vector<48x48xf32> to vector<47x48xf32>
    %concatenate3A_795 = tpu.concatenate %slice3A_794, %broadcast_in_dim3A_0 in 0 : vector<47x48xf32>, vector<1x48xf32> -> vector<48x48xf32>
    %add3A_796 = arith.addf %add3A_793, %concatenate3A_795 : vector<48x48xf32>
    %slice3A_797 = vector.extract_strided_slice %add3A_793 {offsets = [0, 0], sizes = [47, 48], strides = [1, 1]} : vector<48x48xf32> to vector<47x48xf32>
    %concatenate3A_798 = tpu.concatenate %broadcast_in_dim3A_0, %slice3A_797 in 0 : vector<1x48xf32>, vector<47x48xf32> -> vector<48x48xf32>
    %add3A_799 = arith.addf %add3A_796, %concatenate3A_798 : vector<48x48xf32>
    %slice3A_800 = vector.extract_strided_slice %add3A_799 {offsets = [0, 1], sizes = [48, 47], strides = [1, 1]} : vector<48x48xf32> to vector<48x47xf32>
    %concatenate3A_801 = tpu.concatenate %slice3A_800, %broadcast_in_dim3A_2 in 1 : vector<48x47xf32>, vector<48x1xf32> -> vector<48x48xf32>
    %add3A_802 = arith.addf %add3A_799, %concatenate3A_801 : vector<48x48xf32>
    %slice3A_803 = vector.extract_strided_slice %add3A_799 {offsets = [0, 0], sizes = [48, 47], strides = [1, 1]} : vector<48x48xf32> to vector<48x47xf32>
    %concatenate3A_804 = tpu.concatenate %broadcast_in_dim3A_2, %slice3A_803 in 1 : vector<48x1xf32>, vector<48x47xf32> -> vector<48x48xf32>
    %add3A_805 = arith.addf %add3A_802, %concatenate3A_804 : vector<48x48xf32>
    %swap3A_806 = arith.constant 0 : index
    %swap3A_807 = arith.constant 29 : index
    %swap3A_808 = arith.constant 0 : index
    %swap3A_809 = arith.constant 0 : index
    %swap3A_810 = vector.load %arg2[%swap3A_806, %swap3A_807, %swap3A_808, %swap3A_809] : memref<1x48x48x48xf32, #tpu.memory_space<vmem>>, vector<1x1x48x48xf32>
    %swap3A_811 = vector.shape_cast %swap3A_810 : vector<1x1x48x48xf32> to vector<48x48xf32>
    %swap3A_812 = vector.shape_cast %add3A_805 : vector<48x48xf32> to vector<1x1x48x48xf32>
    tpu.vector_store %arg2[%swap3A_806, %swap3A_807, %swap3A_808, %swap3A_809], %swap3A_812 {strides = array<i32>} : memref<1x48x48x48xf32, #tpu.memory_space<vmem>>, vector<1x1x48x48xf32>,
    %get3A_813 = arith.constant 0 : index
    %get3A_814 = arith.constant 31 : index
    %get3A_815 = arith.constant 0 : index
    %get3A_816 = arith.constant 0 : index
    %get3A_817 = vector.load %arg1[%get3A_813, %get3A_814, %get3A_815, %get3A_816] : memref<1x48x48x48xf32, #tpu.memory_space<vmem>>, vector<1x1x48x48xf32>
    %get3A_818 = vector.shape_cast %get3A_817 : vector<1x1x48x48xf32> to vector<48x48xf32>
    %add3A_819 = arith.addf %get3A_791, %get3A_764 : vector<48x48xf32>
    %add3A_820 = arith.addf %add3A_819, %get3A_818 : vector<48x48xf32>
    %slice3A_821 = vector.extract_strided_slice %add3A_820 {offsets = [1, 0], sizes = [47, 48], strides = [1, 1]} : vector<48x48xf32> to vector<47x48xf32>
    %concatenate3A_822 = tpu.concatenate %slice3A_821, %broadcast_in_dim3A_0 in 0 : vector<47x48xf32>, vector<1x48xf32> -> vector<48x48xf32>
    %add3A_823 = arith.addf %add3A_820, %concatenate3A_822 : vector<48x48xf32>
    %slice3A_824 = vector.extract_strided_slice %add3A_820 {offsets = [0, 0], sizes = [47, 48], strides = [1, 1]} : vector<48x48xf32> to vector<47x48xf32>
    %concatenate3A_825 = tpu.concatenate %broadcast_in_dim3A_0, %slice3A_824 in 0 : vector<1x48xf32>, vector<47x48xf32> -> vector<48x48xf32>
    %add3A_826 = arith.addf %add3A_823, %concatenate3A_825 : vector<48x48xf32>
    %slice3A_827 = vector.extract_strided_slice %add3A_826 {offsets = [0, 1], sizes = [48, 47], strides = [1, 1]} : vector<48x48xf32> to vector<48x47xf32>
    %concatenate3A_828 = tpu.concatenate %slice3A_827, %broadcast_in_dim3A_2 in 1 : vector<48x47xf32>, vector<48x1xf32> -> vector<48x48xf32>
    %add3A_829 = arith.addf %add3A_826, %concatenate3A_828 : vector<48x48xf32>
    %slice3A_830 = vector.extract_strided_slice %add3A_826 {offsets = [0, 0], sizes = [48, 47], strides = [1, 1]} : vector<48x48xf32> to vector<48x47xf32>
    %concatenate3A_831 = tpu.concatenate %broadcast_in_dim3A_2, %slice3A_830 in 1 : vector<48x1xf32>, vector<48x47xf32> -> vector<48x48xf32>
    %add3A_832 = arith.addf %add3A_829, %concatenate3A_831 : vector<48x48xf32>
    %swap3A_833 = arith.constant 0 : index
    %swap3A_834 = arith.constant 30 : index
    %swap3A_835 = arith.constant 0 : index
    %swap3A_836 = arith.constant 0 : index
    %swap3A_837 = vector.load %arg2[%swap3A_833, %swap3A_834, %swap3A_835, %swap3A_836] : memref<1x48x48x48xf32, #tpu.memory_space<vmem>>, vector<1x1x48x48xf32>
    %swap3A_838 = vector.shape_cast %swap3A_837 : vector<1x1x48x48xf32> to vector<48x48xf32>
    %swap3A_839 = vector.shape_cast %add3A_832 : vector<48x48xf32> to vector<1x1x48x48xf32>
    tpu.vector_store %arg2[%swap3A_833, %swap3A_834, %swap3A_835, %swap3A_836], %swap3A_839 {strides = array<i32>} : memref<1x48x48x48xf32, #tpu.memory_space<vmem>>, vector<1x1x48x48xf32>,
    %get3A_840 = arith.constant 0 : index
    %get3A_841 = arith.constant 32 : index
    %get3A_842 = arith.constant 0 : index
    %get3A_843 = arith.constant 0 : index
    %get3A_844 = vector.load %arg1[%get3A_840, %get3A_841, %get3A_842, %get3A_843] : memref<1x48x48x48xf32, #tpu.memory_space<vmem>>, vector<1x1x48x48xf32>
    %get3A_845 = vector.shape_cast %get3A_844 : vector<1x1x48x48xf32> to vector<48x48xf32>
    %add3A_846 = arith.addf %get3A_818, %get3A_791 : vector<48x48xf32>
    %add3A_847 = arith.addf %add3A_846, %get3A_845 : vector<48x48xf32>
    %slice3A_848 = vector.extract_strided_slice %add3A_847 {offsets = [1, 0], sizes = [47, 48], strides = [1, 1]} : vector<48x48xf32> to vector<47x48xf32>
    %concatenate3A_849 = tpu.concatenate %slice3A_848, %broadcast_in_dim3A_0 in 0 : vector<47x48xf32>, vector<1x48xf32> -> vector<48x48xf32>
    %add3A_850 = arith.addf %add3A_847, %concatenate3A_849 : vector<48x48xf32>
    %slice3A_851 = vector.extract_strided_slice %add3A_847 {offsets = [0, 0], sizes = [47, 48], strides = [1, 1]} : vector<48x48xf32> to vector<47x48xf32>
    %concatenate3A_852 = tpu.concatenate %broadcast_in_dim3A_0, %slice3A_851 in 0 : vector<1x48xf32>, vector<47x48xf32> -> vector<48x48xf32>
    %add3A_853 = arith.addf %add3A_850, %concatenate3A_852 : vector<48x48xf32>
    %slice3A_854 = vector.extract_strided_slice %add3A_853 {offsets = [0, 1], sizes = [48, 47], strides = [1, 1]} : vector<48x48xf32> to vector<48x47xf32>
    %concatenate3A_855 = tpu.concatenate %slice3A_854, %broadcast_in_dim3A_2 in 1 : vector<48x47xf32>, vector<48x1xf32> -> vector<48x48xf32>
    %add3A_856 = arith.addf %add3A_853, %concatenate3A_855 : vector<48x48xf32>
    %slice3A_857 = vector.extract_strided_slice %add3A_853 {offsets = [0, 0], sizes = [48, 47], strides = [1, 1]} : vector<48x48xf32> to vector<48x47xf32>
    %concatenate3A_858 = tpu.concatenate %broadcast_in_dim3A_2, %slice3A_857 in 1 : vector<48x1xf32>, vector<48x47xf32> -> vector<48x48xf32>
    %add3A_859 = arith.addf %add3A_856, %concatenate3A_858 : vector<48x48xf32>
    %swap3A_860 = arith.constant 0 : index
    %swap3A_861 = arith.constant 31 : index
    %swap3A_862 = arith.constant 0 : index
    %swap3A_863 = arith.constant 0 : index
    %swap3A_864 = vector.load %arg2[%swap3A_860, %swap3A_861, %swap3A_862, %swap3A_863] : memref<1x48x48x48xf32, #tpu.memory_space<vmem>>, vector<1x1x48x48xf32>
    %swap3A_865 = vector.shape_cast %swap3A_864 : vector<1x1x48x48xf32> to vector<48x48xf32>
    %swap3A_866 = vector.shape_cast %add3A_859 : vector<48x48xf32> to vector<1x1x48x48xf32>
    tpu.vector_store %arg2[%swap3A_860, %swap3A_861, %swap3A_862, %swap3A_863], %swap3A_866 {strides = array<i32>} : memref<1x48x48x48xf32, #tpu.memory_space<vmem>>, vector<1x1x48x48xf32>,
    %get3A_867 = arith.constant 0 : index
    %get3A_868 = arith.constant 33 : index
    %get3A_869 = arith.constant 0 : index
    %get3A_870 = arith.constant 0 : index
    %get3A_871 = vector.load %arg1[%get3A_867, %get3A_868, %get3A_869, %get3A_870] : memref<1x48x48x48xf32, #tpu.memory_space<vmem>>, vector<1x1x48x48xf32>
    %get3A_872 = vector.shape_cast %get3A_871 : vector<1x1x48x48xf32> to vector<48x48xf32>
    %add3A_873 = arith.addf %get3A_845, %get3A_818 : vector<48x48xf32>
    %add3A_874 = arith.addf %add3A_873, %get3A_872 : vector<48x48xf32>
    %slice3A_875 = vector.extract_strided_slice %add3A_874 {offsets = [1, 0], sizes = [47, 48], strides = [1, 1]} : vector<48x48xf32> to vector<47x48xf32>
    %concatenate3A_876 = tpu.concatenate %slice3A_875, %broadcast_in_dim3A_0 in 0 : vector<47x48xf32>, vector<1x48xf32> -> vector<48x48xf32>
    %add3A_877 = arith.addf %add3A_874, %concatenate3A_876 : vector<48x48xf32>
    %slice3A_878 = vector.extract_strided_slice %add3A_874 {offsets = [0, 0], sizes = [47, 48], strides = [1, 1]} : vector<48x48xf32> to vector<47x48xf32>
    %concatenate3A_879 = tpu.concatenate %broadcast_in_dim3A_0, %slice3A_878 in 0 : vector<1x48xf32>, vector<47x48xf32> -> vector<48x48xf32>
    %add3A_880 = arith.addf %add3A_877, %concatenate3A_879 : vector<48x48xf32>
    %slice3A_881 = vector.extract_strided_slice %add3A_880 {offsets = [0, 1], sizes = [48, 47], strides = [1, 1]} : vector<48x48xf32> to vector<48x47xf32>
    %concatenate3A_882 = tpu.concatenate %slice3A_881, %broadcast_in_dim3A_2 in 1 : vector<48x47xf32>, vector<48x1xf32> -> vector<48x48xf32>
    %add3A_883 = arith.addf %add3A_880, %concatenate3A_882 : vector<48x48xf32>
    %slice3A_884 = vector.extract_strided_slice %add3A_880 {offsets = [0, 0], sizes = [48, 47], strides = [1, 1]} : vector<48x48xf32> to vector<48x47xf32>
    %concatenate3A_885 = tpu.concatenate %broadcast_in_dim3A_2, %slice3A_884 in 1 : vector<48x1xf32>, vector<48x47xf32> -> vector<48x48xf32>
    %add3A_886 = arith.addf %add3A_883, %concatenate3A_885 : vector<48x48xf32>
    %swap3A_887 = arith.constant 0 : index
    %swap3A_888 = arith.constant 32 : index
    %swap3A_889 = arith.constant 0 : index
    %swap3A_890 = arith.constant 0 : index
    %swap3A_891 = vector.load %arg2[%swap3A_887, %swap3A_888, %swap3A_889, %swap3A_890] : memref<1x48x48x48xf32, #tpu.memory_space<vmem>>, vector<1x1x48x48xf32>
    %swap3A_892 = vector.shape_cast %swap3A_891 : vector<1x1x48x48xf32> to vector<48x48xf32>
    %swap3A_893 = vector.shape_cast %add3A_886 : vector<48x48xf32> to vector<1x1x48x48xf32>
    tpu.vector_store %arg2[%swap3A_887, %swap3A_888, %swap3A_889, %swap3A_890], %swap3A_893 {strides = array<i32>} : memref<1x48x48x48xf32, #tpu.memory_space<vmem>>, vector<1x1x48x48xf32>,
    %get3A_894 = arith.constant 0 : index
    %get3A_895 = arith.constant 34 : index
    %get3A_896 = arith.constant 0 : index
    %get3A_897 = arith.constant 0 : index
    %get3A_898 = vector.load %arg1[%get3A_894, %get3A_895, %get3A_896, %get3A_897] : memref<1x48x48x48xf32, #tpu.memory_space<vmem>>, vector<1x1x48x48xf32>
    %get3A_899 = vector.shape_cast %get3A_898 : vector<1x1x48x48xf32> to vector<48x48xf32>
    %add3A_900 = arith.addf %get3A_872, %get3A_845 : vector<48x48xf32>
    %add3A_901 = arith.addf %add3A_900, %get3A_899 : vector<48x48xf32>
    %slice3A_902 = vector.extract_strided_slice %add3A_901 {offsets = [1, 0], sizes = [47, 48], strides = [1, 1]} : vector<48x48xf32> to vector<47x48xf32>
    %concatenate3A_903 = tpu.concatenate %slice3A_902, %broadcast_in_dim3A_0 in 0 : vector<47x48xf32>, vector<1x48xf32> -> vector<48x48xf32>
    %add3A_904 = arith.addf %add3A_901, %concatenate3A_903 : vector<48x48xf32>
    %slice3A_905 = vector.extract_strided_slice %add3A_901 {offsets = [0, 0], sizes = [47, 48], strides = [1, 1]} : vector<48x48xf32> to vector<47x48xf32>
    %concatenate3A_906 = tpu.concatenate %broadcast_in_dim3A_0, %slice3A_905 in 0 : vector<1x48xf32>, vector<47x48xf32> -> vector<48x48xf32>
    %add3A_907 = arith.addf %add3A_904, %concatenate3A_906 : vector<48x48xf32>
    %slice3A_908 = vector.extract_strided_slice %add3A_907 {offsets = [0, 1], sizes = [48, 47], strides = [1, 1]} : vector<48x48xf32> to vector<48x47xf32>
    %concatenate3A_909 = tpu.concatenate %slice3A_908, %broadcast_in_dim3A_2 in 1 : vector<48x47xf32>, vector<48x1xf32> -> vector<48x48xf32>
    %add3A_910 = arith.addf %add3A_907, %concatenate3A_909 : vector<48x48xf32>
    %slice3A_911 = vector.extract_strided_slice %add3A_907 {offsets = [0, 0], sizes = [48, 47], strides = [1, 1]} : vector<48x48xf32> to vector<48x47xf32>
    %concatenate3A_912 = tpu.concatenate %broadcast_in_dim3A_2, %slice3A_911 in 1 : vector<48x1xf32>, vector<48x47xf32> -> vector<48x48xf32>
    %add3A_913 = arith.addf %add3A_910, %concatenate3A_912 : vector<48x48xf32>
    %swap3A_914 = arith.constant 0 : index
    %swap3A_915 = arith.constant 33 : index
    %swap3A_916 = arith.constant 0 : index
    %swap3A_917 = arith.constant 0 : index
    %swap3A_918 = vector.load %arg2[%swap3A_914, %swap3A_915, %swap3A_916, %swap3A_917] : memref<1x48x48x48xf32, #tpu.memory_space<vmem>>, vector<1x1x48x48xf32>
    %swap3A_919 = vector.shape_cast %swap3A_918 : vector<1x1x48x48xf32> to vector<48x48xf32>
    %swap3A_920 = vector.shape_cast %add3A_913 : vector<48x48xf32> to vector<1x1x48x48xf32>
    tpu.vector_store %arg2[%swap3A_914, %swap3A_915, %swap3A_916, %swap3A_917], %swap3A_920 {strides = array<i32>} : memref<1x48x48x48xf32, #tpu.memory_space<vmem>>, vector<1x1x48x48xf32>,
    %get3A_921 = arith.constant 0 : index
    %get3A_922 = arith.constant 35 : index
    %get3A_923 = arith.constant 0 : index
    %get3A_924 = arith.constant 0 : index
    %get3A_925 = vector.load %arg1[%get3A_921, %get3A_922, %get3A_923, %get3A_924] : memref<1x48x48x48xf32, #tpu.memory_space<vmem>>, vector<1x1x48x48xf32>
    %get3A_926 = vector.shape_cast %get3A_925 : vector<1x1x48x48xf32> to vector<48x48xf32>
    %add3A_927 = arith.addf %get3A_899, %get3A_872 : vector<48x48xf32>
    %add3A_928 = arith.addf %add3A_927, %get3A_926 : vector<48x48xf32>
    %slice3A_929 = vector.extract_strided_slice %add3A_928 {offsets = [1, 0], sizes = [47, 48], strides = [1, 1]} : vector<48x48xf32> to vector<47x48xf32>
    %concatenate3A_930 = tpu.concatenate %slice3A_929, %broadcast_in_dim3A_0 in 0 : vector<47x48xf32>, vector<1x48xf32> -> vector<48x48xf32>
    %add3A_931 = arith.addf %add3A_928, %concatenate3A_930 : vector<48x48xf32>
    %slice3A_932 = vector.extract_strided_slice %add3A_928 {offsets = [0, 0], sizes = [47, 48], strides = [1, 1]} : vector<48x48xf32> to vector<47x48xf32>
    %concatenate3A_933 = tpu.concatenate %broadcast_in_dim3A_0, %slice3A_932 in 0 : vector<1x48xf32>, vector<47x48xf32> -> vector<48x48xf32>
    %add3A_934 = arith.addf %add3A_931, %concatenate3A_933 : vector<48x48xf32>
    %slice3A_935 = vector.extract_strided_slice %add3A_934 {offsets = [0, 1], sizes = [48, 47], strides = [1, 1]} : vector<48x48xf32> to vector<48x47xf32>
    %concatenate3A_936 = tpu.concatenate %slice3A_935, %broadcast_in_dim3A_2 in 1 : vector<48x47xf32>, vector<48x1xf32> -> vector<48x48xf32>
    %add3A_937 = arith.addf %add3A_934, %concatenate3A_936 : vector<48x48xf32>
    %slice3A_938 = vector.extract_strided_slice %add3A_934 {offsets = [0, 0], sizes = [48, 47], strides = [1, 1]} : vector<48x48xf32> to vector<48x47xf32>
    %concatenate3A_939 = tpu.concatenate %broadcast_in_dim3A_2, %slice3A_938 in 1 : vector<48x1xf32>, vector<48x47xf32> -> vector<48x48xf32>
    %add3A_940 = arith.addf %add3A_937, %concatenate3A_939 : vector<48x48xf32>
    %swap3A_941 = arith.constant 0 : index
    %swap3A_942 = arith.constant 34 : index
    %swap3A_943 = arith.constant 0 : index
    %swap3A_944 = arith.constant 0 : index
    %swap3A_945 = vector.load %arg2[%swap3A_941, %swap3A_942, %swap3A_943, %swap3A_944] : memref<1x48x48x48xf32, #tpu.memory_space<vmem>>, vector<1x1x48x48xf32>
    %swap3A_946 = vector.shape_cast %swap3A_945 : vector<1x1x48x48xf32> to vector<48x48xf32>
    %swap3A_947 = vector.shape_cast %add3A_940 : vector<48x48xf32> to vector<1x1x48x48xf32>
    tpu.vector_store %arg2[%swap3A_941, %swap3A_942, %swap3A_943, %swap3A_944], %swap3A_947 {strides = array<i32>} : memref<1x48x48x48xf32, #tpu.memory_space<vmem>>, vector<1x1x48x48xf32>,
    %get3A_948 = arith.constant 0 : index
    %get3A_949 = arith.constant 36 : index
    %get3A_950 = arith.constant 0 : index
    %get3A_951 = arith.constant 0 : index
    %get3A_952 = vector.load %arg1[%get3A_948, %get3A_949, %get3A_950, %get3A_951] : memref<1x48x48x48xf32, #tpu.memory_space<vmem>>, vector<1x1x48x48xf32>
    %get3A_953 = vector.shape_cast %get3A_952 : vector<1x1x48x48xf32> to vector<48x48xf32>
    %add3A_954 = arith.addf %get3A_926, %get3A_899 : vector<48x48xf32>
    %add3A_955 = arith.addf %add3A_954, %get3A_953 : vector<48x48xf32>
    %slice3A_956 = vector.extract_strided_slice %add3A_955 {offsets = [1, 0], sizes = [47, 48], strides = [1, 1]} : vector<48x48xf32> to vector<47x48xf32>
    %concatenate3A_957 = tpu.concatenate %slice3A_956, %broadcast_in_dim3A_0 in 0 : vector<47x48xf32>, vector<1x48xf32> -> vector<48x48xf32>
    %add3A_958 = arith.addf %add3A_955, %concatenate3A_957 : vector<48x48xf32>
    %slice3A_959 = vector.extract_strided_slice %add3A_955 {offsets = [0, 0], sizes = [47, 48], strides = [1, 1]} : vector<48x48xf32> to vector<47x48xf32>
    %concatenate3A_960 = tpu.concatenate %broadcast_in_dim3A_0, %slice3A_959 in 0 : vector<1x48xf32>, vector<47x48xf32> -> vector<48x48xf32>
    %add3A_961 = arith.addf %add3A_958, %concatenate3A_960 : vector<48x48xf32>
    %slice3A_962 = vector.extract_strided_slice %add3A_961 {offsets = [0, 1], sizes = [48, 47], strides = [1, 1]} : vector<48x48xf32> to vector<48x47xf32>
    %concatenate3A_963 = tpu.concatenate %slice3A_962, %broadcast_in_dim3A_2 in 1 : vector<48x47xf32>, vector<48x1xf32> -> vector<48x48xf32>
    %add3A_964 = arith.addf %add3A_961, %concatenate3A_963 : vector<48x48xf32>
    %slice3A_965 = vector.extract_strided_slice %add3A_961 {offsets = [0, 0], sizes = [48, 47], strides = [1, 1]} : vector<48x48xf32> to vector<48x47xf32>
    %concatenate3A_966 = tpu.concatenate %broadcast_in_dim3A_2, %slice3A_965 in 1 : vector<48x1xf32>, vector<48x47xf32> -> vector<48x48xf32>
    %add3A_967 = arith.addf %add3A_964, %concatenate3A_966 : vector<48x48xf32>
    %swap3A_968 = arith.constant 0 : index
    %swap3A_969 = arith.constant 35 : index
    %swap3A_970 = arith.constant 0 : index
    %swap3A_971 = arith.constant 0 : index
    %swap3A_972 = vector.load %arg2[%swap3A_968, %swap3A_969, %swap3A_970, %swap3A_971] : memref<1x48x48x48xf32, #tpu.memory_space<vmem>>, vector<1x1x48x48xf32>
    %swap3A_973 = vector.shape_cast %swap3A_972 : vector<1x1x48x48xf32> to vector<48x48xf32>
    %swap3A_974 = vector.shape_cast %add3A_967 : vector<48x48xf32> to vector<1x1x48x48xf32>
    tpu.vector_store %arg2[%swap3A_968, %swap3A_969, %swap3A_970, %swap3A_971], %swap3A_974 {strides = array<i32>} : memref<1x48x48x48xf32, #tpu.memory_space<vmem>>, vector<1x1x48x48xf32>,
    %get3A_975 = arith.constant 0 : index
    %get3A_976 = arith.constant 37 : index
    %get3A_977 = arith.constant 0 : index
    %get3A_978 = arith.constant 0 : index
    %get3A_979 = vector.load %arg1[%get3A_975, %get3A_976, %get3A_977, %get3A_978] : memref<1x48x48x48xf32, #tpu.memory_space<vmem>>, vector<1x1x48x48xf32>
    %get3A_980 = vector.shape_cast %get3A_979 : vector<1x1x48x48xf32> to vector<48x48xf32>
    %add3A_981 = arith.addf %get3A_953, %get3A_926 : vector<48x48xf32>
    %add3A_982 = arith.addf %add3A_981, %get3A_980 : vector<48x48xf32>
    %slice3A_983 = vector.extract_strided_slice %add3A_982 {offsets = [1, 0], sizes = [47, 48], strides = [1, 1]} : vector<48x48xf32> to vector<47x48xf32>
    %concatenate3A_984 = tpu.concatenate %slice3A_983, %broadcast_in_dim3A_0 in 0 : vector<47x48xf32>, vector<1x48xf32> -> vector<48x48xf32>
    %add3A_985 = arith.addf %add3A_982, %concatenate3A_984 : vector<48x48xf32>
    %slice3A_986 = vector.extract_strided_slice %add3A_982 {offsets = [0, 0], sizes = [47, 48], strides = [1, 1]} : vector<48x48xf32> to vector<47x48xf32>
    %concatenate3A_987 = tpu.concatenate %broadcast_in_dim3A_0, %slice3A_986 in 0 : vector<1x48xf32>, vector<47x48xf32> -> vector<48x48xf32>
    %add3A_988 = arith.addf %add3A_985, %concatenate3A_987 : vector<48x48xf32>
    %slice3A_989 = vector.extract_strided_slice %add3A_988 {offsets = [0, 1], sizes = [48, 47], strides = [1, 1]} : vector<48x48xf32> to vector<48x47xf32>
    %concatenate3A_990 = tpu.concatenate %slice3A_989, %broadcast_in_dim3A_2 in 1 : vector<48x47xf32>, vector<48x1xf32> -> vector<48x48xf32>
    %add3A_991 = arith.addf %add3A_988, %concatenate3A_990 : vector<48x48xf32>
    %slice3A_992 = vector.extract_strided_slice %add3A_988 {offsets = [0, 0], sizes = [48, 47], strides = [1, 1]} : vector<48x48xf32> to vector<48x47xf32>
    %concatenate3A_993 = tpu.concatenate %broadcast_in_dim3A_2, %slice3A_992 in 1 : vector<48x1xf32>, vector<48x47xf32> -> vector<48x48xf32>
    %add3A_994 = arith.addf %add3A_991, %concatenate3A_993 : vector<48x48xf32>
    %swap3A_995 = arith.constant 0 : index
    %swap3A_996 = arith.constant 36 : index
    %swap3A_997 = arith.constant 0 : index
    %swap3A_998 = arith.constant 0 : index
    %swap3A_999 = vector.load %arg2[%swap3A_995, %swap3A_996, %swap3A_997, %swap3A_998] : memref<1x48x48x48xf32, #tpu.memory_space<vmem>>, vector<1x1x48x48xf32>
    %swap3A_1000 = vector.shape_cast %swap3A_999 : vector<1x1x48x48xf32> to vector<48x48xf32>
    %swap3A_1001 = vector.shape_cast %add3A_994 : vector<48x48xf32> to vector<1x1x48x48xf32>
    tpu.vector_store %arg2[%swap3A_995, %swap3A_996, %swap3A_997, %swap3A_998], %swap3A_1001 {strides = array<i32>} : memref<1x48x48x48xf32, #tpu.memory_space<vmem>>, vector<1x1x48x48xf32>,
    %get3A_1002 = arith.constant 0 : index
    %get3A_1003 = arith.constant 38 : index
    %get3A_1004 = arith.constant 0 : index
    %get3A_1005 = arith.constant 0 : index
    %get3A_1006 = vector.load %arg1[%get3A_1002, %get3A_1003, %get3A_1004, %get3A_1005] : memref<1x48x48x48xf32, #tpu.memory_space<vmem>>, vector<1x1x48x48xf32>
    %get3A_1007 = vector.shape_cast %get3A_1006 : vector<1x1x48x48xf32> to vector<48x48xf32>
    %add3A_1008 = arith.addf %get3A_980, %get3A_953 : vector<48x48xf32>
    %add3A_1009 = arith.addf %add3A_1008, %get3A_1007 : vector<48x48xf32>
    %slice3A_1010 = vector.extract_strided_slice %add3A_1009 {offsets = [1, 0], sizes = [47, 48], strides = [1, 1]} : vector<48x48xf32> to vector<47x48xf32>
    %concatenate3A_1011 = tpu.concatenate %slice3A_1010, %broadcast_in_dim3A_0 in 0 : vector<47x48xf32>, vector<1x48xf32> -> vector<48x48xf32>
    %add3A_1012 = arith.addf %add3A_1009, %concatenate3A_1011 : vector<48x48xf32>
    %slice3A_1013 = vector.extract_strided_slice %add3A_1009 {offsets = [0, 0], sizes = [47, 48], strides = [1, 1]} : vector<48x48xf32> to vector<47x48xf32>
    %concatenate3A_1014 = tpu.concatenate %broadcast_in_dim3A_0, %slice3A_1013 in 0 : vector<1x48xf32>, vector<47x48xf32> -> vector<48x48xf32>
    %add3A_1015 = arith.addf %add3A_1012, %concatenate3A_1014 : vector<48x48xf32>
    %slice3A_1016 = vector.extract_strided_slice %add3A_1015 {offsets = [0, 1], sizes = [48, 47], strides = [1, 1]} : vector<48x48xf32> to vector<48x47xf32>
    %concatenate3A_1017 = tpu.concatenate %slice3A_1016, %broadcast_in_dim3A_2 in 1 : vector<48x47xf32>, vector<48x1xf32> -> vector<48x48xf32>
    %add3A_1018 = arith.addf %add3A_1015, %concatenate3A_1017 : vector<48x48xf32>
    %slice3A_1019 = vector.extract_strided_slice %add3A_1015 {offsets = [0, 0], sizes = [48, 47], strides = [1, 1]} : vector<48x48xf32> to vector<48x47xf32>
    %concatenate3A_1020 = tpu.concatenate %broadcast_in_dim3A_2, %slice3A_1019 in 1 : vector<48x1xf32>, vector<48x47xf32> -> vector<48x48xf32>
    %add3A_1021 = arith.addf %add3A_1018, %concatenate3A_1020 : vector<48x48xf32>
    %swap3A_1022 = arith.constant 0 : index
    %swap3A_1023 = arith.constant 37 : index
    %swap3A_1024 = arith.constant 0 : index
    %swap3A_1025 = arith.constant 0 : index
    %swap3A_1026 = vector.load %arg2[%swap3A_1022, %swap3A_1023, %swap3A_1024, %swap3A_1025] : memref<1x48x48x48xf32, #tpu.memory_space<vmem>>, vector<1x1x48x48xf32>
    %swap3A_1027 = vector.shape_cast %swap3A_1026 : vector<1x1x48x48xf32> to vector<48x48xf32>
    %swap3A_1028 = vector.shape_cast %add3A_1021 : vector<48x48xf32> to vector<1x1x48x48xf32>
    tpu.vector_store %arg2[%swap3A_1022, %swap3A_1023, %swap3A_1024, %swap3A_1025], %swap3A_1028 {strides = array<i32>} : memref<1x48x48x48xf32, #tpu.memory_space<vmem>>, vector<1x1x48x48xf32>,
    %get3A_1029 = arith.constant 0 : index
    %get3A_1030 = arith.constant 39 : index
    %get3A_1031 = arith.constant 0 : index
    %get3A_1032 = arith.constant 0 : index
    %get3A_1033 = vector.load %arg1[%get3A_1029, %get3A_1030, %get3A_1031, %get3A_1032] : memref<1x48x48x48xf32, #tpu.memory_space<vmem>>, vector<1x1x48x48xf32>
    %get3A_1034 = vector.shape_cast %get3A_1033 : vector<1x1x48x48xf32> to vector<48x48xf32>
    %add3A_1035 = arith.addf %get3A_1007, %get3A_980 : vector<48x48xf32>
    %add3A_1036 = arith.addf %add3A_1035, %get3A_1034 : vector<48x48xf32>
    %slice3A_1037 = vector.extract_strided_slice %add3A_1036 {offsets = [1, 0], sizes = [47, 48], strides = [1, 1]} : vector<48x48xf32> to vector<47x48xf32>
    %concatenate3A_1038 = tpu.concatenate %slice3A_1037, %broadcast_in_dim3A_0 in 0 : vector<47x48xf32>, vector<1x48xf32> -> vector<48x48xf32>
    %add3A_1039 = arith.addf %add3A_1036, %concatenate3A_1038 : vector<48x48xf32>
    %slice3A_1040 = vector.extract_strided_slice %add3A_1036 {offsets = [0, 0], sizes = [47, 48], strides = [1, 1]} : vector<48x48xf32> to vector<47x48xf32>
    %concatenate3A_1041 = tpu.concatenate %broadcast_in_dim3A_0, %slice3A_1040 in 0 : vector<1x48xf32>, vector<47x48xf32> -> vector<48x48xf32>
    %add3A_1042 = arith.addf %add3A_1039, %concatenate3A_1041 : vector<48x48xf32>
    %slice3A_1043 = vector.extract_strided_slice %add3A_1042 {offsets = [0, 1], sizes = [48, 47], strides = [1, 1]} : vector<48x48xf32> to vector<48x47xf32>
    %concatenate3A_1044 = tpu.concatenate %slice3A_1043, %broadcast_in_dim3A_2 in 1 : vector<48x47xf32>, vector<48x1xf32> -> vector<48x48xf32>
    %add3A_1045 = arith.addf %add3A_1042, %concatenate3A_1044 : vector<48x48xf32>
    %slice3A_1046 = vector.extract_strided_slice %add3A_1042 {offsets = [0, 0], sizes = [48, 47], strides = [1, 1]} : vector<48x48xf32> to vector<48x47xf32>
    %concatenate3A_1047 = tpu.concatenate %broadcast_in_dim3A_2, %slice3A_1046 in 1 : vector<48x1xf32>, vector<48x47xf32> -> vector<48x48xf32>
    %add3A_1048 = arith.addf %add3A_1045, %concatenate3A_1047 : vector<48x48xf32>
    %swap3A_1049 = arith.constant 0 : index
    %swap3A_1050 = arith.constant 38 : index
    %swap3A_1051 = arith.constant 0 : index
    %swap3A_1052 = arith.constant 0 : index
    %swap3A_1053 = vector.load %arg2[%swap3A_1049, %swap3A_1050, %swap3A_1051, %swap3A_1052] : memref<1x48x48x48xf32, #tpu.memory_space<vmem>>, vector<1x1x48x48xf32>
    %swap3A_1054 = vector.shape_cast %swap3A_1053 : vector<1x1x48x48xf32> to vector<48x48xf32>
    %swap3A_1055 = vector.shape_cast %add3A_1048 : vector<48x48xf32> to vector<1x1x48x48xf32>
    tpu.vector_store %arg2[%swap3A_1049, %swap3A_1050, %swap3A_1051, %swap3A_1052], %swap3A_1055 {strides = array<i32>} : memref<1x48x48x48xf32, #tpu.memory_space<vmem>>, vector<1x1x48x48xf32>,
    %get3A_1056 = arith.constant 0 : index
    %get3A_1057 = arith.constant 40 : index
    %get3A_1058 = arith.constant 0 : index
    %get3A_1059 = arith.constant 0 : index
    %get3A_1060 = vector.load %arg1[%get3A_1056, %get3A_1057, %get3A_1058, %get3A_1059] : memref<1x48x48x48xf32, #tpu.memory_space<vmem>>, vector<1x1x48x48xf32>
    %get3A_1061 = vector.shape_cast %get3A_1060 : vector<1x1x48x48xf32> to vector<48x48xf32>
    %add3A_1062 = arith.addf %get3A_1034, %get3A_1007 : vector<48x48xf32>
    %add3A_1063 = arith.addf %add3A_1062, %get3A_1061 : vector<48x48xf32>
    %slice3A_1064 = vector.extract_strided_slice %add3A_1063 {offsets = [1, 0], sizes = [47, 48], strides = [1, 1]} : vector<48x48xf32> to vector<47x48xf32>
    %concatenate3A_1065 = tpu.concatenate %slice3A_1064, %broadcast_in_dim3A_0 in 0 : vector<47x48xf32>, vector<1x48xf32> -> vector<48x48xf32>
    %add3A_1066 = arith.addf %add3A_1063, %concatenate3A_1065 : vector<48x48xf32>
    %slice3A_1067 = vector.extract_strided_slice %add3A_1063 {offsets = [0, 0], sizes = [47, 48], strides = [1, 1]} : vector<48x48xf32> to vector<47x48xf32>
    %concatenate3A_1068 = tpu.concatenate %broadcast_in_dim3A_0, %slice3A_1067 in 0 : vector<1x48xf32>, vector<47x48xf32> -> vector<48x48xf32>
    %add3A_1069 = arith.addf %add3A_1066, %concatenate3A_1068 : vector<48x48xf32>
    %slice3A_1070 = vector.extract_strided_slice %add3A_1069 {offsets = [0, 1], sizes = [48, 47], strides = [1, 1]} : vector<48x48xf32> to vector<48x47xf32>
    %concatenate3A_1071 = tpu.concatenate %slice3A_1070, %broadcast_in_dim3A_2 in 1 : vector<48x47xf32>, vector<48x1xf32> -> vector<48x48xf32>
    %add3A_1072 = arith.addf %add3A_1069, %concatenate3A_1071 : vector<48x48xf32>
    %slice3A_1073 = vector.extract_strided_slice %add3A_1069 {offsets = [0, 0], sizes = [48, 47], strides = [1, 1]} : vector<48x48xf32> to vector<48x47xf32>
    %concatenate3A_1074 = tpu.concatenate %broadcast_in_dim3A_2, %slice3A_1073 in 1 : vector<48x1xf32>, vector<48x47xf32> -> vector<48x48xf32>
    %add3A_1075 = arith.addf %add3A_1072, %concatenate3A_1074 : vector<48x48xf32>
    %swap3A_1076 = arith.constant 0 : index
    %swap3A_1077 = arith.constant 39 : index
    %swap3A_1078 = arith.constant 0 : index
    %swap3A_1079 = arith.constant 0 : index
    %swap3A_1080 = vector.load %arg2[%swap3A_1076, %swap3A_1077, %swap3A_1078, %swap3A_1079] : memref<1x48x48x48xf32, #tpu.memory_space<vmem>>, vector<1x1x48x48xf32>
    %swap3A_1081 = vector.shape_cast %swap3A_1080 : vector<1x1x48x48xf32> to vector<48x48xf32>
    %swap3A_1082 = vector.shape_cast %add3A_1075 : vector<48x48xf32> to vector<1x1x48x48xf32>
    tpu.vector_store %arg2[%swap3A_1076, %swap3A_1077, %swap3A_1078, %swap3A_1079], %swap3A_1082 {strides = array<i32>} : memref<1x48x48x48xf32, #tpu.memory_space<vmem>>, vector<1x1x48x48xf32>,
    %get3A_1083 = arith.constant 0 : index
    %get3A_1084 = arith.constant 41 : index
    %get3A_1085 = arith.constant 0 : index
    %get3A_1086 = arith.constant 0 : index
    %get3A_1087 = vector.load %arg1[%get3A_1083, %get3A_1084, %get3A_1085, %get3A_1086] : memref<1x48x48x48xf32, #tpu.memory_space<vmem>>, vector<1x1x48x48xf32>
    %get3A_1088 = vector.shape_cast %get3A_1087 : vector<1x1x48x48xf32> to vector<48x48xf32>
    %add3A_1089 = arith.addf %get3A_1061, %get3A_1034 : vector<48x48xf32>
    %add3A_1090 = arith.addf %add3A_1089, %get3A_1088 : vector<48x48xf32>
    %slice3A_1091 = vector.extract_strided_slice %add3A_1090 {offsets = [1, 0], sizes = [47, 48], strides = [1, 1]} : vector<48x48xf32> to vector<47x48xf32>
    %concatenate3A_1092 = tpu.concatenate %slice3A_1091, %broadcast_in_dim3A_0 in 0 : vector<47x48xf32>, vector<1x48xf32> -> vector<48x48xf32>
    %add3A_1093 = arith.addf %add3A_1090, %concatenate3A_1092 : vector<48x48xf32>
    %slice3A_1094 = vector.extract_strided_slice %add3A_1090 {offsets = [0, 0], sizes = [47, 48], strides = [1, 1]} : vector<48x48xf32> to vector<47x48xf32>
    %concatenate3A_1095 = tpu.concatenate %broadcast_in_dim3A_0, %slice3A_1094 in 0 : vector<1x48xf32>, vector<47x48xf32> -> vector<48x48xf32>
    %add3A_1096 = arith.addf %add3A_1093, %concatenate3A_1095 : vector<48x48xf32>
    %slice3A_1097 = vector.extract_strided_slice %add3A_1096 {offsets = [0, 1], sizes = [48, 47], strides = [1, 1]} : vector<48x48xf32> to vector<48x47xf32>
    %concatenate3A_1098 = tpu.concatenate %slice3A_1097, %broadcast_in_dim3A_2 in 1 : vector<48x47xf32>, vector<48x1xf32> -> vector<48x48xf32>
    %add3A_1099 = arith.addf %add3A_1096, %concatenate3A_1098 : vector<48x48xf32>
    %slice3A_1100 = vector.extract_strided_slice %add3A_1096 {offsets = [0, 0], sizes = [48, 47], strides = [1, 1]} : vector<48x48xf32> to vector<48x47xf32>
    %concatenate3A_1101 = tpu.concatenate %broadcast_in_dim3A_2, %slice3A_1100 in 1 : vector<48x1xf32>, vector<48x47xf32> -> vector<48x48xf32>
    %add3A_1102 = arith.addf %add3A_1099, %concatenate3A_1101 : vector<48x48xf32>
    %swap3A_1103 = arith.constant 0 : index
    %swap3A_1104 = arith.constant 40 : index
    %swap3A_1105 = arith.constant 0 : index
    %swap3A_1106 = arith.constant 0 : index
    %swap3A_1107 = vector.load %arg2[%swap3A_1103, %swap3A_1104, %swap3A_1105, %swap3A_1106] : memref<1x48x48x48xf32, #tpu.memory_space<vmem>>, vector<1x1x48x48xf32>
    %swap3A_1108 = vector.shape_cast %swap3A_1107 : vector<1x1x48x48xf32> to vector<48x48xf32>
    %swap3A_1109 = vector.shape_cast %add3A_1102 : vector<48x48xf32> to vector<1x1x48x48xf32>
    tpu.vector_store %arg2[%swap3A_1103, %swap3A_1104, %swap3A_1105, %swap3A_1106], %swap3A_1109 {strides = array<i32>} : memref<1x48x48x48xf32, #tpu.memory_space<vmem>>, vector<1x1x48x48xf32>,
    %get3A_1110 = arith.constant 0 : index
    %get3A_1111 = arith.constant 42 : index
    %get3A_1112 = arith.constant 0 : index
    %get3A_1113 = arith.constant 0 : index
    %get3A_1114 = vector.load %arg1[%get3A_1110, %get3A_1111, %get3A_1112, %get3A_1113] : memref<1x48x48x48xf32, #tpu.memory_space<vmem>>, vector<1x1x48x48xf32>
    %get3A_1115 = vector.shape_cast %get3A_1114 : vector<1x1x48x48xf32> to vector<48x48xf32>
    %add3A_1116 = arith.addf %get3A_1088, %get3A_1061 : vector<48x48xf32>
    %add3A_1117 = arith.addf %add3A_1116, %get3A_1115 : vector<48x48xf32>
    %slice3A_1118 = vector.extract_strided_slice %add3A_1117 {offsets = [1, 0], sizes = [47, 48], strides = [1, 1]} : vector<48x48xf32> to vector<47x48xf32>
    %concatenate3A_1119 = tpu.concatenate %slice3A_1118, %broadcast_in_dim3A_0 in 0 : vector<47x48xf32>, vector<1x48xf32> -> vector<48x48xf32>
    %add3A_1120 = arith.addf %add3A_1117, %concatenate3A_1119 : vector<48x48xf32>
    %slice3A_1121 = vector.extract_strided_slice %add3A_1117 {offsets = [0, 0], sizes = [47, 48], strides = [1, 1]} : vector<48x48xf32> to vector<47x48xf32>
    %concatenate3A_1122 = tpu.concatenate %broadcast_in_dim3A_0, %slice3A_1121 in 0 : vector<1x48xf32>, vector<47x48xf32> -> vector<48x48xf32>
    %add3A_1123 = arith.addf %add3A_1120, %concatenate3A_1122 : vector<48x48xf32>
    %slice3A_1124 = vector.extract_strided_slice %add3A_1123 {offsets = [0, 1], sizes = [48, 47], strides = [1, 1]} : vector<48x48xf32> to vector<48x47xf32>
    %concatenate3A_1125 = tpu.concatenate %slice3A_1124, %broadcast_in_dim3A_2 in 1 : vector<48x47xf32>, vector<48x1xf32> -> vector<48x48xf32>
    %add3A_1126 = arith.addf %add3A_1123, %concatenate3A_1125 : vector<48x48xf32>
    %slice3A_1127 = vector.extract_strided_slice %add3A_1123 {offsets = [0, 0], sizes = [48, 47], strides = [1, 1]} : vector<48x48xf32> to vector<48x47xf32>
    %concatenate3A_1128 = tpu.concatenate %broadcast_in_dim3A_2, %slice3A_1127 in 1 : vector<48x1xf32>, vector<48x47xf32> -> vector<48x48xf32>
    %add3A_1129 = arith.addf %add3A_1126, %concatenate3A_1128 : vector<48x48xf32>
    %swap3A_1130 = arith.constant 0 : index
    %swap3A_1131 = arith.constant 41 : index
    %swap3A_1132 = arith.constant 0 : index
    %swap3A_1133 = arith.constant 0 : index
    %swap3A_1134 = vector.load %arg2[%swap3A_1130, %swap3A_1131, %swap3A_1132, %swap3A_1133] : memref<1x48x48x48xf32, #tpu.memory_space<vmem>>, vector<1x1x48x48xf32>
    %swap3A_1135 = vector.shape_cast %swap3A_1134 : vector<1x1x48x48xf32> to vector<48x48xf32>
    %swap3A_1136 = vector.shape_cast %add3A_1129 : vector<48x48xf32> to vector<1x1x48x48xf32>
    tpu.vector_store %arg2[%swap3A_1130, %swap3A_1131, %swap3A_1132, %swap3A_1133], %swap3A_1136 {strides = array<i32>} : memref<1x48x48x48xf32, #tpu.memory_space<vmem>>, vector<1x1x48x48xf32>,
    %get3A_1137 = arith.constant 0 : index
    %get3A_1138 = arith.constant 43 : index
    %get3A_1139 = arith.constant 0 : index
    %get3A_1140 = arith.constant 0 : index
    %get3A_1141 = vector.load %arg1[%get3A_1137, %get3A_1138, %get3A_1139, %get3A_1140] : memref<1x48x48x48xf32, #tpu.memory_space<vmem>>, vector<1x1x48x48xf32>
    %get3A_1142 = vector.shape_cast %get3A_1141 : vector<1x1x48x48xf32> to vector<48x48xf32>
    %add3A_1143 = arith.addf %get3A_1115, %get3A_1088 : vector<48x48xf32>
    %add3A_1144 = arith.addf %add3A_1143, %get3A_1142 : vector<48x48xf32>
    %slice3A_1145 = vector.extract_strided_slice %add3A_1144 {offsets = [1, 0], sizes = [47, 48], strides = [1, 1]} : vector<48x48xf32> to vector<47x48xf32>
    %concatenate3A_1146 = tpu.concatenate %slice3A_1145, %broadcast_in_dim3A_0 in 0 : vector<47x48xf32>, vector<1x48xf32> -> vector<48x48xf32>
    %add3A_1147 = arith.addf %add3A_1144, %concatenate3A_1146 : vector<48x48xf32>
    %slice3A_1148 = vector.extract_strided_slice %add3A_1144 {offsets = [0, 0], sizes = [47, 48], strides = [1, 1]} : vector<48x48xf32> to vector<47x48xf32>
    %concatenate3A_1149 = tpu.concatenate %broadcast_in_dim3A_0, %slice3A_1148 in 0 : vector<1x48xf32>, vector<47x48xf32> -> vector<48x48xf32>
    %add3A_1150 = arith.addf %add3A_1147, %concatenate3A_1149 : vector<48x48xf32>
    %slice3A_1151 = vector.extract_strided_slice %add3A_1150 {offsets = [0, 1], sizes = [48, 47], strides = [1, 1]} : vector<48x48xf32> to vector<48x47xf32>
    %concatenate3A_1152 = tpu.concatenate %slice3A_1151, %broadcast_in_dim3A_2 in 1 : vector<48x47xf32>, vector<48x1xf32> -> vector<48x48xf32>
    %add3A_1153 = arith.addf %add3A_1150, %concatenate3A_1152 : vector<48x48xf32>
    %slice3A_1154 = vector.extract_strided_slice %add3A_1150 {offsets = [0, 0], sizes = [48, 47], strides = [1, 1]} : vector<48x48xf32> to vector<48x47xf32>
    %concatenate3A_1155 = tpu.concatenate %broadcast_in_dim3A_2, %slice3A_1154 in 1 : vector<48x1xf32>, vector<48x47xf32> -> vector<48x48xf32>
    %add3A_1156 = arith.addf %add3A_1153, %concatenate3A_1155 : vector<48x48xf32>
    %swap3A_1157 = arith.constant 0 : index
    %swap3A_1158 = arith.constant 42 : index
    %swap3A_1159 = arith.constant 0 : index
    %swap3A_1160 = arith.constant 0 : index
    %swap3A_1161 = vector.load %arg2[%swap3A_1157, %swap3A_1158, %swap3A_1159, %swap3A_1160] : memref<1x48x48x48xf32, #tpu.memory_space<vmem>>, vector<1x1x48x48xf32>
    %swap3A_1162 = vector.shape_cast %swap3A_1161 : vector<1x1x48x48xf32> to vector<48x48xf32>
    %swap3A_1163 = vector.shape_cast %add3A_1156 : vector<48x48xf32> to vector<1x1x48x48xf32>
    tpu.vector_store %arg2[%swap3A_1157, %swap3A_1158, %swap3A_1159, %swap3A_1160], %swap3A_1163 {strides = array<i32>} : memref<1x48x48x48xf32, #tpu.memory_space<vmem>>, vector<1x1x48x48xf32>,
    %get3A_1164 = arith.constant 0 : index
    %get3A_1165 = arith.constant 44 : index
    %get3A_1166 = arith.constant 0 : index
    %get3A_1167 = arith.constant 0 : index
    %get3A_1168 = vector.load %arg1[%get3A_1164, %get3A_1165, %get3A_1166, %get3A_1167] : memref<1x48x48x48xf32, #tpu.memory_space<vmem>>, vector<1x1x48x48xf32>
    %get3A_1169 = vector.shape_cast %get3A_1168 : vector<1x1x48x48xf32> to vector<48x48xf32>
    %add3A_1170 = arith.addf %get3A_1142, %get3A_1115 : vector<48x48xf32>
    %add3A_1171 = arith.addf %add3A_1170, %get3A_1169 : vector<48x48xf32>
    %slice3A_1172 = vector.extract_strided_slice %add3A_1171 {offsets = [1, 0], sizes = [47, 48], strides = [1, 1]} : vector<48x48xf32> to vector<47x48xf32>
    %concatenate3A_1173 = tpu.concatenate %slice3A_1172, %broadcast_in_dim3A_0 in 0 : vector<47x48xf32>, vector<1x48xf32> -> vector<48x48xf32>
    %add3A_1174 = arith.addf %add3A_1171, %concatenate3A_1173 : vector<48x48xf32>
    %slice3A_1175 = vector.extract_strided_slice %add3A_1171 {offsets = [0, 0], sizes = [47, 48], strides = [1, 1]} : vector<48x48xf32> to vector<47x48xf32>
    %concatenate3A_1176 = tpu.concatenate %broadcast_in_dim3A_0, %slice3A_1175 in 0 : vector<1x48xf32>, vector<47x48xf32> -> vector<48x48xf32>
    %add3A_1177 = arith.addf %add3A_1174, %concatenate3A_1176 : vector<48x48xf32>
    %slice3A_1178 = vector.extract_strided_slice %add3A_1177 {offsets = [0, 1], sizes = [48, 47], strides = [1, 1]} : vector<48x48xf32> to vector<48x47xf32>
    %concatenate3A_1179 = tpu.concatenate %slice3A_1178, %broadcast_in_dim3A_2 in 1 : vector<48x47xf32>, vector<48x1xf32> -> vector<48x48xf32>
    %add3A_1180 = arith.addf %add3A_1177, %concatenate3A_1179 : vector<48x48xf32>
    %slice3A_1181 = vector.extract_strided_slice %add3A_1177 {offsets = [0, 0], sizes = [48, 47], strides = [1, 1]} : vector<48x48xf32> to vector<48x47xf32>
    %concatenate3A_1182 = tpu.concatenate %broadcast_in_dim3A_2, %slice3A_1181 in 1 : vector<48x1xf32>, vector<48x47xf32> -> vector<48x48xf32>
    %add3A_1183 = arith.addf %add3A_1180, %concatenate3A_1182 : vector<48x48xf32>
    %swap3A_1184 = arith.constant 0 : index
    %swap3A_1185 = arith.constant 43 : index
    %swap3A_1186 = arith.constant 0 : index
    %swap3A_1187 = arith.constant 0 : index
    %swap3A_1188 = vector.load %arg2[%swap3A_1184, %swap3A_1185, %swap3A_1186, %swap3A_1187] : memref<1x48x48x48xf32, #tpu.memory_space<vmem>>, vector<1x1x48x48xf32>
    %swap3A_1189 = vector.shape_cast %swap3A_1188 : vector<1x1x48x48xf32> to vector<48x48xf32>
    %swap3A_1190 = vector.shape_cast %add3A_1183 : vector<48x48xf32> to vector<1x1x48x48xf32>
    tpu.vector_store %arg2[%swap3A_1184, %swap3A_1185, %swap3A_1186, %swap3A_1187], %swap3A_1190 {strides = array<i32>} : memref<1x48x48x48xf32, #tpu.memory_space<vmem>>, vector<1x1x48x48xf32>,
    %get3A_1191 = arith.constant 0 : index
    %get3A_1192 = arith.constant 45 : index
    %get3A_1193 = arith.constant 0 : index
    %get3A_1194 = arith.constant 0 : index
    %get3A_1195 = vector.load %arg1[%get3A_1191, %get3A_1192, %get3A_1193, %get3A_1194] : memref<1x48x48x48xf32, #tpu.memory_space<vmem>>, vector<1x1x48x48xf32>
    %get3A_1196 = vector.shape_cast %get3A_1195 : vector<1x1x48x48xf32> to vector<48x48xf32>
    %add3A_1197 = arith.addf %get3A_1169, %get3A_1142 : vector<48x48xf32>
    %add3A_1198 = arith.addf %add3A_1197, %get3A_1196 : vector<48x48xf32>
    %slice3A_1199 = vector.extract_strided_slice %add3A_1198 {offsets = [1, 0], sizes = [47, 48], strides = [1, 1]} : vector<48x48xf32> to vector<47x48xf32>
    %concatenate3A_1200 = tpu.concatenate %slice3A_1199, %broadcast_in_dim3A_0 in 0 : vector<47x48xf32>, vector<1x48xf32> -> vector<48x48xf32>
    %add3A_1201 = arith.addf %add3A_1198, %concatenate3A_1200 : vector<48x48xf32>
    %slice3A_1202 = vector.extract_strided_slice %add3A_1198 {offsets = [0, 0], sizes = [47, 48], strides = [1, 1]} : vector<48x48xf32> to vector<47x48xf32>
    %concatenate3A_1203 = tpu.concatenate %broadcast_in_dim3A_0, %slice3A_1202 in 0 : vector<1x48xf32>, vector<47x48xf32> -> vector<48x48xf32>
    %add3A_1204 = arith.addf %add3A_1201, %concatenate3A_1203 : vector<48x48xf32>
    %slice3A_1205 = vector.extract_strided_slice %add3A_1204 {offsets = [0, 1], sizes = [48, 47], strides = [1, 1]} : vector<48x48xf32> to vector<48x47xf32>
    %concatenate3A_1206 = tpu.concatenate %slice3A_1205, %broadcast_in_dim3A_2 in 1 : vector<48x47xf32>, vector<48x1xf32> -> vector<48x48xf32>
    %add3A_1207 = arith.addf %add3A_1204, %concatenate3A_1206 : vector<48x48xf32>
    %slice3A_1208 = vector.extract_strided_slice %add3A_1204 {offsets = [0, 0], sizes = [48, 47], strides = [1, 1]} : vector<48x48xf32> to vector<48x47xf32>
    %concatenate3A_1209 = tpu.concatenate %broadcast_in_dim3A_2, %slice3A_1208 in 1 : vector<48x1xf32>, vector<48x47xf32> -> vector<48x48xf32>
    %add3A_1210 = arith.addf %add3A_1207, %concatenate3A_1209 : vector<48x48xf32>
    %swap3A_1211 = arith.constant 0 : index
    %swap3A_1212 = arith.constant 44 : index
    %swap3A_1213 = arith.constant 0 : index
    %swap3A_1214 = arith.constant 0 : index
    %swap3A_1215 = vector.load %arg2[%swap3A_1211, %swap3A_1212, %swap3A_1213, %swap3A_1214] : memref<1x48x48x48xf32, #tpu.memory_space<vmem>>, vector<1x1x48x48xf32>
    %swap3A_1216 = vector.shape_cast %swap3A_1215 : vector<1x1x48x48xf32> to vector<48x48xf32>
    %swap3A_1217 = vector.shape_cast %add3A_1210 : vector<48x48xf32> to vector<1x1x48x48xf32>
    tpu.vector_store %arg2[%swap3A_1211, %swap3A_1212, %swap3A_1213, %swap3A_1214], %swap3A_1217 {strides = array<i32>} : memref<1x48x48x48xf32, #tpu.memory_space<vmem>>, vector<1x1x48x48xf32>,
    %get3A_1218 = arith.constant 0 : index
    %get3A_1219 = arith.constant 46 : index
    %get3A_1220 = arith.constant 0 : index
    %get3A_1221 = arith.constant 0 : index
    %get3A_1222 = vector.load %arg1[%get3A_1218, %get3A_1219, %get3A_1220, %get3A_1221] : memref<1x48x48x48xf32, #tpu.memory_space<vmem>>, vector<1x1x48x48xf32>
    %get3A_1223 = vector.shape_cast %get3A_1222 : vector<1x1x48x48xf32> to vector<48x48xf32>
    %add3A_1224 = arith.addf %get3A_1196, %get3A_1169 : vector<48x48xf32>
    %add3A_1225 = arith.addf %add3A_1224, %get3A_1223 : vector<48x48xf32>
    %slice3A_1226 = vector.extract_strided_slice %add3A_1225 {offsets = [1, 0], sizes = [47, 48], strides = [1, 1]} : vector<48x48xf32> to vector<47x48xf32>
    %concatenate3A_1227 = tpu.concatenate %slice3A_1226, %broadcast_in_dim3A_0 in 0 : vector<47x48xf32>, vector<1x48xf32> -> vector<48x48xf32>
    %add3A_1228 = arith.addf %add3A_1225, %concatenate3A_1227 : vector<48x48xf32>
    %slice3A_1229 = vector.extract_strided_slice %add3A_1225 {offsets = [0, 0], sizes = [47, 48], strides = [1, 1]} : vector<48x48xf32> to vector<47x48xf32>
    %concatenate3A_1230 = tpu.concatenate %broadcast_in_dim3A_0, %slice3A_1229 in 0 : vector<1x48xf32>, vector<47x48xf32> -> vector<48x48xf32>
    %add3A_1231 = arith.addf %add3A_1228, %concatenate3A_1230 : vector<48x48xf32>
    %slice3A_1232 = vector.extract_strided_slice %add3A_1231 {offsets = [0, 1], sizes = [48, 47], strides = [1, 1]} : vector<48x48xf32> to vector<48x47xf32>
    %concatenate3A_1233 = tpu.concatenate %slice3A_1232, %broadcast_in_dim3A_2 in 1 : vector<48x47xf32>, vector<48x1xf32> -> vector<48x48xf32>
    %add3A_1234 = arith.addf %add3A_1231, %concatenate3A_1233 : vector<48x48xf32>
    %slice3A_1235 = vector.extract_strided_slice %add3A_1231 {offsets = [0, 0], sizes = [48, 47], strides = [1, 1]} : vector<48x48xf32> to vector<48x47xf32>
    %concatenate3A_1236 = tpu.concatenate %broadcast_in_dim3A_2, %slice3A_1235 in 1 : vector<48x1xf32>, vector<48x47xf32> -> vector<48x48xf32>
    %add3A_1237 = arith.addf %add3A_1234, %concatenate3A_1236 : vector<48x48xf32>
    %swap3A_1238 = arith.constant 0 : index
    %swap3A_1239 = arith.constant 45 : index
    %swap3A_1240 = arith.constant 0 : index
    %swap3A_1241 = arith.constant 0 : index
    %swap3A_1242 = vector.load %arg2[%swap3A_1238, %swap3A_1239, %swap3A_1240, %swap3A_1241] : memref<1x48x48x48xf32, #tpu.memory_space<vmem>>, vector<1x1x48x48xf32>
    %swap3A_1243 = vector.shape_cast %swap3A_1242 : vector<1x1x48x48xf32> to vector<48x48xf32>
    %swap3A_1244 = vector.shape_cast %add3A_1237 : vector<48x48xf32> to vector<1x1x48x48xf32>
    tpu.vector_store %arg2[%swap3A_1238, %swap3A_1239, %swap3A_1240, %swap3A_1241], %swap3A_1244 {strides = array<i32>} : memref<1x48x48x48xf32, #tpu.memory_space<vmem>>, vector<1x1x48x48xf32>,
    %get3A_1245 = arith.constant 0 : index
    %get3A_1246 = arith.constant 47 : index
    %get3A_1247 = arith.constant 0 : index
    %get3A_1248 = arith.constant 0 : index
    %get3A_1249 = vector.load %arg1[%get3A_1245, %get3A_1246, %get3A_1247, %get3A_1248] : memref<1x48x48x48xf32, #tpu.memory_space<vmem>>, vector<1x1x48x48xf32>
    %get3A_1250 = vector.shape_cast %get3A_1249 : vector<1x1x48x48xf32> to vector<48x48xf32>
    %add3A_1251 = arith.addf %get3A_1223, %get3A_1196 : vector<48x48xf32>
    %add3A_1252 = arith.addf %add3A_1251, %get3A_1250 : vector<48x48xf32>
    %slice3A_1253 = vector.extract_strided_slice %add3A_1252 {offsets = [1, 0], sizes = [47, 48], strides = [1, 1]} : vector<48x48xf32> to vector<47x48xf32>
    %concatenate3A_1254 = tpu.concatenate %slice3A_1253, %broadcast_in_dim3A_0 in 0 : vector<47x48xf32>, vector<1x48xf32> -> vector<48x48xf32>
    %add3A_1255 = arith.addf %add3A_1252, %concatenate3A_1254 : vector<48x48xf32>
    %slice3A_1256 = vector.extract_strided_slice %add3A_1252 {offsets = [0, 0], sizes = [47, 48], strides = [1, 1]} : vector<48x48xf32> to vector<47x48xf32>
    %concatenate3A_1257 = tpu.concatenate %broadcast_in_dim3A_0, %slice3A_1256 in 0 : vector<1x48xf32>, vector<47x48xf32> -> vector<48x48xf32>
    %add3A_1258 = arith.addf %add3A_1255, %concatenate3A_1257 : vector<48x48xf32>
    %slice3A_1259 = vector.extract_strided_slice %add3A_1258 {offsets = [0, 1], sizes = [48, 47], strides = [1, 1]} : vector<48x48xf32> to vector<48x47xf32>
    %concatenate3A_1260 = tpu.concatenate %slice3A_1259, %broadcast_in_dim3A_2 in 1 : vector<48x47xf32>, vector<48x1xf32> -> vector<48x48xf32>
    %add3A_1261 = arith.addf %add3A_1258, %concatenate3A_1260 : vector<48x48xf32>
    %slice3A_1262 = vector.extract_strided_slice %add3A_1258 {offsets = [0, 0], sizes = [48, 47], strides = [1, 1]} : vector<48x48xf32> to vector<48x47xf32>
    %concatenate3A_1263 = tpu.concatenate %broadcast_in_dim3A_2, %slice3A_1262 in 1 : vector<48x1xf32>, vector<48x47xf32> -> vector<48x48xf32>
    %add3A_1264 = arith.addf %add3A_1261, %concatenate3A_1263 : vector<48x48xf32>
    %swap3A_1265 = arith.constant 0 : index
    %swap3A_1266 = arith.constant 46 : index
    %swap3A_1267 = arith.constant 0 : index
    %swap3A_1268 = arith.constant 0 : index
    %swap3A_1269 = vector.load %arg2[%swap3A_1265, %swap3A_1266, %swap3A_1267, %swap3A_1268] : memref<1x48x48x48xf32, #tpu.memory_space<vmem>>, vector<1x1x48x48xf32>
    %swap3A_1270 = vector.shape_cast %swap3A_1269 : vector<1x1x48x48xf32> to vector<48x48xf32>
    %swap3A_1271 = vector.shape_cast %add3A_1264 : vector<48x48xf32> to vector<1x1x48x48xf32>
    tpu.vector_store %arg2[%swap3A_1265, %swap3A_1266, %swap3A_1267, %swap3A_1268], %swap3A_1271 {strides = array<i32>} : memref<1x48x48x48xf32, #tpu.memory_space<vmem>>, vector<1x1x48x48xf32>,
    %add3A_1272 = arith.addf %get3A_1250, %get3A_1223 : vector<48x48xf32>
    %slice3A_1273 = vector.extract_strided_slice %add3A_1272 {offsets = [1, 0], sizes = [47, 48], strides = [1, 1]} : vector<48x48xf32> to vector<47x48xf32>
    %concatenate3A_1274 = tpu.concatenate %slice3A_1273, %broadcast_in_dim3A_0 in 0 : vector<47x48xf32>, vector<1x48xf32> -> vector<48x48xf32>
    %add3A_1275 = arith.addf %add3A_1272, %concatenate3A_1274 : vector<48x48xf32>
    %slice3A_1276 = vector.extract_strided_slice %add3A_1272 {offsets = [0, 0], sizes = [47, 48], strides = [1, 1]} : vector<48x48xf32> to vector<47x48xf32>
    %concatenate3A_1277 = tpu.concatenate %broadcast_in_dim3A_0, %slice3A_1276 in 0 : vector<1x48xf32>, vector<47x48xf32> -> vector<48x48xf32>
    %add3A_1278 = arith.addf %add3A_1275, %concatenate3A_1277 : vector<48x48xf32>
    %slice3A_1279 = vector.extract_strided_slice %add3A_1278 {offsets = [0, 1], sizes = [48, 47], strides = [1, 1]} : vector<48x48xf32> to vector<48x47xf32>
    %concatenate3A_1280 = tpu.concatenate %slice3A_1279, %broadcast_in_dim3A_2 in 1 : vector<48x47xf32>, vector<48x1xf32> -> vector<48x48xf32>
    %add3A_1281 = arith.addf %add3A_1278, %concatenate3A_1280 : vector<48x48xf32>
    %slice3A_1282 = vector.extract_strided_slice %add3A_1278 {offsets = [0, 0], sizes = [48, 47], strides = [1, 1]} : vector<48x48xf32> to vector<48x47xf32>
    %concatenate3A_1283 = tpu.concatenate %broadcast_in_dim3A_2, %slice3A_1282 in 1 : vector<48x1xf32>, vector<48x47xf32> -> vector<48x48xf32>
    %add3A_1284 = arith.addf %add3A_1281, %concatenate3A_1283 : vector<48x48xf32>
    %swap3A_1285 = arith.constant 0 : index
    %swap3A_1286 = arith.constant 47 : index
    %swap3A_1287 = arith.constant 0 : index
    %swap3A_1288 = arith.constant 0 : index
    %swap3A_1289 = vector.load %arg2[%swap3A_1285, %swap3A_1286, %swap3A_1287, %swap3A_1288] : memref<1x48x48x48xf32, #tpu.memory_space<vmem>>, vector<1x1x48x48xf32>
    %swap3A_1290 = vector.shape_cast %swap3A_1289 : vector<1x1x48x48xf32> to vector<48x48xf32>
    %swap3A_1291 = vector.shape_cast %add3A_1284 : vector<48x48xf32> to vector<1x1x48x48xf32>
    tpu.vector_store %arg2[%swap3A_1285, %swap3A_1286, %swap3A_1287, %swap3A_1288], %swap3A_1291 {strides = array<i32>} : memref<1x48x48x48xf32, #tpu.memory_space<vmem>>, vector<1x1x48x48xf32>,
    return
  }
  func.func @transform_0(%arg0: i32) -> (i32, i32, i32, i32) {
    %c0_i32 = arith.constant 0 : i32
    %c0_i32_0 = arith.constant 0 : i32
    %c0_i32_1 = arith.constant 0 : i32
    %c0_i32_2 = arith.constant 0 : i32
    return %arg0, %c0_i32, %c0_i32_0, %c0_i32_1 : i32, i32, i32, i32
  }
  func.func @transform_1(%arg0: i32) -> (i32, i32, i32, i32) {
    %c0_i32 = arith.constant 0 : i32
    %c0_i32_0 = arith.constant 0 : i32
    %c0_i32_1 = arith.constant 0 : i32
    %c0_i32_2 = arith.constant 0 : i32
    return %arg0, %c0_i32, %c0_i32_0, %c0_i32_1 : i32, i32, i32, i32
  }
}

</mosaic_0001>

<sc_bundles>
// kernel: kernel.5.cloned.1.call-start
scs
__scs_entry_jumppad:
0x0: {  	(pc) =	sbr.rel $0x88, $3  }
0x1: {  	(tag) =	ssettag $0x0;
	lr =	simm.s32 $0x1  }
0x2: {  	[smem:$0x3F9F] =	sst lr;
	_ =	strace $0xD0000000  }
0x3: {  	_ = 	snop  }
0x4: {  	_ = 	snop  }
0x5: {  	_ = 	snop  }
0x6: {  	_ = 	snop  }
0x7: {  	_ = 	snop  }
__scs_overlays_trampoline_lowered:
0x8: {  	[smem:$0x3FAE] =	sst s0  }
0x9: {  	[smem:$0x3FAF] =	sst s1  }
0xa: {  	[smem:$0x3FB0] =	sst s2  }
0xb: {  	[smem:$0x3FB1] =	sst s3  }
0xc: {  	[smem:$0x3FB2] =	sst s4  }
0xd: {  	[smem:$0x3FB3] =	sst s5  }
0xe: {  	[smem:$0x3FB4] =	sst s6  }
0xf: {  	[smem:$0x3FB5] =	sst s7  }
0x10: {  	[smem:$0x3FB6] =	sst s8  }
0x11: {  	[smem:$0x3FB7] =	sst s9;
	s0 =	simm.s32 @!p0 $0x0  }
0x12: {  	s1 =	sld [smem:$0x3F9D];
	s0 =	simm.s32 @p0 $0x1  }
0x13: {  	[smem:$0x3FB8] =	sst s0;
	s0 =	simm.s32 @!p1 $0x0  }
0x14: {  	s2 =	sld [smem:$0x3F9C];
	s0 =	simm.s32 @p1 $0x1  }
0x15: {  	[smem:$0x3FB9] =	sst s0;
	s0 =	simm.s32 @!p2 $0x0  }
0x16: {  	s3 =	sld [smem:$0x3FDB];
	s0 =	simm.s32 @p2 $0x1  }
0x17: {  	s4 =	simm.s32 $0x1BF5;
	[smem:$0x3FBB] =	sst s0  }
0x18: {  	s0 =	sld [smem:$0x3F9E];
	_ =	swait.ge [sflag:s4], $0x0  }
0x19: {  	s7 =	sld [smem:$0x3F9F]  }
0x1a: {  	s8 =	sadd.s32 $0xFFFFE003, lr  }
0x1b: {  	s9 =	sadd.s32 $0xFFFFFEF7, lr;
	s5 =	simm.s32 $0xFFFFFFFF;
	p2 =	slt.u32 s8, $0xFFFFF086  }
0x1c: {  	p1 =	slt.u32 s9, $0xF7A;
	s5 =	simm.s32 @!p2 $0x0  }
0x1d: {  	s5 =	simm.s32 @p1 $0x1;
	p0 =	seq.s32 s7, s2  }
0x1e: {  	s7 =	smul.u32 @!p0 $0xF7A, s2;
	p2 =	seq.s32 @!p0 s5, $0x0  }
0x1f: {  	s9 =	smul.u32 $0xF7A, s1;
	s8 =	simm.s32 @!p0 $0x1BF5;
	p2 =	por !p2, p0  }
0x20: {  	[sflag:s8] =	ssyncset.s32 @!p0 $0xFFFFF086;
	s6 =	sadd.s32 @!p0 s3, s7;
	s7 =	simm.s32 @!p0 $0x108  }
0x21: {  	s3 =	sadd.s32 s3, s9;
	s6 =	sadd.s32 @!p0 $0x88, s6;
	s7 =	simm.s32 @p2 $0x1082  }
0x22: {  	[simem:s7], [sflag:s8] =	dma.local @!p0 [hbm:s6], $0xF7A  }
0x23: {  	s9 =	sor.u32 $0xD0000000, s2;
	s6 =	simm.s32 $0x108;
	_ =	swait.ge @!p0 [sflag:s8], $0x0  }
0x24: {  	s3 =	sadd.s32 $0x88, s3;
	s6 =	simm.s32 @!p1 $0x1082;
	[sflag:s4] =	ssyncset.s32 $0xFFFFF086  }
0x25: {  	[simem:s6], [sflag:s4] =	dma.local [hbm:s3], $0xF7A  }
0x26: {  	[smem:$0x3F9F] =	sst s1;
	(tag) =	ssettag s2;
	_ =	strace s9  }
0x27: {  	s1 =	sld [smem:$0x3FAF]  }
0x28: {  	s2 =	sld [smem:$0x3FB0]  }
0x29: {  	s4 =	sld [smem:$0x3FB2]  }
0x2a: {  	p0 =	seq.s32 s5, $0x0;
	s5 =	sld [smem:$0x3FB3]  }
0x2b: {  	s6 =	sld [smem:$0x3FB4]  }
0x2c: {  	s7 =	sld [smem:$0x3FB5]  }
0x2d: {  	s3 =	simm.s32 $0x108;
	s8 =	sld [smem:$0x3FB6]  }
0x2e: {  	s3 =	simm.s32 @!p0 $0x1082;
	s9 =	sld [smem:$0x3FB7]  }
0x2f: {  	lr =	sadd.s32 s0, s3;
	s0 =	sld [smem:$0x3FAE]  }
0x30: {  	s3 =	sld [smem:$0x3FB1]  }
0x31: {  	[smem:$0x3FBA] =	sst s10  }
0x32: {  	s10 =	sld [smem:$0x3FB8];
	_ =	sdelay $0x3  }
0x33: {  	p0 =	seq.s32 s10, $0x1;
	s10 =	sld [smem:$0x3FBA];
	_ =	sdelay $0x3  }
0x34: {  	[smem:$0x3FBA] =	sst s10  }
0x35: {  	s10 =	sld [smem:$0x3FB9];
	_ =	sdelay $0x3  }
0x36: {  	p1 =	seq.s32 s10, $0x1;
	s10 =	sld [smem:$0x3FBA];
	_ =	sdelay $0x3  }
0x37: {  	[smem:$0x3FBA] =	sst s10  }
0x38: {  	s10 =	sld [smem:$0x3FBB]  }
0x39: {  	_ = 	snop;
	(pc) =	sbr.ind lr, $3  }
0x3a: {  	_ = 	snop  }
0x3b: {  	_ = 	snop  }
0x3c: {  	p2 =	seq.s32 s10, $0x1;
	s10 =	sld [smem:$0x3FBA]  }
0x3d: {  	_ =	shalt  }
0x3e: {  	_ =	shalt  }
0x3f: {  	_ =	shalt  }
0x40: {  	_ =	shalt  }
0x41: {  	_ =	shalt  }
0x42: {  	_ =	shalt  }
0x43: {  	_ =	shalt  }
0x44: {  	_ =	shalt  }
0x45: {  	_ =	shalt  }
0x46: {  	_ =	shalt  }
0x47: {  	_ =	shalt  }
0x48: {  	_ =	shalt  }
0x49: {  	_ =	shalt  }
0x4a: {  	_ =	shalt  }
0x4b: {  	_ =	shalt  }
0x4c: {  	_ =	shalt  }
0x4d: {  	_ =	shalt  }
0x4e: {  	_ =	shalt  }
0x4f: {  	_ =	shalt  }
0x50: {  	_ =	shalt  }
0x51: {  	_ =	shalt  }
0x52: {  	_ =	shalt  }
0x53: {  	_ =	shalt  }
0x54: {  	_ =	shalt  }
0x55: {  	_ =	shalt  }
0x56: {  	_ =	shalt  }
0x57: {  	_ =	shalt  }
0x58: {  	_ =	shalt  }
0x59: {  	_ =	shalt  }
0x5a: {  	_ =	shalt  }
0x5b: {  	_ =	shalt  }
0x5c: {  	_ =	shalt  }
0x5d: {  	_ =	shalt  }
0x5e: {  	_ =	shalt  }
0x5f: {  	_ =	shalt  }
0x60: {  	_ =	shalt  }
0x61: {  	_ =	shalt  }
0x62: {  	_ =	shalt  }
0x63: {  	_ =	shalt  }
0x64: {  	_ =	shalt  }
0x65: {  	_ =	shalt  }
0x66: {  	_ =	shalt  }
0x67: {  	_ =	shalt  }
0x68: {  	_ =	shalt  }
0x69: {  	_ =	shalt  }
0x6a: {  	_ =	shalt  }
0x6b: {  	_ =	shalt  }
0x6c: {  	_ =	shalt  }
0x6d: {  	_ =	shalt  }
0x6e: {  	_ =	shalt  }
0x6f: {  	_ =	shalt  }
0x70: {  	_ =	shalt  }
0x71: {  	_ =	shalt  }
0x72: {  	_ =	shalt  }
0x73: {  	_ =	shalt  }
0x74: {  	_ =	shalt  }
0x75: {  	_ =	shalt  }
0x76: {  	_ =	shalt  }
0x77: {  	_ =	shalt  }
0x78: {  	_ =	shalt  }
0x79: {  	_ =	shalt  }
0x7a: {  	_ =	shalt  }
0x7b: {  	_ =	shalt  }
0x7c: {  	_ =	shalt  }
0x7d: {  	_ =	shalt  }
0x7e: {  	_ =	shalt  }
0x7f: {  	_ =	shalt  }
0x80: {  	_ =	shalt  }
0x81: {  	_ =	shalt  }
0x82: {  	_ =	shalt  }
0x83: {  	_ =	shalt  }
0x84: {  	_ =	shalt  }
0x85: {  	_ =	shalt  }
0x86: {  	_ =	shalt  }
0x87: {  	_ =	shalt  }
.Lfunc_end0:
.L_simem_size_0:
called_computation_lowered:
.L_overlay_start_0:
0x88: {  	s2 =	sld [smem:$0x3FD9]  }
0x89: {  	s3 =	sld [smem:$0x3FFE];
	_ =	sdelay $0x1  }
0x8a: {  	s1 =	srdreg.scid  }
0x8b: {  	s0 =	sand.u32 $0x1, s1  }
0x8c: {  	s17 =	sshll.u32 s0, $0xA;
	s2 =	sadd.s32 s3, s2  }
0x8d: {  	s2 =	sadd.s32 s2, s17  }
0x8e: {  	[smem:$0x3FC6] =	sst s2  }
0x8f: {  	_ = 	snop  }
0x90: {  	s2 =	sld [smem:$0x3FD0];
	(tm) =	ssettm $0x1  }
0x91: {  	s18 =	sld [smem:$0x3FFB];
	_ =	sdelay $0x3  }
0x92: {  	_ =	strace s18  }
0x93: {  	s3 =	sld [smem:$0x3FFC];
	_ =	sdelay $0x3  }
0x94: {  	_ =	strace s3  }
0x95: {  	s3 =	sld [smem:$0x3FFD];
	_ =	sdelay $0x3  }
0x96: {  	_ =	strace s3  }
0x97: {  	_ =	strace $0x8FFFFFFF  }
0x98: {  	s19 =	sld [smem:$0x3FDB];
	_ =	sdelay $0x1  }
0x99: {  	s4 =	simm.s32 $_scs_section_size  }
0x9a: {  	s5 =	simm.s32 $_size__tile_overlayer_lowered;
	s6 =	simm.s32 $_tile_overlayer_lowered  }
0x9b: {  	s22 =	simm.s32 $0x1BFF;
	s21 =	sshll.u32 s6, $0x1;
	s3 =	sadd.s32 s4, s19  }
0x9c: {  	s7 =	simm.s32 $0x0;
	s20 =	sshll.u32 s5, $0x1;
	s5 =	sadd.s32 s21, s3  }
0x9d: {  	[timem:s7], [sflag:s22] =	dma.local [hbm:s5], s20  }
0x9e: {  	_ =	swait.ge [sflag:s22], s20  }
0x9f: {  	s4 =	ssub.s32 $0x0, s20;
	[sflag:s22] =	ssyncset.done $0x0  }
0xa0: {  	[sflag:s22] =	ssyncadd.s32 s4;
	_ =	sdelay $0x1  }
0xa1: {  	s23 =	simm.s32 $0x1B8B  }
0xa2: {  	_ =	swait.ge [sflag:s23], $0x1  }
0xa3: {  	[sflag:s23] =	ssyncset.done $0x0  }
0xa4: {  	s25 =	simm.s32 $0x1B8E;
	s24 =	sld [smem:$0x3FFE];
	[sflag:s23] =	ssyncadd.s32 $0xFFFFFFFF  }
0xa5: {  	s26 =	simm.s32 $execute0_lowered;
	[smem:$0x3FD2] =	sst s25  }
0xa6: {  	s5 =	sshll.u32 s26, $0x1;
	_ =	strace $0x80000046;
	[dreg:$0x1] =	wrdreg $0xFFFFFFFF  }
0xa7: {  	s28 =	simm.s32 $_size_execute0_lowered;
	s3 =	sadd.s32 s3, s5;
	[dreg:$0x0] =	wrdreg $0x0  }
0xa8: {  	s5 =	sshll.u32 s28, $0x1;
	[dreg:$0x2] =	wrdreg s3  }
0xa9: {  	[dreg:$0x3] =	wrdreg s5  }
0xaa: {  	[dreg:$0x4] =	wrdreg $0xC0  }
0xab: {  	_ =	task [dreg:s7], $0x5FFFF  }
0xac: {  	[dreg:$0x1] =	wrdreg $0xFFFFFFFF  }
0xad: {  	[dreg:$0x0] =	wrdreg $0x60  }
0xae: {  	[dreg:$0x2] =	wrdreg s24  }
0xaf: {  	[dreg:$0x3] =	wrdreg s2  }
0xb0: {  	[dreg:$0x4] =	wrdreg $0x9  }
0xb1: {  	_ =	task.clear_ibuf [dreg:s7], $0x5FFFF;
	_ =	strace $0x90000046  }
0xb2: {  	s29 =	simm.s32 $0x9;
	_ =	strace $0x80000048  }
0xb3: {  	_ =	swait.ge [sflag:s29], $0x1  }
0xb4: {  	[sflag:s29] =	ssyncadd.s32 $0xFFFFFFFF  }
0xb5: {  	_ =	strace $0x90000048  }
0xb6: {  	_ =	sfence  }
0xb7: {  	s30 =	sld [smem:$0x0];
	_ =	sdelay $0x2  }
0xb8: {  	s31 =	sshll.u32 s1, $0xD;
	s1 =	sshrl.u32 s1, $0x2  }
0xb9: {  	s3 =	sand.u32 $0x4000, s31;
	s1 =	sadd.s32 s1, s30  }
0xba: {  	s0 =	sor.u32 s3, s0;
	s1 =	sshll.u32 s1, $0x11  }
0xbb: {  	s0 =	sor.u32 s1, s0  }
0xbc: {  	s0 =	sadd.s32 $0x8F2B, s0  }
0xbd: {  	[sflag:s0] =	ssyncadd.remote.s32 $0x1  }
0xbe: {  	_ =	sfence.sel $0xFFFF  }
0xbf: {  	[dreg:$0x0] =	wrdreg $0xFFFFFFFF;
	(pc) =	sbr.abs _section_cstart, $3  }
0xc0: {  	[dreg:$0x1] =	wrdreg $0xFFFFFFFF  }
0xc1: {  	_ =	task.clear_ibuf [dreg:s7], $0x2FFFF;
	_ =	strace $0x9FFFFFFF  }
0xc2: {  	(tm) =	ssettm $0x7FFFFFFF  }
0xc3: {  	_ =	shalt  }
tec
execute0_lowered:
.L_overlay_start_1:
0x0: {  	(tag) =	ssettag $0x1  }
0x1: {  	s1 =	srdreg.scid;
	s2 =	stileid.u32  }
0x2: {  	s1 =	sand.u32 $0x1, s1;
	s3 =	sshll.u32 s2, $0x1  }
0x3: {  	s3 =	sor.u32 s1, s3  }
0x4: {  	p0 =	sgt.u32 s3, $0x12  }
.Ltmp0:
0x5: {  	_ = 	snop;
	(pc) =	sbr.rel @p0 .LBB2_25-.Ltmp0, $4  }
0x6: {  	_ = 	snop  }
0x7: {  	s4 =	rddreg [dreg:$0x0];
	s2 =	simm.s32 $0x0  }
0x8: {  	[smem:$0x7FF] =	sst s2  }
0x9: {  	s0 =	rddreg [dreg:$0x1];
	_ =	strace $0x80000047  }
0xa: {  	s5 =	stileid.u32;
	s3 =	sshll.u32 s3, $0x7  }
0xb: {  	s20 =	sadd.s32 $0x600, s4;
	s10 =	sadd.s32 $0xF800, s4;
	s11 =	sadd.s32 $0xF900, s4  }
0xc: {  	s22 =	sadd.s32 $0xFA00, s4;
	s16 =	sadd.s32 $0xFE00, s4;
	s1 =	ssub.s32 $0x2, s1  }
0xd: {  	s28 =	simm.s32 $0x400;
	s29 =	simm.s32 $0x1B800;
	s30 =	simm.s32 $0x1C000  }
0xe: {  	s31 =	simm.s32 $0x1C800;
	s5 =	sshrl.u32 s5, $0x2;
	[dreg:$0x3] =	wrdreg s10  }
0xf: {  	s7 =	sand.u32 $0x380, s3;
	s3 =	sadd.s32 $0xF600, s4;
	[dreg:$0x5] =	wrdreg s11  }
0x10: {  	[dreg:$0x7] =	wrdreg s22;
	s25 =	sshrl.u32 s1, $0x1;
	s6 =	smul.u32 $0x28000, s5  }
0x11: {  	s10 =	sadd.s32 $0xFB00, s4;
	s5 =	smul.u32 $0xD8000, s5;
	s26 =	ssub.s32 s1, s25  }
0x12: {  	s25 =	simm.s32 $0x1B000;
	s1 =	simm.s32 $0x1;
	s8 =	sor.u32 s7, s6  }
0x13: {  	s24 =	sor.u32 s6, s7;
	s5 =	sor.u32 s5, s7;
	s9 =	sadd.s32 $0x8000, s8  }
0x14: {  	s17 =	sadd.s32 $0xC000, s8;
	s19 =	sadd.s32 $0x10000, s8;
	s23 =	sadd.s32 $0x14000, s8  }
0x15: {  	s12 =	sadd.s32 $0x18000, s8;
	s14 =	sadd.s32 $0x1C000, s8;
	s5 =	sshrl.u32 s5, $0x3  }
0x16: {  	s9 =	sshrl.u32 s9, $0x3;
	s18 =	sshrl.u32 s17, $0x3;
	s21 =	sshrl.u32 s19, $0x3  }
0x17: {  	s11 =	sshrl.u32 s23, $0x3;
	s13 =	sshrl.u32 s12, $0x3;
	s12 =	sadd.s32 $0xFC00, s4  }
0x18: {  	s15 =	sshrl.u32 s14, $0x3;
	s14 =	sadd.s32 $0xFD00, s4;
	s17 =	sadd.s32 $0x20000, s8  }
0x19: {  	s8 =	sadd.s32 $0x24000, s8;
	s23 =	sadd.s32 $0x100, s3;
	s9 =	sadd.s32 s20, s9  }
0x1a: {  	s11 =	sadd.s32 s20, s11;
	s13 =	sadd.s32 s20, s13;
	s15 =	sadd.s32 s20, s15  }
0x1b: {  	s17 =	sshrl.u32 s17, $0x3;
	s8 =	sshrl.u32 s8, $0x3;
	[dreg:$0x4] =	wrdreg s9  }
0x1c: {  	s9 =	sadd.s32 s20, s18;
	s17 =	sadd.s32 s20, s17;
	s18 =	sadd.s32 $0xFF00, s4  }
0x1d: {  	s19 =	sadd.s32 s20, s8;
	s4 =	sshrl.u32 s24, $0x3;
	s24 =	smax.u32 s26, $0x1  }
0x1e: {  	s26 =	simm.s32 $0x80;
	[dreg:$0x6] =	wrdreg s9;
	s9 =	sadd.s32 s20, s21  }
0x1f: {  	s20 =	sadd.s32 s20, s4;
	s21 =	sadd.s32 s0, s5;
	s0 =	simm.s32 $0x2  }
0x20: {  	v0 =	vimm.f32 $0.0e+00;
	s4 =	simm.s32 $0x3;
	s5 =	simm.s32 $0x0;
	s22 =	sadd.s32 $0x800, s20  }
.LBB2_2:
0x21: {  	[tilespmem:s25], [sflag:$0x1] =	stream.linear.gather [hbm4b:s3+s2], $0x800, $0x38;
	[tilespmem:$0x1D000] =	vst v63  }
0x22: {  	s6 =	simm.s32 $0x40  }
0x23: {  	[tilespmem:s29], [sflag:$0x1] =	stream.strided.gather [hbm4b:s20+s26], $0x800, s28, s26, $0x38;
	[tilespmem:$0x1D000] =	vst v63  }
0x24: {  	[tilespmem:s6+$0xFFFFFFC0] =	vst v0  }
0x25: {  	[tilespmem:s6+$0x30] =	vst v0  }
0x26: {  	[tilespmem:s6+$0x20] =	vst v0  }
0x27: {  	[tilespmem:s6+$0x10] =	vst v0  }
0x28: {  	[tilespmem:s6+$0x0] =	vst v0  }
0x29: {  	[tilespmem:s6+$0xFFFFFFF0] =	vst v0  }
0x2a: {  	s7 =	simm.s32 $0x0;
	[tilespmem:s6+$0xFFFFFFE0] =	vst v0  }
.LBB2_3:
0x2b: {  	s7 =	sadd.s32 $0x80, s7;
	[tilespmem:s6+$0xFFFFFFD0] =	vst v0;
	s6 =	sadd.s32 $0x80, s6  }
0x2c: {  	[tilespmem:s6+$0xFFFFFFC0] =	vst v0;
	p0 =	slt.u32 s7, $0x1AF80  }
0x2d: {  	[tilespmem:s6+$0x30] =	vst v0  }
.Ltmp1:
0x2e: {  	[tilespmem:s6+$0x20] =	vst v0;
	(pc) =	sbr.rel @p0 .LBB2_3-.Ltmp1, $4  }
0x2f: {  	[tilespmem:s6+$0x10] =	vst v0  }
0x30: {  	[tilespmem:s6+$0x0] =	vst v0  }
0x31: {  	[tilespmem:s6+$0xFFFFFFF0] =	vst v0  }
0x32: {  	[tilespmem:s6+$0xFFFFFFE0] =	vst v0  }
0x33: {  	[tilespmem:s6+$0xFFFFFFD0] =	vst v0  }
0x34: {  	[tilespmem:s30], [sflag:$0x2] =	stream.linear.gather [hbm4b:s23+s2], $0x800, $0x38;
	[tilespmem:$0x1D000] =	vst v63  }
0x35: {  	_ = 	snop  }
0x36: {  	[tilespmem:s31], [sflag:$0x2] =	stream.strided.gather [hbm4b:s22+s26], $0x800, s28, s26, $0x38;
	[tilespmem:$0x1D000] =	vst v63  }
0x37: {  	_ =	swait.ge [sflag:s1], $0x800  }
0x38: {  	[sflag:s1] =	ssyncset.done $0x0  }
0x39: {  	[sflag:s1] =	ssyncadd.s32 $0xFFFFF800  }
0x3a: {  	_ =	swait.ge [sflag:s1], $0x800  }
0x3b: {  	[sflag:s1] =	ssyncset.done $0x0  }
0x3c: {  	s7 =	simm.s32 $0x1B020;
	[sflag:s1] =	ssyncadd.s32 $0xFFFFF800  }
0x3d: {  	v7 =	vld [tilespmem:s7+$0x10];
	_ =	sdelay $0x2  }
0x3e: {  	v2 =	vld [tilespmem:s7+$0xFFFFFFF0]  }
0x3f: {  	v1 =	vld [tilespmem:s7+$0x0]  }
0x40: {  	s6 =	simm.s32 $0x1B820;
	v5 =	vld [tilespmem:s7+$0xFFFFFFE0];
	vm3 =	vlt.s32 v7, $0x1B000  }
0x41: {  	v8 =	vld [tilespmem:s6+$0x10];
	_ =	sdelay $0x1  }
0x42: {  	v3 =	vld [tilespmem:s6+$0xFFFFFFE0]  }
0x43: {  	v6 =	vld [tilespmem:s6+$0x0]  }
0x44: {  	v4 =	vld [tilespmem:s6+$0xFFFFFFF0];
	vm0 =	vlt.s32 v1, $0x1B000;
	vm2 =	vlt.s32 v5, $0x1B000  }
0x45: {  	s8 =	simm.s32 $0x1B060;
	s7 =	simm.s32 $0x0;
	vm1 =	vlt.s32 v2, $0x1B000;
	vm0 =	vmmov vm0;
	[tilespmem:v7+s2+$0x0] =	vst.idx.add.f32.msk vm3, v8  }
.LBB2_5:
0x46: {  	v7 =	vld [tilespmem:s8+$0x10];
	s7 =	sadd.s32 $0x40, s7  }
0x47: {  	v8 =	vld [tilespmem:s8+$0xFFFFFFF0];
	p0 =	slt.u32 s7, $0x7C0  }
0x48: {  	v9 =	vld [tilespmem:s8+$0x0];
	v10 =	vmov v6  }
0x49: {  	v6 =	vld [tilespmem:s8+$0xFFFFFFE0]  }
0x4a: {  	[tilespmem:v5+s2+$0x0] =	vst.idx.add.f32.msk vm2, v3  }
0x4b: {  	s6 =	sadd.s32 $0x40, s6;
	vm3 =	vlt.s32 v7, $0x1B000;
	[tilespmem:v2+s2+$0x0] =	vst.idx.add.f32.msk vm1, v4  }
0x4c: {  	vm1 =	vlt.s32 v8, $0x1B000;
	v11 =	vld [tilespmem:s6+$0x10];
	v2 =	vmov v8  }
.Ltmp2:
0x4d: {  	v3 =	vld [tilespmem:s6+$0xFFFFFFE0];
	vm4 =	vlt.s32 v9, $0x1B000;
	(pc) =	sbr.rel @p0 .LBB2_5-.Ltmp2, $4  }
0x4e: {  	vm2 =	vlt.s32 v6, $0x1B000;
	v4 =	vld [tilespmem:s6+$0xFFFFFFF0];
	v5 =	vmov v6  }
0x4f: {  	v6 =	vld [tilespmem:s6+$0x0]  }
0x50: {  	[tilespmem:v1+s2+$0x0] =	vst.idx.add.f32.msk vm0, v10;
	v1 =	vmov v9;
	vm0 =	vmmov vm4  }
0x51: {  	s8 =	sadd.s32 $0x40, s8;
	[tilespmem:v7+s2+$0x0] =	vst.idx.add.f32.msk vm3, v11  }
0x52: {  	_ =	sdelay $0x4  }
0x53: {  	[tilespmem:v5+s2+$0x0] =	vst.idx.add.f32.msk vm2, v3  }
0x54: {  	[tilespmem:v2+s2+$0x0] =	vst.idx.add.f32.msk vm1, v4  }
0x55: {  	[tilespmem:v1+s2+$0x0] =	vst.idx.add.f32.msk vm0, v6  }
0x56: {  	s6 =	rddreg [dreg:$0x3]  }
0x57: {  	[tilespmem:s25], [sflag:$0x1] =	stream.linear.gather [hbm4b:s6+s2], $0x800, $0x38;
	[tilespmem:$0x1D000] =	vst v63  }
0x58: {  	s8 =	rddreg [dreg:$0x4]  }
0x59: {  	[tilespmem:s29], [sflag:$0x1] =	stream.strided.gather [hbm4b:s8+s26], $0x800, s28, s26, $0x38;
	[tilespmem:$0x1D000] =	vst v63  }
0x5a: {  	_ =	swait.ge [sflag:s0], $0x800  }
0x5b: {  	[sflag:s0] =	ssyncset.done $0x0  }
0x5c: {  	[sflag:s0] =	ssyncadd.s32 $0xFFFFF800  }
0x5d: {  	_ =	swait.ge [sflag:s0], $0x800  }
0x5e: {  	[sflag:s0] =	ssyncset.done $0x0  }
0x5f: {  	s7 =	simm.s32 $0x1C020;
	[sflag:s0] =	ssyncadd.s32 $0xFFFFF800  }
0x60: {  	v7 =	vld [tilespmem:s7+$0x10];
	_ =	sdelay $0x2  }
0x61: {  	v2 =	vld [tilespmem:s7+$0xFFFFFFF0]  }
0x62: {  	v1 =	vld [tilespmem:s7+$0x0]  }
0x63: {  	s6 =	simm.s32 $0x1C820;
	v5 =	vld [tilespmem:s7+$0xFFFFFFE0];
	vm3 =	vlt.s32 v7, $0x1B000  }
0x64: {  	v8 =	vld [tilespmem:s6+$0x10];
	_ =	sdelay $0x1  }
0x65: {  	v3 =	vld [tilespmem:s6+$0xFFFFFFE0]  }
0x66: {  	v6 =	vld [tilespmem:s6+$0x0]  }
0x67: {  	v4 =	vld [tilespmem:s6+$0xFFFFFFF0];
	vm0 =	vlt.s32 v1, $0x1B000;
	vm2 =	vlt.s32 v5, $0x1B000  }
0x68: {  	s8 =	simm.s32 $0x1C060;
	s7 =	simm.s32 $0x0;
	vm1 =	vlt.s32 v2, $0x1B000;
	vm0 =	vmmov vm0;
	[tilespmem:v7+s2+$0x0] =	vst.idx.add.f32.msk vm3, v8  }
.LBB2_7:
0x69: {  	v7 =	vld [tilespmem:s8+$0x10];
	s7 =	sadd.s32 $0x40, s7  }
0x6a: {  	v8 =	vld [tilespmem:s8+$0xFFFFFFF0];
	p0 =	slt.u32 s7, $0x7C0  }
0x6b: {  	v9 =	vld [tilespmem:s8+$0x0];
	v10 =	vmov v6  }
0x6c: {  	v6 =	vld [tilespmem:s8+$0xFFFFFFE0]  }
0x6d: {  	[tilespmem:v5+s2+$0x0] =	vst.idx.add.f32.msk vm2, v3  }
0x6e: {  	s6 =	sadd.s32 $0x40, s6;
	vm3 =	vlt.s32 v7, $0x1B000;
	[tilespmem:v2+s2+$0x0] =	vst.idx.add.f32.msk vm1, v4  }
0x6f: {  	vm1 =	vlt.s32 v8, $0x1B000;
	v11 =	vld [tilespmem:s6+$0x10];
	v2 =	vmov v8  }
.Ltmp3:
0x70: {  	v3 =	vld [tilespmem:s6+$0xFFFFFFE0];
	vm4 =	vlt.s32 v9, $0x1B000;
	(pc) =	sbr.rel @p0 .LBB2_7-.Ltmp3, $4  }
0x71: {  	vm2 =	vlt.s32 v6, $0x1B000;
	v4 =	vld [tilespmem:s6+$0xFFFFFFF0];
	v5 =	vmov v6  }
0x72: {  	v6 =	vld [tilespmem:s6+$0x0]  }
0x73: {  	[tilespmem:v1+s2+$0x0] =	vst.idx.add.f32.msk vm0, v10;
	v1 =	vmov v9;
	vm0 =	vmmov vm4  }
0x74: {  	s8 =	sadd.s32 $0x40, s8;
	[tilespmem:v7+s2+$0x0] =	vst.idx.add.f32.msk vm3, v11  }
0x75: {  	_ =	sdelay $0x4  }
0x76: {  	[tilespmem:v5+s2+$0x0] =	vst.idx.add.f32.msk vm2, v3  }
0x77: {  	[tilespmem:v2+s2+$0x0] =	vst.idx.add.f32.msk vm1, v4  }
0x78: {  	[tilespmem:v1+s2+$0x0] =	vst.idx.add.f32.msk vm0, v6  }
0x79: {  	s6 =	rddreg [dreg:$0x5]  }
0x7a: {  	[tilespmem:s30], [sflag:$0x2] =	stream.linear.gather [hbm4b:s6+s2], $0x800, $0x38;
	[tilespmem:$0x1D000] =	vst v63  }
0x7b: {  	s8 =	rddreg [dreg:$0x6]  }
0x7c: {  	[tilespmem:s31], [sflag:$0x2] =	stream.strided.gather [hbm4b:s8+s26], $0x800, s28, s26, $0x38;
	[tilespmem:$0x1D000] =	vst v63  }
0x7d: {  	_ =	swait.ge [sflag:s1], $0x800  }
0x7e: {  	[sflag:s1] =	ssyncset.done $0x0  }
0x7f: {  	[sflag:s1] =	ssyncadd.s32 $0xFFFFF800  }
0x80: {  	_ =	swait.ge [sflag:s1], $0x800  }
0x81: {  	[sflag:s1] =	ssyncset.done $0x0  }
0x82: {  	s7 =	simm.s32 $0x1B020;
	[sflag:s1] =	ssyncadd.s32 $0xFFFFF800  }
0x83: {  	v7 =	vld [tilespmem:s7+$0x10];
	_ =	sdelay $0x2  }
0x84: {  	v2 =	vld [tilespmem:s7+$0xFFFFFFF0]  }
0x85: {  	v1 =	vld [tilespmem:s7+$0x0]  }
0x86: {  	s6 =	simm.s32 $0x1B820;
	v5 =	vld [tilespmem:s7+$0xFFFFFFE0];
	vm3 =	vlt.s32 v7, $0x1B000  }
0x87: {  	v8 =	vld [tilespmem:s6+$0x10];
	_ =	sdelay $0x1  }
0x88: {  	v3 =	vld [tilespmem:s6+$0xFFFFFFE0]  }
0x89: {  	v6 =	vld [tilespmem:s6+$0x0]  }
0x8a: {  	v4 =	vld [tilespmem:s6+$0xFFFFFFF0];
	vm0 =	vlt.s32 v1, $0x1B000;
	vm2 =	vlt.s32 v5, $0x1B000  }
0x8b: {  	s8 =	simm.s32 $0x1B060;
	s7 =	simm.s32 $0x0;
	vm1 =	vlt.s32 v2, $0x1B000;
	vm0 =	vmmov vm0;
	[tilespmem:v7+s2+$0x0] =	vst.idx.add.f32.msk vm3, v8  }
.LBB2_9:
0x8c: {  	v7 =	vld [tilespmem:s8+$0x10];
	s7 =	sadd.s32 $0x40, s7  }
0x8d: {  	v8 =	vld [tilespmem:s8+$0xFFFFFFF0];
	p0 =	slt.u32 s7, $0x7C0  }
0x8e: {  	v9 =	vld [tilespmem:s8+$0x0];
	v10 =	vmov v6  }
0x8f: {  	v6 =	vld [tilespmem:s8+$0xFFFFFFE0]  }
0x90: {  	[tilespmem:v5+s2+$0x0] =	vst.idx.add.f32.msk vm2, v3  }
0x91: {  	s6 =	sadd.s32 $0x40, s6;
	vm3 =	vlt.s32 v7, $0x1B000;
	[tilespmem:v2+s2+$0x0] =	vst.idx.add.f32.msk vm1, v4  }
0x92: {  	vm1 =	vlt.s32 v8, $0x1B000;
	v11 =	vld [tilespmem:s6+$0x10];
	v2 =	vmov v8  }
.Ltmp4:
0x93: {  	v3 =	vld [tilespmem:s6+$0xFFFFFFE0];
	vm4 =	vlt.s32 v9, $0x1B000;
	(pc) =	sbr.rel @p0 .LBB2_9-.Ltmp4, $4  }
0x94: {  	vm2 =	vlt.s32 v6, $0x1B000;
	v4 =	vld [tilespmem:s6+$0xFFFFFFF0];
	v5 =	vmov v6  }
0x95: {  	v6 =	vld [tilespmem:s6+$0x0]  }
0x96: {  	[tilespmem:v1+s2+$0x0] =	vst.idx.add.f32.msk vm0, v10;
	v1 =	vmov v9;
	vm0 =	vmmov vm4  }
0x97: {  	s8 =	sadd.s32 $0x40, s8;
	[tilespmem:v7+s2+$0x0] =	vst.idx.add.f32.msk vm3, v11  }
0x98: {  	_ =	sdelay $0x4  }
0x99: {  	[tilespmem:v5+s2+$0x0] =	vst.idx.add.f32.msk vm2, v3  }
0x9a: {  	[tilespmem:v2+s2+$0x0] =	vst.idx.add.f32.msk vm1, v4  }
0x9b: {  	[tilespmem:v1+s2+$0x0] =	vst.idx.add.f32.msk vm0, v6  }
0x9c: {  	s6 =	rddreg [dreg:$0x7]  }
0x9d: {  	[tilespmem:s25], [sflag:$0x1] =	stream.linear.gather [hbm4b:s6+s2], $0x800, $0x38;
	[tilespmem:$0x1D000] =	vst v63  }
0x9e: {  	_ = 	snop  }
0x9f: {  	[tilespmem:s29], [sflag:$0x1] =	stream.strided.gather [hbm4b:s9+s26], $0x800, s28, s26, $0x38;
	[tilespmem:$0x1D000] =	vst v63  }
0xa0: {  	_ =	swait.ge [sflag:s0], $0x800  }
0xa1: {  	[sflag:s0] =	ssyncset.done $0x0  }
0xa2: {  	[sflag:s0] =	ssyncadd.s32 $0xFFFFF800  }
0xa3: {  	_ =	swait.ge [sflag:s0], $0x800  }
0xa4: {  	[sflag:s0] =	ssyncset.done $0x0  }
0xa5: {  	s7 =	simm.s32 $0x1C020;
	[sflag:s0] =	ssyncadd.s32 $0xFFFFF800  }
0xa6: {  	v7 =	vld [tilespmem:s7+$0x10];
	_ =	sdelay $0x2  }
0xa7: {  	v2 =	vld [tilespmem:s7+$0xFFFFFFF0]  }
0xa8: {  	v1 =	vld [tilespmem:s7+$0x0]  }
0xa9: {  	s6 =	simm.s32 $0x1C820;
	v5 =	vld [tilespmem:s7+$0xFFFFFFE0];
	vm3 =	vlt.s32 v7, $0x1B000  }
0xaa: {  	v8 =	vld [tilespmem:s6+$0x10];
	_ =	sdelay $0x1  }
0xab: {  	v3 =	vld [tilespmem:s6+$0xFFFFFFE0]  }
0xac: {  	v6 =	vld [tilespmem:s6+$0x0]  }
0xad: {  	v4 =	vld [tilespmem:s6+$0xFFFFFFF0];
	vm0 =	vlt.s32 v1, $0x1B000;
	vm2 =	vlt.s32 v5, $0x1B000  }
0xae: {  	s8 =	simm.s32 $0x1C060;
	s7 =	simm.s32 $0x0;
	vm1 =	vlt.s32 v2, $0x1B000;
	vm0 =	vmmov vm0;
	[tilespmem:v7+s2+$0x0] =	vst.idx.add.f32.msk vm3, v8  }
.LBB2_11:
0xaf: {  	v7 =	vld [tilespmem:s8+$0x10];
	s7 =	sadd.s32 $0x40, s7  }
0xb0: {  	v8 =	vld [tilespmem:s8+$0xFFFFFFF0];
	p0 =	slt.u32 s7, $0x7C0  }
0xb1: {  	v9 =	vld [tilespmem:s8+$0x0];
	v10 =	vmov v6  }
0xb2: {  	v6 =	vld [tilespmem:s8+$0xFFFFFFE0]  }
0xb3: {  	[tilespmem:v5+s2+$0x0] =	vst.idx.add.f32.msk vm2, v3  }
0xb4: {  	s6 =	sadd.s32 $0x40, s6;
	vm3 =	vlt.s32 v7, $0x1B000;
	[tilespmem:v2+s2+$0x0] =	vst.idx.add.f32.msk vm1, v4  }
0xb5: {  	vm1 =	vlt.s32 v8, $0x1B000;
	v11 =	vld [tilespmem:s6+$0x10];
	v2 =	vmov v8  }
.Ltmp5:
0xb6: {  	v3 =	vld [tilespmem:s6+$0xFFFFFFE0];
	vm4 =	vlt.s32 v9, $0x1B000;
	(pc) =	sbr.rel @p0 .LBB2_11-.Ltmp5, $4  }
0xb7: {  	vm2 =	vlt.s32 v6, $0x1B000;
	v4 =	vld [tilespmem:s6+$0xFFFFFFF0];
	v5 =	vmov v6  }
0xb8: {  	v6 =	vld [tilespmem:s6+$0x0]  }
0xb9: {  	[tilespmem:v1+s2+$0x0] =	vst.idx.add.f32.msk vm0, v10;
	v1 =	vmov v9;
	vm0 =	vmmov vm4  }
0xba: {  	s8 =	sadd.s32 $0x40, s8;
	[tilespmem:v7+s2+$0x0] =	vst.idx.add.f32.msk vm3, v11  }
0xbb: {  	_ =	sdelay $0x4  }
0xbc: {  	[tilespmem:v5+s2+$0x0] =	vst.idx.add.f32.msk vm2, v3  }
0xbd: {  	[tilespmem:v2+s2+$0x0] =	vst.idx.add.f32.msk vm1, v4  }
0xbe: {  	[tilespmem:v1+s2+$0x0] =	vst.idx.add.f32.msk vm0, v6  }
0xbf: {  	[tilespmem:s30], [sflag:$0x2] =	stream.linear.gather [hbm4b:s10+s2], $0x800, $0x38;
	[tilespmem:$0x1D000] =	vst v63  }
0xc0: {  	_ = 	snop  }
0xc1: {  	[tilespmem:s31], [sflag:$0x2] =	stream.strided.gather [hbm4b:s11+s26], $0x800, s28, s26, $0x38;
	[tilespmem:$0x1D000] =	vst v63  }
0xc2: {  	_ =	swait.ge [sflag:s1], $0x800  }
0xc3: {  	[sflag:s1] =	ssyncset.done $0x0  }
0xc4: {  	[sflag:s1] =	ssyncadd.s32 $0xFFFFF800  }
0xc5: {  	_ =	swait.ge [sflag:s1], $0x800  }
0xc6: {  	[sflag:s1] =	ssyncset.done $0x0  }
0xc7: {  	s7 =	simm.s32 $0x1B020;
	[sflag:s1] =	ssyncadd.s32 $0xFFFFF800  }
0xc8: {  	v7 =	vld [tilespmem:s7+$0x10];
	_ =	sdelay $0x2  }
0xc9: {  	v2 =	vld [tilespmem:s7+$0xFFFFFFF0]  }
0xca: {  	v1 =	vld [tilespmem:s7+$0x0]  }
0xcb: {  	s6 =	simm.s32 $0x1B820;
	v5 =	vld [tilespmem:s7+$0xFFFFFFE0];
	vm3 =	vlt.s32 v7, $0x1B000  }
0xcc: {  	v8 =	vld [tilespmem:s6+$0x10];
	_ =	sdelay $0x1  }
0xcd: {  	v3 =	vld [tilespmem:s6+$0xFFFFFFE0]  }
0xce: {  	v6 =	vld [tilespmem:s6+$0x0]  }
0xcf: {  	v4 =	vld [tilespmem:s6+$0xFFFFFFF0];
	vm0 =	vlt.s32 v1, $0x1B000;
	vm2 =	vlt.s32 v5, $0x1B000  }
0xd0: {  	s8 =	simm.s32 $0x1B060;
	s7 =	simm.s32 $0x0;
	vm1 =	vlt.s32 v2, $0x1B000;
	vm0 =	vmmov vm0;
	[tilespmem:v7+s2+$0x0] =	vst.idx.add.f32.msk vm3, v8  }
.LBB2_13:
0xd1: {  	v7 =	vld [tilespmem:s8+$0x10];
	s7 =	sadd.s32 $0x40, s7  }
0xd2: {  	v8 =	vld [tilespmem:s8+$0xFFFFFFF0];
	p0 =	slt.u32 s7, $0x7C0  }
0xd3: {  	v9 =	vld [tilespmem:s8+$0x0];
	v10 =	vmov v6  }
0xd4: {  	v6 =	vld [tilespmem:s8+$0xFFFFFFE0]  }
0xd5: {  	[tilespmem:v5+s2+$0x0] =	vst.idx.add.f32.msk vm2, v3  }
0xd6: {  	s6 =	sadd.s32 $0x40, s6;
	vm3 =	vlt.s32 v7, $0x1B000;
	[tilespmem:v2+s2+$0x0] =	vst.idx.add.f32.msk vm1, v4  }
0xd7: {  	vm1 =	vlt.s32 v8, $0x1B000;
	v11 =	vld [tilespmem:s6+$0x10];
	v2 =	vmov v8  }
.Ltmp6:
0xd8: {  	v3 =	vld [tilespmem:s6+$0xFFFFFFE0];
	vm4 =	vlt.s32 v9, $0x1B000;
	(pc) =	sbr.rel @p0 .LBB2_13-.Ltmp6, $4  }
0xd9: {  	vm2 =	vlt.s32 v6, $0x1B000;
	v4 =	vld [tilespmem:s6+$0xFFFFFFF0];
	v5 =	vmov v6  }
0xda: {  	v6 =	vld [tilespmem:s6+$0x0]  }
0xdb: {  	[tilespmem:v1+s2+$0x0] =	vst.idx.add.f32.msk vm0, v10;
	v1 =	vmov v9;
	vm0 =	vmmov vm4  }
0xdc: {  	s8 =	sadd.s32 $0x40, s8;
	[tilespmem:v7+s2+$0x0] =	vst.idx.add.f32.msk vm3, v11  }
0xdd: {  	_ =	sdelay $0x4  }
0xde: {  	[tilespmem:v5+s2+$0x0] =	vst.idx.add.f32.msk vm2, v3  }
0xdf: {  	[tilespmem:v2+s2+$0x0] =	vst.idx.add.f32.msk vm1, v4  }
0xe0: {  	[tilespmem:v1+s2+$0x0] =	vst.idx.add.f32.msk vm0, v6  }
0xe1: {  	[tilespmem:s25], [sflag:$0x1] =	stream.linear.gather [hbm4b:s12+s2], $0x800, $0x38;
	[tilespmem:$0x1D000] =	vst v63  }
0xe2: {  	_ = 	snop  }
0xe3: {  	[tilespmem:s29], [sflag:$0x1] =	stream.strided.gather [hbm4b:s13+s26], $0x800, s28, s26, $0x38;
	[tilespmem:$0x1D000] =	vst v63  }
0xe4: {  	_ =	swait.ge [sflag:s0], $0x800  }
0xe5: {  	[sflag:s0] =	ssyncset.done $0x0  }
0xe6: {  	[sflag:s0] =	ssyncadd.s32 $0xFFFFF800  }
0xe7: {  	_ =	swait.ge [sflag:s0], $0x800  }
0xe8: {  	[sflag:s0] =	ssyncset.done $0x0  }
0xe9: {  	s7 =	simm.s32 $0x1C020;
	[sflag:s0] =	ssyncadd.s32 $0xFFFFF800  }
0xea: {  	v7 =	vld [tilespmem:s7+$0x10];
	_ =	sdelay $0x2  }
0xeb: {  	v2 =	vld [tilespmem:s7+$0xFFFFFFF0]  }
0xec: {  	v1 =	vld [tilespmem:s7+$0x0]  }
0xed: {  	s6 =	simm.s32 $0x1C820;
	v5 =	vld [tilespmem:s7+$0xFFFFFFE0];
	vm3 =	vlt.s32 v7, $0x1B000  }
0xee: {  	v8 =	vld [tilespmem:s6+$0x10];
	_ =	sdelay $0x1  }
0xef: {  	v3 =	vld [tilespmem:s6+$0xFFFFFFE0]  }
0xf0: {  	v6 =	vld [tilespmem:s6+$0x0]  }
0xf1: {  	v4 =	vld [tilespmem:s6+$0xFFFFFFF0];
	vm0 =	vlt.s32 v1, $0x1B000;
	vm2 =	vlt.s32 v5, $0x1B000  }
0xf2: {  	s8 =	simm.s32 $0x1C060;
	s7 =	simm.s32 $0x0;
	vm1 =	vlt.s32 v2, $0x1B000;
	vm0 =	vmmov vm0;
	[tilespmem:v7+s2+$0x0] =	vst.idx.add.f32.msk vm3, v8  }
.LBB2_15:
0xf3: {  	v7 =	vld [tilespmem:s8+$0x10];
	s7 =	sadd.s32 $0x40, s7  }
0xf4: {  	v8 =	vld [tilespmem:s8+$0xFFFFFFF0];
	p0 =	slt.u32 s7, $0x7C0  }
0xf5: {  	v9 =	vld [tilespmem:s8+$0x0];
	v10 =	vmov v6  }
0xf6: {  	v6 =	vld [tilespmem:s8+$0xFFFFFFE0]  }
0xf7: {  	[tilespmem:v5+s2+$0x0] =	vst.idx.add.f32.msk vm2, v3  }
0xf8: {  	s6 =	sadd.s32 $0x40, s6;
	vm3 =	vlt.s32 v7, $0x1B000;
	[tilespmem:v2+s2+$0x0] =	vst.idx.add.f32.msk vm1, v4  }
0xf9: {  	vm1 =	vlt.s32 v8, $0x1B000;
	v11 =	vld [tilespmem:s6+$0x10];
	v2 =	vmov v8  }
.Ltmp7:
0xfa: {  	v3 =	vld [tilespmem:s6+$0xFFFFFFE0];
	vm4 =	vlt.s32 v9, $0x1B000;
	(pc) =	sbr.rel @p0 .LBB2_15-.Ltmp7, $4  }
0xfb: {  	vm2 =	vlt.s32 v6, $0x1B000;
	v4 =	vld [tilespmem:s6+$0xFFFFFFF0];
	v5 =	vmov v6  }
0xfc: {  	v6 =	vld [tilespmem:s6+$0x0]  }
0xfd: {  	[tilespmem:v1+s2+$0x0] =	vst.idx.add.f32.msk vm0, v10;
	v1 =	vmov v9;
	vm0 =	vmmov vm4  }
0xfe: {  	s8 =	sadd.s32 $0x40, s8;
	[tilespmem:v7+s2+$0x0] =	vst.idx.add.f32.msk vm3, v11  }
0xff: {  	_ =	sdelay $0x4  }
0x100: {  	[tilespmem:v5+s2+$0x0] =	vst.idx.add.f32.msk vm2, v3  }
0x101: {  	[tilespmem:v2+s2+$0x0] =	vst.idx.add.f32.msk vm1, v4  }
0x102: {  	[tilespmem:v1+s2+$0x0] =	vst.idx.add.f32.msk vm0, v6  }
0x103: {  	[tilespmem:s30], [sflag:$0x2] =	stream.linear.gather [hbm4b:s14+s2], $0x800, $0x38;
	[tilespmem:$0x1D000] =	vst v63  }
0x104: {  	_ = 	snop  }
0x105: {  	[tilespmem:s31], [sflag:$0x2] =	stream.strided.gather [hbm4b:s15+s26], $0x800, s28, s26, $0x38;
	[tilespmem:$0x1D000] =	vst v63  }
0x106: {  	_ =	swait.ge [sflag:s1], $0x800  }
0x107: {  	[sflag:s1] =	ssyncset.done $0x0  }
0x108: {  	[sflag:s1] =	ssyncadd.s32 $0xFFFFF800  }
0x109: {  	_ =	swait.ge [sflag:s1], $0x800  }
0x10a: {  	[sflag:s1] =	ssyncset.done $0x0  }
0x10b: {  	s7 =	simm.s32 $0x1B020;
	[sflag:s1] =	ssyncadd.s32 $0xFFFFF800  }
0x10c: {  	v7 =	vld [tilespmem:s7+$0x10];
	_ =	sdelay $0x2  }
0x10d: {  	v2 =	vld [tilespmem:s7+$0xFFFFFFF0]  }
0x10e: {  	v1 =	vld [tilespmem:s7+$0x0]  }
0x10f: {  	s6 =	simm.s32 $0x1B820;
	v5 =	vld [tilespmem:s7+$0xFFFFFFE0];
	vm3 =	vlt.s32 v7, $0x1B000  }
0x110: {  	v8 =	vld [tilespmem:s6+$0x10];
	_ =	sdelay $0x1  }
0x111: {  	v3 =	vld [tilespmem:s6+$0xFFFFFFE0]  }
0x112: {  	v6 =	vld [tilespmem:s6+$0x0]  }
0x113: {  	v4 =	vld [tilespmem:s6+$0xFFFFFFF0];
	vm0 =	vlt.s32 v1, $0x1B000;
	vm2 =	vlt.s32 v5, $0x1B000  }
0x114: {  	s8 =	simm.s32 $0x1B060;
	s7 =	simm.s32 $0x0;
	vm1 =	vlt.s32 v2, $0x1B000;
	vm0 =	vmmov vm0;
	[tilespmem:v7+s2+$0x0] =	vst.idx.add.f32.msk vm3, v8  }
.LBB2_17:
0x115: {  	v7 =	vld [tilespmem:s8+$0x10];
	s7 =	sadd.s32 $0x40, s7  }
0x116: {  	v8 =	vld [tilespmem:s8+$0xFFFFFFF0];
	p0 =	slt.u32 s7, $0x7C0  }
0x117: {  	v9 =	vld [tilespmem:s8+$0x0];
	v10 =	vmov v6  }
0x118: {  	v6 =	vld [tilespmem:s8+$0xFFFFFFE0]  }
0x119: {  	[tilespmem:v5+s2+$0x0] =	vst.idx.add.f32.msk vm2, v3  }
0x11a: {  	s6 =	sadd.s32 $0x40, s6;
	vm3 =	vlt.s32 v7, $0x1B000;
	[tilespmem:v2+s2+$0x0] =	vst.idx.add.f32.msk vm1, v4  }
0x11b: {  	vm1 =	vlt.s32 v8, $0x1B000;
	v11 =	vld [tilespmem:s6+$0x10];
	v2 =	vmov v8  }
.Ltmp8:
0x11c: {  	v3 =	vld [tilespmem:s6+$0xFFFFFFE0];
	vm4 =	vlt.s32 v9, $0x1B000;
	(pc) =	sbr.rel @p0 .LBB2_17-.Ltmp8, $4  }
0x11d: {  	vm2 =	vlt.s32 v6, $0x1B000;
	v4 =	vld [tilespmem:s6+$0xFFFFFFF0];
	v5 =	vmov v6  }
0x11e: {  	v6 =	vld [tilespmem:s6+$0x0]  }
0x11f: {  	[tilespmem:v1+s2+$0x0] =	vst.idx.add.f32.msk vm0, v10;
	v1 =	vmov v9;
	vm0 =	vmmov vm4  }
0x120: {  	s8 =	sadd.s32 $0x40, s8;
	[tilespmem:v7+s2+$0x0] =	vst.idx.add.f32.msk vm3, v11  }
0x121: {  	_ =	sdelay $0x4  }
0x122: {  	[tilespmem:v5+s2+$0x0] =	vst.idx.add.f32.msk vm2, v3  }
0x123: {  	[tilespmem:v2+s2+$0x0] =	vst.idx.add.f32.msk vm1, v4  }
0x124: {  	[tilespmem:v1+s2+$0x0] =	vst.idx.add.f32.msk vm0, v6  }
0x125: {  	[tilespmem:s25], [sflag:$0x1] =	stream.linear.gather [hbm4b:s16+s2], $0x800, $0x38;
	[tilespmem:$0x1D000] =	vst v63  }
0x126: {  	_ = 	snop  }
0x127: {  	[tilespmem:s29], [sflag:$0x1] =	stream.strided.gather [hbm4b:s17+s26], $0x800, s28, s26, $0x38;
	[tilespmem:$0x1D000] =	vst v63  }
0x128: {  	_ =	swait.ge [sflag:s0], $0x800  }
0x129: {  	[sflag:s0] =	ssyncset.done $0x0  }
0x12a: {  	[sflag:s0] =	ssyncadd.s32 $0xFFFFF800  }
0x12b: {  	_ =	swait.ge [sflag:s0], $0x800  }
0x12c: {  	[sflag:s0] =	ssyncset.done $0x0  }
0x12d: {  	s7 =	simm.s32 $0x1C020;
	[sflag:s0] =	ssyncadd.s32 $0xFFFFF800  }
0x12e: {  	v7 =	vld [tilespmem:s7+$0x10];
	_ =	sdelay $0x2  }
0x12f: {  	v2 =	vld [tilespmem:s7+$0xFFFFFFF0]  }
0x130: {  	v1 =	vld [tilespmem:s7+$0x0]  }
0x131: {  	s6 =	simm.s32 $0x1C820;
	v5 =	vld [tilespmem:s7+$0xFFFFFFE0];
	vm3 =	vlt.s32 v7, $0x1B000  }
0x132: {  	v8 =	vld [tilespmem:s6+$0x10];
	_ =	sdelay $0x1  }
0x133: {  	v3 =	vld [tilespmem:s6+$0xFFFFFFE0]  }
0x134: {  	v6 =	vld [tilespmem:s6+$0x0]  }
0x135: {  	v4 =	vld [tilespmem:s6+$0xFFFFFFF0];
	vm0 =	vlt.s32 v1, $0x1B000;
	vm2 =	vlt.s32 v5, $0x1B000  }
0x136: {  	s8 =	simm.s32 $0x1C060;
	s7 =	simm.s32 $0x0;
	vm1 =	vlt.s32 v2, $0x1B000;
	vm0 =	vmmov vm0;
	[tilespmem:v7+s2+$0x0] =	vst.idx.add.f32.msk vm3, v8  }
.LBB2_19:
0x137: {  	v7 =	vld [tilespmem:s8+$0x10];
	s7 =	sadd.s32 $0x40, s7  }
0x138: {  	v8 =	vld [tilespmem:s8+$0xFFFFFFF0];
	p0 =	slt.u32 s7, $0x7C0  }
0x139: {  	v9 =	vld [tilespmem:s8+$0x0];
	v10 =	vmov v6  }
0x13a: {  	v6 =	vld [tilespmem:s8+$0xFFFFFFE0]  }
0x13b: {  	[tilespmem:v5+s2+$0x0] =	vst.idx.add.f32.msk vm2, v3  }
0x13c: {  	s6 =	sadd.s32 $0x40, s6;
	vm3 =	vlt.s32 v7, $0x1B000;
	[tilespmem:v2+s2+$0x0] =	vst.idx.add.f32.msk vm1, v4  }
0x13d: {  	vm1 =	vlt.s32 v8, $0x1B000;
	v11 =	vld [tilespmem:s6+$0x10];
	v2 =	vmov v8  }
.Ltmp9:
0x13e: {  	v3 =	vld [tilespmem:s6+$0xFFFFFFE0];
	vm4 =	vlt.s32 v9, $0x1B000;
	(pc) =	sbr.rel @p0 .LBB2_19-.Ltmp9, $4  }
0x13f: {  	vm2 =	vlt.s32 v6, $0x1B000;
	v4 =	vld [tilespmem:s6+$0xFFFFFFF0];
	v5 =	vmov v6  }
0x140: {  	v6 =	vld [tilespmem:s6+$0x0]  }
0x141: {  	[tilespmem:v1+s2+$0x0] =	vst.idx.add.f32.msk vm0, v10;
	v1 =	vmov v9;
	vm0 =	vmmov vm4  }
0x142: {  	s8 =	sadd.s32 $0x40, s8;
	[tilespmem:v7+s2+$0x0] =	vst.idx.add.f32.msk vm3, v11  }
0x143: {  	_ =	sdelay $0x4  }
0x144: {  	[tilespmem:v5+s2+$0x0] =	vst.idx.add.f32.msk vm2, v3  }
0x145: {  	[tilespmem:v2+s2+$0x0] =	vst.idx.add.f32.msk vm1, v4  }
0x146: {  	[tilespmem:v1+s2+$0x0] =	vst.idx.add.f32.msk vm0, v6  }
0x147: {  	[tilespmem:s30], [sflag:$0x2] =	stream.linear.gather [hbm4b:s18+s2], $0x800, $0x38;
	[tilespmem:$0x1D000] =	vst v63  }
0x148: {  	_ = 	snop  }
0x149: {  	[tilespmem:s31], [sflag:$0x2] =	stream.strided.gather [hbm4b:s19+s26], $0x800, s28, s26, $0x38;
	[tilespmem:$0x1D000] =	vst v63  }
0x14a: {  	_ =	swait.ge [sflag:s1], $0x800  }
0x14b: {  	[sflag:s1] =	ssyncset.done $0x0  }
0x14c: {  	[sflag:s1] =	ssyncadd.s32 $0xFFFFF800  }
0x14d: {  	_ =	swait.ge [sflag:s1], $0x800  }
0x14e: {  	[sflag:s1] =	ssyncset.done $0x0  }
0x14f: {  	s7 =	simm.s32 $0x1B020;
	[sflag:s1] =	ssyncadd.s32 $0xFFFFF800  }
0x150: {  	v7 =	vld [tilespmem:s7+$0x10];
	_ =	sdelay $0x2  }
0x151: {  	v2 =	vld [tilespmem:s7+$0xFFFFFFF0]  }
0x152: {  	v1 =	vld [tilespmem:s7+$0x0]  }
0x153: {  	s6 =	simm.s32 $0x1B820;
	v5 =	vld [tilespmem:s7+$0xFFFFFFE0];
	vm3 =	vlt.s32 v7, $0x1B000  }
0x154: {  	v8 =	vld [tilespmem:s6+$0x10];
	_ =	sdelay $0x1  }
0x155: {  	v3 =	vld [tilespmem:s6+$0xFFFFFFE0]  }
0x156: {  	v6 =	vld [tilespmem:s6+$0x0]  }
0x157: {  	v4 =	vld [tilespmem:s6+$0xFFFFFFF0];
	vm0 =	vlt.s32 v1, $0x1B000;
	vm2 =	vlt.s32 v5, $0x1B000  }
0x158: {  	s8 =	simm.s32 $0x1B060;
	s7 =	simm.s32 $0x0;
	vm1 =	vlt.s32 v2, $0x1B000;
	vm0 =	vmmov vm0;
	[tilespmem:v7+s2+$0x0] =	vst.idx.add.f32.msk vm3, v8  }
.LBB2_21:
0x159: {  	v7 =	vld [tilespmem:s8+$0x10];
	s7 =	sadd.s32 $0x40, s7  }
0x15a: {  	v8 =	vld [tilespmem:s8+$0xFFFFFFF0];
	p0 =	slt.u32 s7, $0x7C0  }
0x15b: {  	v9 =	vld [tilespmem:s8+$0x0];
	v10 =	vmov v6  }
0x15c: {  	v6 =	vld [tilespmem:s8+$0xFFFFFFE0]  }
0x15d: {  	[tilespmem:v5+s2+$0x0] =	vst.idx.add.f32.msk vm2, v3  }
0x15e: {  	s6 =	sadd.s32 $0x40, s6;
	vm3 =	vlt.s32 v7, $0x1B000;
	[tilespmem:v2+s2+$0x0] =	vst.idx.add.f32.msk vm1, v4  }
0x15f: {  	vm1 =	vlt.s32 v8, $0x1B000;
	v11 =	vld [tilespmem:s6+$0x10];
	v2 =	vmov v8  }
.Ltmp10:
0x160: {  	v3 =	vld [tilespmem:s6+$0xFFFFFFE0];
	vm4 =	vlt.s32 v9, $0x1B000;
	(pc) =	sbr.rel @p0 .LBB2_21-.Ltmp10, $4  }
0x161: {  	vm2 =	vlt.s32 v6, $0x1B000;
	v4 =	vld [tilespmem:s6+$0xFFFFFFF0];
	v5 =	vmov v6  }
0x162: {  	v6 =	vld [tilespmem:s6+$0x0]  }
0x163: {  	[tilespmem:v1+s2+$0x0] =	vst.idx.add.f32.msk vm0, v10;
	v1 =	vmov v9;
	vm0 =	vmmov vm4  }
0x164: {  	s8 =	sadd.s32 $0x40, s8;
	[tilespmem:v7+s2+$0x0] =	vst.idx.add.f32.msk vm3, v11  }
0x165: {  	_ =	sdelay $0x4  }
0x166: {  	[tilespmem:v5+s2+$0x0] =	vst.idx.add.f32.msk vm2, v3  }
0x167: {  	[tilespmem:v2+s2+$0x0] =	vst.idx.add.f32.msk vm1, v4  }
0x168: {  	[tilespmem:v1+s2+$0x0] =	vst.idx.add.f32.msk vm0, v6  }
0x169: {  	_ =	swait.ge [sflag:s0], $0x800  }
0x16a: {  	[sflag:s0] =	ssyncset.done $0x0  }
0x16b: {  	[sflag:s0] =	ssyncadd.s32 $0xFFFFF800  }
0x16c: {  	_ =	swait.ge [sflag:s0], $0x800  }
0x16d: {  	[sflag:s0] =	ssyncset.done $0x0  }
0x16e: {  	s7 =	simm.s32 $0x1C020;
	[sflag:s0] =	ssyncadd.s32 $0xFFFFF800  }
0x16f: {  	v7 =	vld [tilespmem:s7+$0x10];
	_ =	sdelay $0x2  }
0x170: {  	v2 =	vld [tilespmem:s7+$0xFFFFFFF0]  }
0x171: {  	v1 =	vld [tilespmem:s7+$0x0]  }
0x172: {  	s6 =	simm.s32 $0x1C820;
	v5 =	vld [tilespmem:s7+$0xFFFFFFE0];
	vm3 =	vlt.s32 v7, $0x1B000  }
0x173: {  	v8 =	vld [tilespmem:s6+$0x10];
	_ =	sdelay $0x1  }
0x174: {  	v3 =	vld [tilespmem:s6+$0xFFFFFFE0]  }
0x175: {  	v6 =	vld [tilespmem:s6+$0x0]  }
0x176: {  	v4 =	vld [tilespmem:s6+$0xFFFFFFF0];
	vm0 =	vlt.s32 v1, $0x1B000;
	vm2 =	vlt.s32 v5, $0x1B000  }
0x177: {  	s8 =	simm.s32 $0x1C060;
	s7 =	simm.s32 $0x0;
	vm1 =	vlt.s32 v2, $0x1B000;
	vm0 =	vmmov vm0;
	[tilespmem:v7+s2+$0x0] =	vst.idx.add.f32.msk vm3, v8  }
.LBB2_23:
0x178: {  	v7 =	vld [tilespmem:s8+$0x10];
	s7 =	sadd.s32 $0x40, s7  }
0x179: {  	v8 =	vld [tilespmem:s8+$0xFFFFFFF0];
	p0 =	slt.u32 s7, $0x7C0  }
0x17a: {  	v9 =	vld [tilespmem:s8+$0x0];
	v10 =	vmov v6  }
0x17b: {  	v6 =	vld [tilespmem:s8+$0xFFFFFFE0]  }
0x17c: {  	[tilespmem:v5+s2+$0x0] =	vst.idx.add.f32.msk vm2, v3  }
0x17d: {  	s6 =	sadd.s32 $0x40, s6;
	vm3 =	vlt.s32 v7, $0x1B000;
	[tilespmem:v2+s2+$0x0] =	vst.idx.add.f32.msk vm1, v4  }
0x17e: {  	vm1 =	vlt.s32 v8, $0x1B000;
	v11 =	vld [tilespmem:s6+$0x10];
	v2 =	vmov v8  }
.Ltmp11:
0x17f: {  	v3 =	vld [tilespmem:s6+$0xFFFFFFE0];
	vm4 =	vlt.s32 v9, $0x1B000;
	(pc) =	sbr.rel @p0 .LBB2_23-.Ltmp11, $4  }
0x180: {  	vm2 =	vlt.s32 v6, $0x1B000;
	v4 =	vld [tilespmem:s6+$0xFFFFFFF0];
	v5 =	vmov v6  }
0x181: {  	v6 =	vld [tilespmem:s6+$0x0]  }
0x182: {  	[tilespmem:v1+s2+$0x0] =	vst.idx.add.f32.msk vm0, v10;
	v1 =	vmov v9;
	vm0 =	vmmov vm4  }
0x183: {  	s8 =	sadd.s32 $0x40, s8;
	[tilespmem:v7+s2+$0x0] =	vst.idx.add.f32.msk vm3, v11  }
0x184: {  	_ =	sdelay $0x4  }
0x185: {  	[tilespmem:v5+s2+$0x0] =	vst.idx.add.f32.msk vm2, v3;
	s5 =	sadd.s32 $0x1, s5  }
0x186: {  	[tilespmem:v2+s2+$0x0] =	vst.idx.add.f32.msk vm1, v4;
	p0 =	sne.s32 s5, s24  }
.Ltmp12:
0x187: {  	[tilespmem:v1+s2+$0x0] =	vst.idx.add.f32.msk vm0, v6;
	(pc) =	sbr.rel @p0 .LBB2_2-.Ltmp12, $4  }
0x188: {  	[hbm4b:s21+s26] =	stream.strided.scatter [tilespmem:s2], [sflag:$0x3], $0x1B000, s28, s26, $0x38;
	[tilespmem:$0x1D000] =	vst v63  }
0x189: {  	_ =	swait.ge [sflag:s4], $0x1B000  }
0x18a: {  	[sflag:s4] =	ssyncset.done $0x0  }
0x18b: {  	[sflag:s4] =	ssyncadd.s32 $0xFFFE5000  }
.LBB2_25:
0x18c: {  	_ =	sfence.sel $0x180000  }
0x18d: {  	[bflag:$0x0] =	sbarrier.arrive $0xFFFF  }
0x18e: {  	_ =	strace $0x90000047  }
0x18f: {  	s0 =	stileid.u32;
	[bflag:$0x2] =	sbarrier.arrive $0xFFFF  }
0x190: {  	p0 =	sne.s32 s0, $0x0;
	s0 =	rddreg [dreg:$0x2]  }
0x191: {  	s0 =	sadd.s32 @!p0 $0x100000, s0  }
0x192: {  	[sflag:s0] =	ssyncadd.tile.s32 @!p0 $0x1;
	_ =	shalt  }
.Lfunc_end2:
_tile_overlayer_lowered:
.L_overlay_start_2:
0x193: {  	(tag) =	ssettag $0x2  }
0x194: {  	s0 =	rddreg [dreg:$0x0];
	s2 =	stileid.u32  }
0x195: {  	s1 =	rddreg [dreg:$0x1];
	p0 =	sne.s32 s2, $0x0  }
0x196: {  	s3 =	rddreg [dreg:$0x2];
	[bflag:$0x3] =	sbarrier.arrive $0xFFFF;
	s2 =	simm.s32 @!p0 $0x1C03  }
0x197: {  	[timem:s3], [sflag:s2] =	dma.local @!p0 [hbm:s0], s1  }
0x198: {  	s0 =	simm.s32 @!p0 $0x3  }
0x199: {  	_ =	swait.ge @!p0 [sflag:s0], s1  }
0x19a: {  	s1 =	ssub.s32 @!p0 $0x0, s1;
	[sflag:s0] =	ssyncset.done @!p0 $0x0  }
0x19b: {  	[sflag:s0] =	ssyncadd.s32 @!p0 s1  }
0x19c: {  	[bflag:$0x3] =	sbarrier.arrive $0xFFFF  }
0x19d: {  	_ =	shalt  }

</sc_bundles>
